<compile_context>
chip_gen: v7x
topology: tpu7x:2x2x1
jax: 0.10.2.dev20260603
libtpu: 0.0.44.dev20260713+nightly
codegen_flags: <defaults>
</compile_context>

<pallas_src>
import functools

import jax
import jax.numpy as jnp
from jax import lax
from jax.experimental import pallas as pl
from jax.experimental.pallas import tpu as pltpu
from jax.experimental.pallas import tpu_sc as plsc

N = 10000
HID = 64
NDIM = 128
LAYERS = 3
E = 320000
ATTS = 16

NC = 2
NS = 16
CHUNK = 128
NP = 10112
RPT = NP // NS
G = -(-E // (NS * CHUNK))
EP = G * CHUNK * NS


def _sc_mesh():
    return plsc.VectorSubcoreMesh(
        core_axis_name="c", subcore_axis_name="s", num_cores=NC,
        num_subcores=NS)


def _rd(x):
    return x.astype(jnp.bfloat16).astype(jnp.float32)


def _scatter_body(h2cat, gidx, sidx, zed, out, gi_v, si_v, rows, acc, sem):
    c = lax.axis_index("c")
    s = lax.axis_index("s")
    pltpu.sync_copy(zed.at[pl.ds(s * RPT, RPT)], acc.at[pl.ds(s * RPT, RPT)])
    pltpu.sync_copy(gidx.at[c, s], gi_v)
    pltpu.sync_copy(sidx.at[c, s], si_v)
    plsc.subcore_barrier()

    def body(g, carry):
        pltpu.async_copy(h2cat.at[gi_v.at[g]], rows, sem).wait()
        pltpu.sync_copy(rows, acc.at[si_v.at[g]], add=True)
        return carry

    lax.fori_loop(0, G, body, 0)
    plsc.subcore_barrier()
    pltpu.sync_copy(acc.at[pl.ds(s * RPT, RPT)],
                    out.at[c, pl.ds(s * RPT, RPT)])


_SCATTER = pl.kernel(
    _scatter_body,
    out_type=jax.ShapeDtypeStruct((NC, NP, HID), jnp.float32),
    mesh=_sc_mesh(),
    scratch_types=[
        pltpu.VMEM((G, CHUNK), jnp.int32),
        pltpu.VMEM((G, CHUNK), jnp.int32),
        pltpu.VMEM((CHUNK, HID), jnp.float32),
        pltpu.VMEM_SHARED((NP, HID), jnp.float32),
        pltpu.SemaphoreType.DMA,
    ],
    compiler_params=pltpu.CompilerParams(use_tc_tiling_on_sc=False),
)


def _msg_body(h_ref, wma_ref, out_ref):
    out_ref[0] = jnp.dot(_rd(h_ref[0]), _rd(wma_ref[0]),
                         preferred_element_type=jnp.float32,
                         precision=lax.Precision.HIGHEST)


def _msg_call(h2, wma2):
    return pl.pallas_call(
        _msg_body,
        grid=(NC,),
        in_specs=[
            pl.BlockSpec((1, NP, HID), lambda d: (d, 0, 0)),
            pl.BlockSpec((1, HID, NDIM), lambda d: (d, 0, 0)),
        ],
        out_specs=pl.BlockSpec((1, NP, NDIM), lambda d: (d, 0, 0)),
        out_shape=jax.ShapeDtypeStruct((NC, NP, NDIM), jnp.float32),
    )(h2, wma2)


def _deg_body(sidx, ones_h, zed16, out, si_v, ones_v, acc):
    c = lax.axis_index("c")
    s = lax.axis_index("s")
    pltpu.sync_copy(zed16.at[pl.ds(s * RPT, RPT)], acc.at[pl.ds(s * RPT, RPT)])
    pltpu.sync_copy(sidx.at[c, s], si_v)
    pltpu.sync_copy(ones_h, ones_v)
    plsc.subcore_barrier()

    def body(g, carry):
        pltpu.sync_copy(ones_v, acc.at[si_v.at[g]], add=True)
        return carry

    lax.fori_loop(0, G, body, 0)
    plsc.subcore_barrier()
    pltpu.sync_copy(acc.at[pl.ds(s * RPT, RPT)],
                    out.at[c, pl.ds(s * RPT, RPT)])


_DEG = pl.kernel(
    _deg_body,
    out_type=jax.ShapeDtypeStruct((NC, NP, 16), jnp.float32),
    mesh=_sc_mesh(),
    scratch_types=[
        pltpu.VMEM((G, CHUNK), jnp.int32),
        pltpu.VMEM((CHUNK, 16), jnp.float32),
        pltpu.VMEM_SHARED((NP, 16), jnp.float32),
    ],
    compiler_params=pltpu.CompilerParams(use_tc_tiling_on_sc=False),
)


def _h0_body(atts_ref, emb_ref, out_ref):
    atts = atts_ref[0]
    emb = emb_ref[...]
    acc = jnp.zeros((NP, HID), jnp.float32)
    for a in range(ATTS):
        acc = acc + jnp.where(atts == a, 1.0, 0.0) * emb[a:a + 1]
    out_ref[0] = acc


def _h0_call(atts2, emb):
    return pl.pallas_call(
        _h0_body,
        grid=(NC,),
        in_specs=[
            pl.BlockSpec((1, NP, 1), lambda d: (d, 0, 0)),
            pl.BlockSpec((ATTS, HID), lambda d: (0, 0)),
        ],
        out_specs=pl.BlockSpec((1, NP, HID), lambda d: (d, 0, 0)),
        out_shape=jax.ShapeDtypeStruct((NC, NP, HID), jnp.float32),
    )(atts2, emb)


BR = NP // 8


def _dense_body(h_ref, s_ref, deg_ref, wmb_ref, bm_ref, wih_ref,
                whh_ref, bias_ref, out_ref):
    h = h_ref[0]
    S = s_ref[0]
    deg = deg_ref[0]
    wmb = wmb_ref[0]
    bm = bm_ref[0, 0:1]
    wih = wih_ref[0]
    whh = whh_ref[0]
    bias = bias_ref[0]

    dot = functools.partial(jnp.dot, preferred_element_type=jnp.float32,
                            precision=lax.Precision.HIGHEST)
    v = dot(_rd(h), _rd(wmb))
    aggr = S + deg * (v + bm)

    aggr_r = _rd(aggr)
    hr = _rd(h)
    gi_r = dot(aggr_r, wih[0])
    gi_z = dot(aggr_r, wih[1])
    gi_n = dot(aggr_r, wih[2])
    gh_r = dot(hr, whh[0])
    gh_z = dot(hr, whh[1])
    gh_n = dot(hr, whh[2])

    r = jax.nn.sigmoid(gi_r + gh_r + bias[0:1])
    z = jax.nn.sigmoid(gi_z + gh_z + bias[1:2])
    n = jnp.tanh(gi_n + bias[2:3] + r * (gh_n + bias[3:4]))
    out_ref[0] = (1.0 - z) * n + z * h


def _dense_call(h2, S2, deg2, wmb2, bm2, wih2, whh2, bias2):
    return pl.pallas_call(
        _dense_body,
        grid=(NC, NP // BR),
        in_specs=[
            pl.BlockSpec((1, BR, HID), lambda d, i: (d, i, 0)),
            pl.BlockSpec((1, BR, NDIM), lambda d, i: (d, i, 0)),
            pl.BlockSpec((1, BR, 1), lambda d, i: (d, i, 0)),
            pl.BlockSpec((1, HID, NDIM), lambda d, i: (d, 0, 0)),
            pl.BlockSpec((1, 8, NDIM), lambda d, i: (d, 0, 0)),
            pl.BlockSpec((1, 3, NDIM, HID), lambda d, i: (d, 0, 0, 0)),
            pl.BlockSpec((1, 3, HID, HID), lambda d, i: (d, 0, 0, 0)),
            pl.BlockSpec((1, 8, HID), lambda d, i: (d, 0, 0)),
        ],
        out_specs=pl.BlockSpec((1, BR, HID), lambda d, i: (d, i, 0)),
        out_shape=jax.ShapeDtypeStruct((NC, NP, HID), jnp.float32),
    )(h2, S2, deg2, wmb2, bm2, wih2, whh2, bias2)


def _prep_layer(l, msg_w_f, msg_b_f, wih_f, whh_f, bih_f, bhh_f,
                msg_w_b, msg_b_b, wih_b, whh_b, bih_b, bhh_b):
    def one(msg_w, msg_b, wih, whh, bih, bhh):
        wma = msg_w[l][:, :HID].T
        wmb = msg_w[l][:, HID:].T
        bm = jnp.zeros((8, NDIM), jnp.float32).at[0].set(msg_b[l])
        wih3 = _rd(wih[l].reshape(3, HID, NDIM).transpose(0, 2, 1))
        whh3 = _rd(whh[l].reshape(3, HID, HID).transpose(0, 2, 1))
        bi = bih[l].reshape(3, HID)
        bh = bhh[l].reshape(3, HID)
        bias = jnp.zeros((8, HID), jnp.float32)
        bias = bias.at[0].set(bi[0] + bh[0])
        bias = bias.at[1].set(bi[1] + bh[1])
        bias = bias.at[2].set(bi[2])
        bias = bias.at[3].set(bh[2])
        return wma, wmb, bm, wih3, whh3, bias

    f = one(msg_w_f, msg_b_f, wih_f, whh_f, bih_f, bhh_f)
    b = one(msg_w_b, msg_b_b, wih_b, whh_b, bih_b, bhh_b)
    return tuple(jnp.stack([x, y]) for x, y in zip(f, b))


def kernel(edge_index, node_atts, emb, msg_w_f, msg_b_f, gru_wih_f,
           gru_whh_f, gru_bih_f, gru_bhh_f, msg_w_b, msg_b_b, gru_wih_b,
           gru_whh_b, gru_bih_b, gru_bhh_b):
    src = edge_index[0]
    dst = edge_index[1]
    pad = jnp.full((EP - E,), N, jnp.int32)
    srcp = jnp.concatenate([src, pad]).reshape(NS, G, CHUNK)
    dstp = jnp.concatenate([dst, pad]).reshape(NS, G, CHUNK)
    gidx = jnp.stack([srcp, dstp + NP])
    sidx = jnp.stack([dstp, srcp])

    atts_p = jnp.pad(node_atts, (0, NP - N)).reshape(1, NP, 1)
    atts2 = jnp.broadcast_to(atts_p, (NC, NP, 1))
    zed = jnp.zeros((NP, HID), jnp.float32)
    zed16 = jnp.zeros((NP, 16), jnp.float32)
    ones16 = jnp.ones((CHUNK, 16), jnp.float32)

    h2 = _h0_call(atts2, emb)
    deg2 = _DEG(sidx, ones16, zed16)[:, :, 0:1]

    for l in range(LAYERS):
        wma2, wmb2, bm2, wih2, whh2, bias2 = _prep_layer(
            l, msg_w_f, msg_b_f, gru_wih_f, gru_whh_f, gru_bih_f, gru_bhh_f,
            msg_w_b, msg_b_b, gru_wih_b, gru_whh_b, gru_bih_b, gru_bhh_b)
        u2 = _msg_call(h2, wma2)
        SL = _SCATTER(u2[:, :, :HID].reshape(NC * NP, HID), gidx, sidx, zed)
        SR = _SCATTER(u2[:, :, HID:].reshape(NC * NP, HID), gidx, sidx, zed)
        S2 = jnp.concatenate([SL, SR], axis=2)
        h2 = _dense_call(h2, S2, deg2, wmb2, bm2, wih2, whh2, bias2)

    return jnp.concatenate([h2[0, :N], h2[1, :N]], axis=1)

# --- scband reference (transcript-rebuilt; emitter-appended) ---
"""Pipeline reference for scband-node-emb-25563645346104 (READ-ONLY COPY).

The authoritative reference and input builder live on the scoring server;
editing this copy changes nothing except your own understanding.
"""

import jax, jax.numpy as jnp
import numpy as np

NDIM = 128
HID = 64
L = 3
N = 10000
E = 320000
ATTS = 16


def setup_inputs(seed: int = 0):
    key = jax.random.key(seed)
    ks = jax.random.split(key, 16)
    s_lin = 1.0 / np.sqrt(NDIM)
    s_hid = 1.0 / np.sqrt(HID)
    inp = {}
    inp['edge_index'] = jax.random.randint(ks[0], (2, E), 0, N, dtype=jnp.int32)
    inp['node_atts'] = jax.random.randint(ks[1], (N,), 0, ATTS, dtype=jnp.int32)
    inp['emb'] = jax.random.normal(ks[2], (ATTS, HID), dtype=jnp.float32) * 0.1
    inp['msg_w_f'] = jax.random.normal(ks[3], (L, NDIM, NDIM), dtype=jnp.float32) * s_lin
    inp['msg_b_f'] = jax.random.normal(ks[4], (L, NDIM), dtype=jnp.float32) * s_lin
    inp['gru_wih_f'] = jax.random.normal(ks[5], (L, 3 * HID, NDIM), dtype=jnp.float32) * s_hid
    inp['gru_whh_f'] = jax.random.normal(ks[6], (L, 3 * HID, HID), dtype=jnp.float32) * s_hid
    inp['gru_bih_f'] = jax.random.normal(ks[7], (L, 3 * HID), dtype=jnp.float32) * s_hid
    inp['gru_bhh_f'] = jax.random.normal(ks[8], (L, 3 * HID), dtype=jnp.float32) * s_hid
    inp['msg_w_b'] = jax.random.normal(ks[9], (L, NDIM, NDIM), dtype=jnp.float32) * s_lin
    inp['msg_b_b'] = jax.random.normal(ks[10], (L, NDIM), dtype=jnp.float32) * s_lin
    inp['gru_wih_b'] = jax.random.normal(ks[11], (L, 3 * HID, NDIM), dtype=jnp.float32) * s_hid
    inp['gru_whh_b'] = jax.random.normal(ks[12], (L, 3 * HID, HID), dtype=jnp.float32) * s_hid
    inp['gru_bih_b'] = jax.random.normal(ks[13], (L, 3 * HID), dtype=jnp.float32) * s_hid
    inp['gru_bhh_b'] = jax.random.normal(ks[14], (L, 3 * HID), dtype=jnp.float32) * s_hid
    return inp


def _gru_cell(x, h, Wih, Whh, bih, bhh):
    gi = x @ Wih.T + bih
    gh = h @ Whh.T + bhh
    i_r, i_z, i_n = jnp.split(gi, 3, axis=1)
    h_r, h_z, h_n = jnp.split(gh, 3, axis=1)
    r = jax.nn.sigmoid(i_r + h_r)
    z = jax.nn.sigmoid(i_z + h_z)
    n = jnp.tanh(i_n + r * h_n)
    return (1.0 - z) * n + z * h


def _gnn_layer(h, src, dst, Wm, bm, Wih, Whh, bih, bhh):
    # message: cat([h_j, h_i]) with j=src, i=dst, then Linear
    m = jnp.concatenate([h[src], h[dst]], axis=1)
    a = m @ Wm.T + bm
    # aggr='add' at target nodes i=dst
    aggr = jax.ops.segment_sum(a, dst, num_segments=h.shape[0])
    # update: GRUCell(aggr, h)
    return _gru_cell(aggr, h, Wih, Whh, bih, bhh)


def reference(edge_index, node_atts, emb, msg_w_f, msg_b_f, gru_wih_f, gru_whh_f, gru_bih_f, gru_bhh_f, msg_w_b, msg_b_b, gru_wih_b, gru_whh_b, gru_bih_b, gru_bhh_b):
    h0 = emb[node_atts]
    src = edge_index[0]
    dst = edge_index[1]
    h_fwd = h0
    for l in range(L):
        h_fwd = _gnn_layer(h_fwd, src, dst, msg_w_f[l], msg_b_f[l], gru_wih_f[l], gru_whh_f[l], gru_bih_f[l], gru_bhh_f[l])
    # backward direction: edge_index = edge_index[[1, 0]]
    h_bwd = h0
    for l in range(L):
        h_bwd = _gnn_layer(h_bwd, dst, src, msg_w_b[l], msg_b_b[l], gru_wih_b[l], gru_whh_b[l], gru_bih_b[l], gru_bhh_b[l])
    return jnp.concatenate([h_fwd, h_bwd], axis=1)

if __name__ == "__main__":
    import jax
    _d = setup_inputs()
    print(jax.jit(kernel)(*tuple(_d.values())))

</pallas_src>

<mosaic_0001>
#map = affine_map<(d0, d1) -> (0, 0)>
#map1 = affine_map<(d0, d1) -> (0, 0, 0, 0)>
#map2 = affine_map<(d0, d1) -> (0, 0, 0)>
module attributes {stable_mosaic.version = 14 : i64} {
  func.func @_scatter_body(%arg0: i32, %arg1: i32, %arg2: memref<20224x64xf32, #tpu.memory_space<hbm>>, %arg3: memref<2x16x157x128xi32, #tpu.memory_space<hbm>>, %arg4: memref<2x16x157x128xi32, #tpu.memory_space<hbm>>, %arg5: memref<10112x64xf32, #tpu.memory_space<hbm>>, %arg6: memref<2x10112x64xf32, #tpu.memory_space<hbm>>, %arg7: memref<157x128xi32, #tpu.memory_space<vmem>>, %arg8: memref<157x128xi32, #tpu.memory_space<vmem>>, %arg9: memref<128x64xf32, #tpu.memory_space<vmem>>, %arg10: memref<10112x64xf32, #tpu.memory_space<vmem_shared>>, %arg11: memref<!tpu.dma_semaphore, #tpu.memory_space<semaphore_mem>>) attributes {dimension_semantics = [#tpu.dimension_semantics<core_parallel>, #tpu.dimension_semantics<subcore_parallel>], iteration_bounds = array<i64: 2, 16>, scalar_prefetch = 0 : i64, scratch_operands = 5 : i64, tpu.core_type = #tpu.core_type<sc_vector_subcore>, window_params = [{transform_indices = #map}, {transform_indices = #map1}, {transform_indices = #map1}, {transform_indices = #map}, {transform_indices = #map2}]} {
    %mul3A = arith.constant 632 : i32
    %mul3A_0 = arith.muli %arg1, %mul3A : i32
    %mul3A_1 = arith.constant 632 : i32
    %mul3A_2 = arith.muli %arg1, %mul3A_1 : i32
    "tpu.region"() ({
      %run_scoped3A = tpu.sem_alloc : memref<!tpu.dma_semaphore, #tpu.memory_space<semaphore_mem>>
      %dma_start3A = arith.constant 0 : i32
      %dma_start3A_13 = tpu.memref_slice %arg10[%mul3A_2, %dma_start3A] : memref<10112x64xf32, #tpu.memory_space<vmem_shared>> -> memref<632x64xf32, #tpu.memory_space<vmem_shared>>
      %dma_start3A_14 = arith.constant 0 : i32
      %dma_start3A_15 = tpu.memref_slice %arg5[%mul3A_0, %dma_start3A_14] : memref<10112x64xf32, #tpu.memory_space<hbm>> -> memref<632x64xf32, #tpu.memory_space<hbm>>
      tpu.enqueue_dma source(%dma_start3A_15 : memref<632x64xf32, #tpu.memory_space<hbm>>) target(%dma_start3A_13 : memref<632x64xf32, #tpu.memory_space<vmem_shared>>) target_semaphore(%run_scoped3A : memref<!tpu.dma_semaphore, #tpu.memory_space<semaphore_mem>>)
      %dma_wait3A = arith.constant 0 : i32
      %dma_wait3A_16 = tpu.memref_slice %arg10[%mul3A_2, %dma_wait3A] : memref<10112x64xf32, #tpu.memory_space<vmem_shared>> -> memref<632x64xf32, #tpu.memory_space<vmem_shared>>
      %dma_wait3A_17 = arith.constant 0 : i32
      %dma_wait3A_18 = tpu.memref_slice %arg5[%mul3A_0, %dma_wait3A_17] : memref<10112x64xf32, #tpu.memory_space<hbm>> -> memref<632x64xf32, #tpu.memory_space<hbm>>
      tpu.wait_dma2 semaphore(%run_scoped3A : memref<!tpu.dma_semaphore, #tpu.memory_space<semaphore_mem>>) src(%dma_wait3A_18 : memref<632x64xf32, #tpu.memory_space<hbm>>) dst(%dma_wait3A_16 : memref<632x64xf32, #tpu.memory_space<vmem_shared>>)
      tpu.yield
    }) : () -> ()
    "tpu.region"() ({
      %run_scoped3A = tpu.sem_alloc : memref<!tpu.dma_semaphore, #tpu.memory_space<semaphore_mem>>
      %dma_start3A = arith.constant 0 : i32
      %dma_start3A_13 = arith.constant 0 : i32
      %dma_start3A_14 = tpu.memref_slice %arg3[%arg0, %arg1, %dma_start3A, %dma_start3A_13] : memref<2x16x157x128xi32, #tpu.memory_space<hbm>> -> memref<1x1x157x128xi32, #tpu.memory_space<hbm>>
      %dma_start3A_15 = tpu.memref_squeeze %dma_start3A_14 : memref<1x1x157x128xi32, #tpu.memory_space<hbm>> -> memref<157x128xi32, #tpu.memory_space<hbm>>
      %dma_start3A_16 = arith.constant 0 : i32
      %dma_start3A_17 = arith.constant 0 : i32
      %dma_start3A_18 = tpu.memref_slice %arg3[%arg0, %arg1, %dma_start3A_16, %dma_start3A_17] : memref<2x16x157x128xi32, #tpu.memory_space<hbm>> -> memref<1x1x157x128xi32, #tpu.memory_space<hbm>>
      %dma_start3A_19 = tpu.memref_squeeze %dma_start3A_18 : memref<1x1x157x128xi32, #tpu.memory_space<hbm>> -> memref<157x128xi32, #tpu.memory_space<hbm>>
      tpu.enqueue_dma source(%dma_start3A_19 : memref<157x128xi32, #tpu.memory_space<hbm>>) target(%arg7 : memref<157x128xi32, #tpu.memory_space<vmem>>) target_semaphore(%run_scoped3A : memref<!tpu.dma_semaphore, #tpu.memory_space<semaphore_mem>>)
      %dma_wait3A = arith.constant 0 : i32
      %dma_wait3A_20 = arith.constant 0 : i32
      %dma_wait3A_21 = tpu.memref_slice %arg3[%arg0, %arg1, %dma_wait3A, %dma_wait3A_20] : memref<2x16x157x128xi32, #tpu.memory_space<hbm>> -> memref<1x1x157x128xi32, #tpu.memory_space<hbm>>
      %dma_wait3A_22 = tpu.memref_squeeze %dma_wait3A_21 : memref<1x1x157x128xi32, #tpu.memory_space<hbm>> -> memref<157x128xi32, #tpu.memory_space<hbm>>
      %dma_wait3A_23 = arith.constant 0 : i32
      %dma_wait3A_24 = arith.constant 0 : i32
      %dma_wait3A_25 = tpu.memref_slice %arg3[%arg0, %arg1, %dma_wait3A_23, %dma_wait3A_24] : memref<2x16x157x128xi32, #tpu.memory_space<hbm>> -> memref<1x1x157x128xi32, #tpu.memory_space<hbm>>
      %dma_wait3A_26 = tpu.memref_squeeze %dma_wait3A_25 : memref<1x1x157x128xi32, #tpu.memory_space<hbm>> -> memref<157x128xi32, #tpu.memory_space<hbm>>
      tpu.wait_dma2 semaphore(%run_scoped3A : memref<!tpu.dma_semaphore, #tpu.memory_space<semaphore_mem>>) src(%dma_wait3A_26 : memref<157x128xi32, #tpu.memory_space<hbm>>) dst(%arg7 : memref<157x128xi32, #tpu.memory_space<vmem>>)
      tpu.yield
    }) : () -> ()
    "tpu.region"() ({
      %run_scoped3A = tpu.sem_alloc : memref<!tpu.dma_semaphore, #tpu.memory_space<semaphore_mem>>
      %dma_start3A = arith.constant 0 : i32
      %dma_start3A_13 = arith.constant 0 : i32
      %dma_start3A_14 = tpu.memref_slice %arg4[%arg0, %arg1, %dma_start3A, %dma_start3A_13] : memref<2x16x157x128xi32, #tpu.memory_space<hbm>> -> memref<1x1x157x128xi32, #tpu.memory_space<hbm>>
      %dma_start3A_15 = tpu.memref_squeeze %dma_start3A_14 : memref<1x1x157x128xi32, #tpu.memory_space<hbm>> -> memref<157x128xi32, #tpu.memory_space<hbm>>
      %dma_start3A_16 = arith.constant 0 : i32
      %dma_start3A_17 = arith.constant 0 : i32
      %dma_start3A_18 = tpu.memref_slice %arg4[%arg0, %arg1, %dma_start3A_16, %dma_start3A_17] : memref<2x16x157x128xi32, #tpu.memory_space<hbm>> -> memref<1x1x157x128xi32, #tpu.memory_space<hbm>>
      %dma_start3A_19 = tpu.memref_squeeze %dma_start3A_18 : memref<1x1x157x128xi32, #tpu.memory_space<hbm>> -> memref<157x128xi32, #tpu.memory_space<hbm>>
      tpu.enqueue_dma source(%dma_start3A_19 : memref<157x128xi32, #tpu.memory_space<hbm>>) target(%arg8 : memref<157x128xi32, #tpu.memory_space<vmem>>) target_semaphore(%run_scoped3A : memref<!tpu.dma_semaphore, #tpu.memory_space<semaphore_mem>>)
      %dma_wait3A = arith.constant 0 : i32
      %dma_wait3A_20 = arith.constant 0 : i32
      %dma_wait3A_21 = tpu.memref_slice %arg4[%arg0, %arg1, %dma_wait3A, %dma_wait3A_20] : memref<2x16x157x128xi32, #tpu.memory_space<hbm>> -> memref<1x1x157x128xi32, #tpu.memory_space<hbm>>
      %dma_wait3A_22 = tpu.memref_squeeze %dma_wait3A_21 : memref<1x1x157x128xi32, #tpu.memory_space<hbm>> -> memref<157x128xi32, #tpu.memory_space<hbm>>
      %dma_wait3A_23 = arith.constant 0 : i32
      %dma_wait3A_24 = arith.constant 0 : i32
      %dma_wait3A_25 = tpu.memref_slice %arg4[%arg0, %arg1, %dma_wait3A_23, %dma_wait3A_24] : memref<2x16x157x128xi32, #tpu.memory_space<hbm>> -> memref<1x1x157x128xi32, #tpu.memory_space<hbm>>
      %dma_wait3A_26 = tpu.memref_squeeze %dma_wait3A_25 : memref<1x1x157x128xi32, #tpu.memory_space<hbm>> -> memref<157x128xi32, #tpu.memory_space<hbm>>
      tpu.wait_dma2 semaphore(%run_scoped3A : memref<!tpu.dma_semaphore, #tpu.memory_space<semaphore_mem>>) src(%dma_wait3A_26 : memref<157x128xi32, #tpu.memory_space<hbm>>) dst(%arg8 : memref<157x128xi32, #tpu.memory_space<vmem>>)
      tpu.yield
    }) : () -> ()
    %barrier3A = arith.constant 0 : index
    tpu.barrier barrier_id(%barrier3A)
    %scan3A = arith.constant 0 : i32
    %scan3A_3 = arith.constant 0 : i32
    %scan3A_4 = arith.constant 157 : i32
    %scan3A_5 = arith.addi %scan3A_3, %scan3A_4 : i32
    %scan3A_6 = arith.constant 1 : i32
    scf.for %scan3A_13 = %scan3A_3 to %scan3A_5 step %scan3A_6  : i32 {
      %dma_start3A = arith.constant 0 : i32
      %dma_start3A_14 = tpu.memref_slice %arg7[%scan3A_13, %dma_start3A] : memref<157x128xi32, #tpu.memory_space<vmem>> -> memref<1x128xi32, #tpu.memory_space<vmem>>
      %dma_start3A_15 = tpu.memref_squeeze %dma_start3A_14 : memref<1x128xi32, #tpu.memory_space<vmem>> -> memref<128xi32, #tpu.memory_space<vmem>>
      %dma_start3A_16 = arith.constant 0 : i32
      %dma_start3A_17 = arith.constant 0 : i32
      %dma_start3A_18 = tpu.memref_slice %arg2[%dma_start3A_16, %dma_start3A_17] : memref<20224x64xf32, #tpu.memory_space<hbm>> -> memref<20224x64xf32, #tpu.memory_space<hbm>>
      tpu.enqueue_indirect_dma source(%dma_start3A_18 : memref<20224x64xf32, #tpu.memory_space<hbm>>) target(%arg9 : memref<128x64xf32, #tpu.memory_space<vmem>>) offsets(%dma_start3A_15 : memref<128xi32, #tpu.memory_space<vmem>>) semaphore(%arg11 : memref<!tpu.dma_semaphore, #tpu.memory_space<semaphore_mem>>)
      %dma_wait3A = arith.constant 0 : i32
      %dma_wait3A_19 = tpu.memref_slice %arg7[%scan3A_13, %dma_wait3A] : memref<157x128xi32, #tpu.memory_space<vmem>> -> memref<1x128xi32, #tpu.memory_space<vmem>>
      %dma_wait3A_20 = tpu.memref_squeeze %dma_wait3A_19 : memref<1x128xi32, #tpu.memory_space<vmem>> -> memref<128xi32, #tpu.memory_space<vmem>>
      %dma_wait3A_21 = arith.constant 0 : i32
      %dma_wait3A_22 = arith.constant 0 : i32
      %dma_wait3A_23 = tpu.memref_slice %arg2[%dma_wait3A_21, %dma_wait3A_22] : memref<20224x64xf32, #tpu.memory_space<hbm>> -> memref<20224x64xf32, #tpu.memory_space<hbm>>
      tpu.wait_indirect_dma semaphore(%arg11 : memref<!tpu.dma_semaphore, #tpu.memory_space<semaphore_mem>>) src(%dma_wait3A_23 : memref<20224x64xf32, #tpu.memory_space<hbm>>) dst(%arg9 : memref<128x64xf32, #tpu.memory_space<vmem>>)
      "tpu.region"() ({
        %run_scoped3A = tpu.sem_alloc : memref<!tpu.dma_semaphore, #tpu.memory_space<semaphore_mem>>
        %dma_start3A_24 = arith.constant 0 : i32
        %dma_start3A_25 = tpu.memref_slice %arg8[%scan3A_13, %dma_start3A_24] : memref<157x128xi32, #tpu.memory_space<vmem>> -> memref<1x128xi32, #tpu.memory_space<vmem>>
        %dma_start3A_26 = tpu.memref_squeeze %dma_start3A_25 : memref<1x128xi32, #tpu.memory_space<vmem>> -> memref<128xi32, #tpu.memory_space<vmem>>
        %dma_start3A_27 = arith.constant 0 : i32
        %dma_start3A_28 = arith.constant 0 : i32
        %dma_start3A_29 = tpu.memref_slice %arg10[%dma_start3A_27, %dma_start3A_28] : memref<10112x64xf32, #tpu.memory_space<vmem_shared>> -> memref<10112x64xf32, #tpu.memory_space<vmem_shared>>
        tpu.enqueue_indirect_dma source(%arg9 : memref<128x64xf32, #tpu.memory_space<vmem>>) target(%dma_start3A_29 : memref<10112x64xf32, #tpu.memory_space<vmem_shared>>) offsets(%dma_start3A_26 : memref<128xi32, #tpu.memory_space<vmem>>) semaphore(%run_scoped3A : memref<!tpu.dma_semaphore, #tpu.memory_space<semaphore_mem>>) {add = true}
        %dma_wait3A_30 = arith.constant 0 : i32
        %dma_wait3A_31 = tpu.memref_slice %arg8[%scan3A_13, %dma_wait3A_30] : memref<157x128xi32, #tpu.memory_space<vmem>> -> memref<1x128xi32, #tpu.memory_space<vmem>>
        %dma_wait3A_32 = tpu.memref_squeeze %dma_wait3A_31 : memref<1x128xi32, #tpu.memory_space<vmem>> -> memref<128xi32, #tpu.memory_space<vmem>>
        %dma_wait3A_33 = arith.constant 0 : i32
        %dma_wait3A_34 = arith.constant 0 : i32
        %dma_wait3A_35 = tpu.memref_slice %arg10[%dma_wait3A_33, %dma_wait3A_34] : memref<10112x64xf32, #tpu.memory_space<vmem_shared>> -> memref<10112x64xf32, #tpu.memory_space<vmem_shared>>
        tpu.wait_indirect_dma semaphore(%run_scoped3A : memref<!tpu.dma_semaphore, #tpu.memory_space<semaphore_mem>>) src(%arg9 : memref<128x64xf32, #tpu.memory_space<vmem>>) dst(%dma_wait3A_35 : memref<10112x64xf32, #tpu.memory_space<vmem_shared>>)
        tpu.yield
      }) : () -> ()
    }
    %scan3A_7 = arith.constant 157 : i32
    %barrier3A_8 = arith.constant 0 : index
    tpu.barrier barrier_id(%barrier3A_8)
    %mul3A_9 = arith.constant 632 : i32
    %mul3A_10 = arith.muli %arg1, %mul3A_9 : i32
    %mul3A_11 = arith.constant 632 : i32
    %mul3A_12 = arith.muli %arg1, %mul3A_11 : i32
    "tpu.region"() ({
      %run_scoped3A = tpu.sem_alloc : memref<!tpu.dma_semaphore, #tpu.memory_space<semaphore_mem>>
      %dma_start3A = arith.constant 0 : i32
      %dma_start3A_13 = tpu.memref_slice %arg6[%arg0, %mul3A_12, %dma_start3A] : memref<2x10112x64xf32, #tpu.memory_space<hbm>> -> memref<1x632x64xf32, #tpu.memory_space<hbm>>
      %dma_start3A_14 = tpu.memref_squeeze %dma_start3A_13 : memref<1x632x64xf32, #tpu.memory_space<hbm>> -> memref<632x64xf32, #tpu.memory_space<hbm>>
      %dma_start3A_15 = arith.constant 0 : i32
      %dma_start3A_16 = tpu.memref_slice %arg10[%mul3A_10, %dma_start3A_15] : memref<10112x64xf32, #tpu.memory_space<vmem_shared>> -> memref<632x64xf32, #tpu.memory_space<vmem_shared>>
      tpu.enqueue_dma source(%dma_start3A_16 : memref<632x64xf32, #tpu.memory_space<vmem_shared>>) target(%dma_start3A_14 : memref<632x64xf32, #tpu.memory_space<hbm>>) target_semaphore(%run_scoped3A : memref<!tpu.dma_semaphore, #tpu.memory_space<semaphore_mem>>)
      %dma_wait3A = arith.constant 0 : i32
      %dma_wait3A_17 = tpu.memref_slice %arg6[%arg0, %mul3A_12, %dma_wait3A] : memref<2x10112x64xf32, #tpu.memory_space<hbm>> -> memref<1x632x64xf32, #tpu.memory_space<hbm>>
      %dma_wait3A_18 = tpu.memref_squeeze %dma_wait3A_17 : memref<1x632x64xf32, #tpu.memory_space<hbm>> -> memref<632x64xf32, #tpu.memory_space<hbm>>
      %dma_wait3A_19 = arith.constant 0 : i32
      %dma_wait3A_20 = tpu.memref_slice %arg10[%mul3A_10, %dma_wait3A_19] : memref<10112x64xf32, #tpu.memory_space<vmem_shared>> -> memref<632x64xf32, #tpu.memory_space<vmem_shared>>
      tpu.wait_dma2 semaphore(%run_scoped3A : memref<!tpu.dma_semaphore, #tpu.memory_space<semaphore_mem>>) src(%dma_wait3A_20 : memref<632x64xf32, #tpu.memory_space<vmem_shared>>) dst(%dma_wait3A_18 : memref<632x64xf32, #tpu.memory_space<hbm>>)
      tpu.yield
    }) : () -> ()
    return
  }
}

#map = affine_map<(d0, d1) -> (0, 0, 0, 0)>
#map1 = affine_map<(d0, d1) -> (0, 0)>
#map2 = affine_map<(d0, d1) -> (0, 0, 0)>
module attributes {stable_mosaic.version = 14 : i64} {
  func.func @_deg_body(%arg0: i32, %arg1: i32, %arg2: memref<2x16x157x128xi32, #tpu.memory_space<hbm>>, %arg3: memref<128x16xf32, #tpu.memory_space<hbm>>, %arg4: memref<10112x16xf32, #tpu.memory_space<hbm>>, %arg5: memref<2x10112x16xf32, #tpu.memory_space<hbm>>, %arg6: memref<157x128xi32, #tpu.memory_space<vmem>>, %arg7: memref<128x16xf32, #tpu.memory_space<vmem>>, %arg8: memref<10112x16xf32, #tpu.memory_space<vmem_shared>>) attributes {dimension_semantics = [#tpu.dimension_semantics<core_parallel>, #tpu.dimension_semantics<subcore_parallel>], iteration_bounds = array<i64: 2, 16>, scalar_prefetch = 0 : i64, scratch_operands = 3 : i64, tpu.core_type = #tpu.core_type<sc_vector_subcore>, window_params = [{transform_indices = #map}, {transform_indices = #map1}, {transform_indices = #map1}, {transform_indices = #map2}]} {
    %mul3A = arith.constant 632 : i32
    %mul3A_0 = arith.muli %arg1, %mul3A : i32
    %mul3A_1 = arith.constant 632 : i32
    %mul3A_2 = arith.muli %arg1, %mul3A_1 : i32
    "tpu.region"() ({
      %run_scoped3A = tpu.sem_alloc : memref<!tpu.dma_semaphore, #tpu.memory_space<semaphore_mem>>
      %dma_start3A = arith.constant 0 : i32
      %dma_start3A_13 = tpu.memref_slice %arg8[%mul3A_2, %dma_start3A] : memref<10112x16xf32, #tpu.memory_space<vmem_shared>> -> memref<632x16xf32, #tpu.memory_space<vmem_shared>>
      %dma_start3A_14 = arith.constant 0 : i32
      %dma_start3A_15 = tpu.memref_slice %arg4[%mul3A_0, %dma_start3A_14] : memref<10112x16xf32, #tpu.memory_space<hbm>> -> memref<632x16xf32, #tpu.memory_space<hbm>>
      tpu.enqueue_dma source(%dma_start3A_15 : memref<632x16xf32, #tpu.memory_space<hbm>>) target(%dma_start3A_13 : memref<632x16xf32, #tpu.memory_space<vmem_shared>>) target_semaphore(%run_scoped3A : memref<!tpu.dma_semaphore, #tpu.memory_space<semaphore_mem>>)
      %dma_wait3A = arith.constant 0 : i32
      %dma_wait3A_16 = tpu.memref_slice %arg8[%mul3A_2, %dma_wait3A] : memref<10112x16xf32, #tpu.memory_space<vmem_shared>> -> memref<632x16xf32, #tpu.memory_space<vmem_shared>>
      %dma_wait3A_17 = arith.constant 0 : i32
      %dma_wait3A_18 = tpu.memref_slice %arg4[%mul3A_0, %dma_wait3A_17] : memref<10112x16xf32, #tpu.memory_space<hbm>> -> memref<632x16xf32, #tpu.memory_space<hbm>>
      tpu.wait_dma2 semaphore(%run_scoped3A : memref<!tpu.dma_semaphore, #tpu.memory_space<semaphore_mem>>) src(%dma_wait3A_18 : memref<632x16xf32, #tpu.memory_space<hbm>>) dst(%dma_wait3A_16 : memref<632x16xf32, #tpu.memory_space<vmem_shared>>)
      tpu.yield
    }) : () -> ()
    "tpu.region"() ({
      %run_scoped3A = tpu.sem_alloc : memref<!tpu.dma_semaphore, #tpu.memory_space<semaphore_mem>>
      %dma_start3A = arith.constant 0 : i32
      %dma_start3A_13 = arith.constant 0 : i32
      %dma_start3A_14 = tpu.memref_slice %arg2[%arg0, %arg1, %dma_start3A, %dma_start3A_13] : memref<2x16x157x128xi32, #tpu.memory_space<hbm>> -> memref<1x1x157x128xi32, #tpu.memory_space<hbm>>
      %dma_start3A_15 = tpu.memref_squeeze %dma_start3A_14 : memref<1x1x157x128xi32, #tpu.memory_space<hbm>> -> memref<157x128xi32, #tpu.memory_space<hbm>>
      %dma_start3A_16 = arith.constant 0 : i32
      %dma_start3A_17 = arith.constant 0 : i32
      %dma_start3A_18 = tpu.memref_slice %arg2[%arg0, %arg1, %dma_start3A_16, %dma_start3A_17] : memref<2x16x157x128xi32, #tpu.memory_space<hbm>> -> memref<1x1x157x128xi32, #tpu.memory_space<hbm>>
      %dma_start3A_19 = tpu.memref_squeeze %dma_start3A_18 : memref<1x1x157x128xi32, #tpu.memory_space<hbm>> -> memref<157x128xi32, #tpu.memory_space<hbm>>
      tpu.enqueue_dma source(%dma_start3A_19 : memref<157x128xi32, #tpu.memory_space<hbm>>) target(%arg6 : memref<157x128xi32, #tpu.memory_space<vmem>>) target_semaphore(%run_scoped3A : memref<!tpu.dma_semaphore, #tpu.memory_space<semaphore_mem>>)
      %dma_wait3A = arith.constant 0 : i32
      %dma_wait3A_20 = arith.constant 0 : i32
      %dma_wait3A_21 = tpu.memref_slice %arg2[%arg0, %arg1, %dma_wait3A, %dma_wait3A_20] : memref<2x16x157x128xi32, #tpu.memory_space<hbm>> -> memref<1x1x157x128xi32, #tpu.memory_space<hbm>>
      %dma_wait3A_22 = tpu.memref_squeeze %dma_wait3A_21 : memref<1x1x157x128xi32, #tpu.memory_space<hbm>> -> memref<157x128xi32, #tpu.memory_space<hbm>>
      %dma_wait3A_23 = arith.constant 0 : i32
      %dma_wait3A_24 = arith.constant 0 : i32
      %dma_wait3A_25 = tpu.memref_slice %arg2[%arg0, %arg1, %dma_wait3A_23, %dma_wait3A_24] : memref<2x16x157x128xi32, #tpu.memory_space<hbm>> -> memref<1x1x157x128xi32, #tpu.memory_space<hbm>>
      %dma_wait3A_26 = tpu.memref_squeeze %dma_wait3A_25 : memref<1x1x157x128xi32, #tpu.memory_space<hbm>> -> memref<157x128xi32, #tpu.memory_space<hbm>>
      tpu.wait_dma2 semaphore(%run_scoped3A : memref<!tpu.dma_semaphore, #tpu.memory_space<semaphore_mem>>) src(%dma_wait3A_26 : memref<157x128xi32, #tpu.memory_space<hbm>>) dst(%arg6 : memref<157x128xi32, #tpu.memory_space<vmem>>)
      tpu.yield
    }) : () -> ()
    "tpu.region"() ({
      %run_scoped3A = tpu.sem_alloc : memref<!tpu.dma_semaphore, #tpu.memory_space<semaphore_mem>>
      tpu.enqueue_dma source(%arg3 : memref<128x16xf32, #tpu.memory_space<hbm>>) target(%arg7 : memref<128x16xf32, #tpu.memory_space<vmem>>) target_semaphore(%run_scoped3A : memref<!tpu.dma_semaphore, #tpu.memory_space<semaphore_mem>>)
      tpu.wait_dma2 semaphore(%run_scoped3A : memref<!tpu.dma_semaphore, #tpu.memory_space<semaphore_mem>>) src(%arg3 : memref<128x16xf32, #tpu.memory_space<hbm>>) dst(%arg7 : memref<128x16xf32, #tpu.memory_space<vmem>>)
      tpu.yield
    }) : () -> ()
    %barrier3A = arith.constant 0 : index
    tpu.barrier barrier_id(%barrier3A)
    %scan3A = arith.constant 0 : i32
    %scan3A_3 = arith.constant 0 : i32
    %scan3A_4 = arith.constant 157 : i32
    %scan3A_5 = arith.addi %scan3A_3, %scan3A_4 : i32
    %scan3A_6 = arith.constant 1 : i32
    scf.for %scan3A_13 = %scan3A_3 to %scan3A_5 step %scan3A_6  : i32 {
      "tpu.region"() ({
        %run_scoped3A = tpu.sem_alloc : memref<!tpu.dma_semaphore, #tpu.memory_space<semaphore_mem>>
        %dma_start3A = arith.constant 0 : i32
        %dma_start3A_14 = tpu.memref_slice %arg6[%scan3A_13, %dma_start3A] : memref<157x128xi32, #tpu.memory_space<vmem>> -> memref<1x128xi32, #tpu.memory_space<vmem>>
        %dma_start3A_15 = tpu.memref_squeeze %dma_start3A_14 : memref<1x128xi32, #tpu.memory_space<vmem>> -> memref<128xi32, #tpu.memory_space<vmem>>
        %dma_start3A_16 = arith.constant 0 : i32
        %dma_start3A_17 = arith.constant 0 : i32
        %dma_start3A_18 = tpu.memref_slice %arg8[%dma_start3A_16, %dma_start3A_17] : memref<10112x16xf32, #tpu.memory_space<vmem_shared>> -> memref<10112x16xf32, #tpu.memory_space<vmem_shared>>
        tpu.enqueue_indirect_dma source(%arg7 : memref<128x16xf32, #tpu.memory_space<vmem>>) target(%dma_start3A_18 : memref<10112x16xf32, #tpu.memory_space<vmem_shared>>) offsets(%dma_start3A_15 : memref<128xi32, #tpu.memory_space<vmem>>) semaphore(%run_scoped3A : memref<!tpu.dma_semaphore, #tpu.memory_space<semaphore_mem>>) {add = true}
        %dma_wait3A = arith.constant 0 : i32
        %dma_wait3A_19 = tpu.memref_slice %arg6[%scan3A_13, %dma_wait3A] : memref<157x128xi32, #tpu.memory_space<vmem>> -> memref<1x128xi32, #tpu.memory_space<vmem>>
        %dma_wait3A_20 = tpu.memref_squeeze %dma_wait3A_19 : memref<1x128xi32, #tpu.memory_space<vmem>> -> memref<128xi32, #tpu.memory_space<vmem>>
        %dma_wait3A_21 = arith.constant 0 : i32
        %dma_wait3A_22 = arith.constant 0 : i32
        %dma_wait3A_23 = tpu.memref_slice %arg8[%dma_wait3A_21, %dma_wait3A_22] : memref<10112x16xf32, #tpu.memory_space<vmem_shared>> -> memref<10112x16xf32, #tpu.memory_space<vmem_shared>>
        tpu.wait_indirect_dma semaphore(%run_scoped3A : memref<!tpu.dma_semaphore, #tpu.memory_space<semaphore_mem>>) src(%arg7 : memref<128x16xf32, #tpu.memory_space<vmem>>) dst(%dma_wait3A_23 : memref<10112x16xf32, #tpu.memory_space<vmem_shared>>)
        tpu.yield
      }) : () -> ()
    }
    %scan3A_7 = arith.constant 157 : i32
    %barrier3A_8 = arith.constant 0 : index
    tpu.barrier barrier_id(%barrier3A_8)
    %mul3A_9 = arith.constant 632 : i32
    %mul3A_10 = arith.muli %arg1, %mul3A_9 : i32
    %mul3A_11 = arith.constant 632 : i32
    %mul3A_12 = arith.muli %arg1, %mul3A_11 : i32
    "tpu.region"() ({
      %run_scoped3A = tpu.sem_alloc : memref<!tpu.dma_semaphore, #tpu.memory_space<semaphore_mem>>
      %dma_start3A = arith.constant 0 : i32
      %dma_start3A_13 = tpu.memref_slice %arg5[%arg0, %mul3A_12, %dma_start3A] : memref<2x10112x16xf32, #tpu.memory_space<hbm>> -> memref<1x632x16xf32, #tpu.memory_space<hbm>>
      %dma_start3A_14 = tpu.memref_squeeze %dma_start3A_13 : memref<1x632x16xf32, #tpu.memory_space<hbm>> -> memref<632x16xf32, #tpu.memory_space<hbm>>
      %dma_start3A_15 = arith.constant 0 : i32
      %dma_start3A_16 = tpu.memref_slice %arg8[%mul3A_10, %dma_start3A_15] : memref<10112x16xf32, #tpu.memory_space<vmem_shared>> -> memref<632x16xf32, #tpu.memory_space<vmem_shared>>
      tpu.enqueue_dma source(%dma_start3A_16 : memref<632x16xf32, #tpu.memory_space<vmem_shared>>) target(%dma_start3A_14 : memref<632x16xf32, #tpu.memory_space<hbm>>) target_semaphore(%run_scoped3A : memref<!tpu.dma_semaphore, #tpu.memory_space<semaphore_mem>>)
      %dma_wait3A = arith.constant 0 : i32
      %dma_wait3A_17 = tpu.memref_slice %arg5[%arg0, %mul3A_12, %dma_wait3A] : memref<2x10112x16xf32, #tpu.memory_space<hbm>> -> memref<1x632x16xf32, #tpu.memory_space<hbm>>
      %dma_wait3A_18 = tpu.memref_squeeze %dma_wait3A_17 : memref<1x632x16xf32, #tpu.memory_space<hbm>> -> memref<632x16xf32, #tpu.memory_space<hbm>>
      %dma_wait3A_19 = arith.constant 0 : i32
      %dma_wait3A_20 = tpu.memref_slice %arg8[%mul3A_10, %dma_wait3A_19] : memref<10112x16xf32, #tpu.memory_space<vmem_shared>> -> memref<632x16xf32, #tpu.memory_space<vmem_shared>>
      tpu.wait_dma2 semaphore(%run_scoped3A : memref<!tpu.dma_semaphore, #tpu.memory_space<semaphore_mem>>) src(%dma_wait3A_20 : memref<632x16xf32, #tpu.memory_space<vmem_shared>>) dst(%dma_wait3A_18 : memref<632x16xf32, #tpu.memory_space<hbm>>)
      tpu.yield
    }) : () -> ()
    return
  }
}

#map = affine_map<(d0, d1) -> (0, 0)>
#map1 = affine_map<(d0, d1) -> (0, 0, 0, 0)>
#map2 = affine_map<(d0, d1) -> (0, 0, 0)>
module attributes {stable_mosaic.version = 14 : i64} {
  func.func @_scatter_body(%arg0: i32, %arg1: i32, %arg2: memref<20224x64xf32, #tpu.memory_space<hbm>>, %arg3: memref<2x16x157x128xi32, #tpu.memory_space<hbm>>, %arg4: memref<2x16x157x128xi32, #tpu.memory_space<hbm>>, %arg5: memref<10112x64xf32, #tpu.memory_space<hbm>>, %arg6: memref<2x10112x64xf32, #tpu.memory_space<hbm>>, %arg7: memref<157x128xi32, #tpu.memory_space<vmem>>, %arg8: memref<157x128xi32, #tpu.memory_space<vmem>>, %arg9: memref<128x64xf32, #tpu.memory_space<vmem>>, %arg10: memref<10112x64xf32, #tpu.memory_space<vmem_shared>>, %arg11: memref<!tpu.dma_semaphore, #tpu.memory_space<semaphore_mem>>) attributes {dimension_semantics = [#tpu.dimension_semantics<core_parallel>, #tpu.dimension_semantics<subcore_parallel>], iteration_bounds = array<i64: 2, 16>, scalar_prefetch = 0 : i64, scratch_operands = 5 : i64, tpu.core_type = #tpu.core_type<sc_vector_subcore>, window_params = [{transform_indices = #map}, {transform_indices = #map1}, {transform_indices = #map1}, {transform_indices = #map}, {transform_indices = #map2}]} {
    %mul3A = arith.constant 632 : i32
    %mul3A_0 = arith.muli %arg1, %mul3A : i32
    %mul3A_1 = arith.constant 632 : i32
    %mul3A_2 = arith.muli %arg1, %mul3A_1 : i32
    "tpu.region"() ({
      %run_scoped3A = tpu.sem_alloc : memref<!tpu.dma_semaphore, #tpu.memory_space<semaphore_mem>>
      %dma_start3A = arith.constant 0 : i32
      %dma_start3A_13 = tpu.memref_slice %arg10[%mul3A_2, %dma_start3A] : memref<10112x64xf32, #tpu.memory_space<vmem_shared>> -> memref<632x64xf32, #tpu.memory_space<vmem_shared>>
      %dma_start3A_14 = arith.constant 0 : i32
      %dma_start3A_15 = tpu.memref_slice %arg5[%mul3A_0, %dma_start3A_14] : memref<10112x64xf32, #tpu.memory_space<hbm>> -> memref<632x64xf32, #tpu.memory_space<hbm>>
      tpu.enqueue_dma source(%dma_start3A_15 : memref<632x64xf32, #tpu.memory_space<hbm>>) target(%dma_start3A_13 : memref<632x64xf32, #tpu.memory_space<vmem_shared>>) target_semaphore(%run_scoped3A : memref<!tpu.dma_semaphore, #tpu.memory_space<semaphore_mem>>)
      %dma_wait3A = arith.constant 0 : i32
      %dma_wait3A_16 = tpu.memref_slice %arg10[%mul3A_2, %dma_wait3A] : memref<10112x64xf32, #tpu.memory_space<vmem_shared>> -> memref<632x64xf32, #tpu.memory_space<vmem_shared>>
      %dma_wait3A_17 = arith.constant 0 : i32
      %dma_wait3A_18 = tpu.memref_slice %arg5[%mul3A_0, %dma_wait3A_17] : memref<10112x64xf32, #tpu.memory_space<hbm>> -> memref<632x64xf32, #tpu.memory_space<hbm>>
      tpu.wait_dma2 semaphore(%run_scoped3A : memref<!tpu.dma_semaphore, #tpu.memory_space<semaphore_mem>>) src(%dma_wait3A_18 : memref<632x64xf32, #tpu.memory_space<hbm>>) dst(%dma_wait3A_16 : memref<632x64xf32, #tpu.memory_space<vmem_shared>>)
      tpu.yield
    }) : () -> ()
    "tpu.region"() ({
      %run_scoped3A = tpu.sem_alloc : memref<!tpu.dma_semaphore, #tpu.memory_space<semaphore_mem>>
      %dma_start3A = arith.constant 0 : i32
      %dma_start3A_13 = arith.constant 0 : i32
      %dma_start3A_14 = tpu.memref_slice %arg3[%arg0, %arg1, %dma_start3A, %dma_start3A_13] : memref<2x16x157x128xi32, #tpu.memory_space<hbm>> -> memref<1x1x157x128xi32, #tpu.memory_space<hbm>>
      %dma_start3A_15 = tpu.memref_squeeze %dma_start3A_14 : memref<1x1x157x128xi32, #tpu.memory_space<hbm>> -> memref<157x128xi32, #tpu.memory_space<hbm>>
      %dma_start3A_16 = arith.constant 0 : i32
      %dma_start3A_17 = arith.constant 0 : i32
      %dma_start3A_18 = tpu.memref_slice %arg3[%arg0, %arg1, %dma_start3A_16, %dma_start3A_17] : memref<2x16x157x128xi32, #tpu.memory_space<hbm>> -> memref<1x1x157x128xi32, #tpu.memory_space<hbm>>
      %dma_start3A_19 = tpu.memref_squeeze %dma_start3A_18 : memref<1x1x157x128xi32, #tpu.memory_space<hbm>> -> memref<157x128xi32, #tpu.memory_space<hbm>>
      tpu.enqueue_dma source(%dma_start3A_19 : memref<157x128xi32, #tpu.memory_space<hbm>>) target(%arg7 : memref<157x128xi32, #tpu.memory_space<vmem>>) target_semaphore(%run_scoped3A : memref<!tpu.dma_semaphore, #tpu.memory_space<semaphore_mem>>)
      %dma_wait3A = arith.constant 0 : i32
      %dma_wait3A_20 = arith.constant 0 : i32
      %dma_wait3A_21 = tpu.memref_slice %arg3[%arg0, %arg1, %dma_wait3A, %dma_wait3A_20] : memref<2x16x157x128xi32, #tpu.memory_space<hbm>> -> memref<1x1x157x128xi32, #tpu.memory_space<hbm>>
      %dma_wait3A_22 = tpu.memref_squeeze %dma_wait3A_21 : memref<1x1x157x128xi32, #tpu.memory_space<hbm>> -> memref<157x128xi32, #tpu.memory_space<hbm>>
      %dma_wait3A_23 = arith.constant 0 : i32
      %dma_wait3A_24 = arith.constant 0 : i32
      %dma_wait3A_25 = tpu.memref_slice %arg3[%arg0, %arg1, %dma_wait3A_23, %dma_wait3A_24] : memref<2x16x157x128xi32, #tpu.memory_space<hbm>> -> memref<1x1x157x128xi32, #tpu.memory_space<hbm>>
      %dma_wait3A_26 = tpu.memref_squeeze %dma_wait3A_25 : memref<1x1x157x128xi32, #tpu.memory_space<hbm>> -> memref<157x128xi32, #tpu.memory_space<hbm>>
      tpu.wait_dma2 semaphore(%run_scoped3A : memref<!tpu.dma_semaphore, #tpu.memory_space<semaphore_mem>>) src(%dma_wait3A_26 : memref<157x128xi32, #tpu.memory_space<hbm>>) dst(%arg7 : memref<157x128xi32, #tpu.memory_space<vmem>>)
      tpu.yield
    }) : () -> ()
    "tpu.region"() ({
      %run_scoped3A = tpu.sem_alloc : memref<!tpu.dma_semaphore, #tpu.memory_space<semaphore_mem>>
      %dma_start3A = arith.constant 0 : i32
      %dma_start3A_13 = arith.constant 0 : i32
      %dma_start3A_14 = tpu.memref_slice %arg4[%arg0, %arg1, %dma_start3A, %dma_start3A_13] : memref<2x16x157x128xi32, #tpu.memory_space<hbm>> -> memref<1x1x157x128xi32, #tpu.memory_space<hbm>>
      %dma_start3A_15 = tpu.memref_squeeze %dma_start3A_14 : memref<1x1x157x128xi32, #tpu.memory_space<hbm>> -> memref<157x128xi32, #tpu.memory_space<hbm>>
      %dma_start3A_16 = arith.constant 0 : i32
      %dma_start3A_17 = arith.constant 0 : i32
      %dma_start3A_18 = tpu.memref_slice %arg4[%arg0, %arg1, %dma_start3A_16, %dma_start3A_17] : memref<2x16x157x128xi32, #tpu.memory_space<hbm>> -> memref<1x1x157x128xi32, #tpu.memory_space<hbm>>
      %dma_start3A_19 = tpu.memref_squeeze %dma_start3A_18 : memref<1x1x157x128xi32, #tpu.memory_space<hbm>> -> memref<157x128xi32, #tpu.memory_space<hbm>>
      tpu.enqueue_dma source(%dma_start3A_19 : memref<157x128xi32, #tpu.memory_space<hbm>>) target(%arg8 : memref<157x128xi32, #tpu.memory_space<vmem>>) target_semaphore(%run_scoped3A : memref<!tpu.dma_semaphore, #tpu.memory_space<semaphore_mem>>)
      %dma_wait3A = arith.constant 0 : i32
      %dma_wait3A_20 = arith.constant 0 : i32
      %dma_wait3A_21 = tpu.memref_slice %arg4[%arg0, %arg1, %dma_wait3A, %dma_wait3A_20] : memref<2x16x157x128xi32, #tpu.memory_space<hbm>> -> memref<1x1x157x128xi32, #tpu.memory_space<hbm>>
      %dma_wait3A_22 = tpu.memref_squeeze %dma_wait3A_21 : memref<1x1x157x128xi32, #tpu.memory_space<hbm>> -> memref<157x128xi32, #tpu.memory_space<hbm>>
      %dma_wait3A_23 = arith.constant 0 : i32
      %dma_wait3A_24 = arith.constant 0 : i32
      %dma_wait3A_25 = tpu.memref_slice %arg4[%arg0, %arg1, %dma_wait3A_23, %dma_wait3A_24] : memref<2x16x157x128xi32, #tpu.memory_space<hbm>> -> memref<1x1x157x128xi32, #tpu.memory_space<hbm>>
      %dma_wait3A_26 = tpu.memref_squeeze %dma_wait3A_25 : memref<1x1x157x128xi32, #tpu.memory_space<hbm>> -> memref<157x128xi32, #tpu.memory_space<hbm>>
      tpu.wait_dma2 semaphore(%run_scoped3A : memref<!tpu.dma_semaphore, #tpu.memory_space<semaphore_mem>>) src(%dma_wait3A_26 : memref<157x128xi32, #tpu.memory_space<hbm>>) dst(%arg8 : memref<157x128xi32, #tpu.memory_space<vmem>>)
      tpu.yield
    }) : () -> ()
    %barrier3A = arith.constant 0 : index
    tpu.barrier barrier_id(%barrier3A)
    %scan3A = arith.constant 0 : i32
    %scan3A_3 = arith.constant 0 : i32
    %scan3A_4 = arith.constant 157 : i32
    %scan3A_5 = arith.addi %scan3A_3, %scan3A_4 : i32
    %scan3A_6 = arith.constant 1 : i32
    scf.for %scan3A_13 = %scan3A_3 to %scan3A_5 step %scan3A_6  : i32 {
      %dma_start3A = arith.constant 0 : i32
      %dma_start3A_14 = tpu.memref_slice %arg7[%scan3A_13, %dma_start3A] : memref<157x128xi32, #tpu.memory_space<vmem>> -> memref<1x128xi32, #tpu.memory_space<vmem>>
      %dma_start3A_15 = tpu.memref_squeeze %dma_start3A_14 : memref<1x128xi32, #tpu.memory_space<vmem>> -> memref<128xi32, #tpu.memory_space<vmem>>
      %dma_start3A_16 = arith.constant 0 : i32
      %dma_start3A_17 = arith.constant 0 : i32
      %dma_start3A_18 = tpu.memref_slice %arg2[%dma_start3A_16, %dma_start3A_17] : memref<20224x64xf32, #tpu.memory_space<hbm>> -> memref<20224x64xf32, #tpu.memory_space<hbm>>
      tpu.enqueue_indirect_dma source(%dma_start3A_18 : memref<20224x64xf32, #tpu.memory_space<hbm>>) target(%arg9 : memref<128x64xf32, #tpu.memory_space<vmem>>) offsets(%dma_start3A_15 : memref<128xi32, #tpu.memory_space<vmem>>) semaphore(%arg11 : memref<!tpu.dma_semaphore, #tpu.memory_space<semaphore_mem>>)
      %dma_wait3A = arith.constant 0 : i32
      %dma_wait3A_19 = tpu.memref_slice %arg7[%scan3A_13, %dma_wait3A] : memref<157x128xi32, #tpu.memory_space<vmem>> -> memref<1x128xi32, #tpu.memory_space<vmem>>
      %dma_wait3A_20 = tpu.memref_squeeze %dma_wait3A_19 : memref<1x128xi32, #tpu.memory_space<vmem>> -> memref<128xi32, #tpu.memory_space<vmem>>
      %dma_wait3A_21 = arith.constant 0 : i32
      %dma_wait3A_22 = arith.constant 0 : i32
      %dma_wait3A_23 = tpu.memref_slice %arg2[%dma_wait3A_21, %dma_wait3A_22] : memref<20224x64xf32, #tpu.memory_space<hbm>> -> memref<20224x64xf32, #tpu.memory_space<hbm>>
      tpu.wait_indirect_dma semaphore(%arg11 : memref<!tpu.dma_semaphore, #tpu.memory_space<semaphore_mem>>) src(%dma_wait3A_23 : memref<20224x64xf32, #tpu.memory_space<hbm>>) dst(%arg9 : memref<128x64xf32, #tpu.memory_space<vmem>>)
      "tpu.region"() ({
        %run_scoped3A = tpu.sem_alloc : memref<!tpu.dma_semaphore, #tpu.memory_space<semaphore_mem>>
        %dma_start3A_24 = arith.constant 0 : i32
        %dma_start3A_25 = tpu.memref_slice %arg8[%scan3A_13, %dma_start3A_24] : memref<157x128xi32, #tpu.memory_space<vmem>> -> memref<1x128xi32, #tpu.memory_space<vmem>>
        %dma_start3A_26 = tpu.memref_squeeze %dma_start3A_25 : memref<1x128xi32, #tpu.memory_space<vmem>> -> memref<128xi32, #tpu.memory_space<vmem>>
        %dma_start3A_27 = arith.constant 0 : i32
        %dma_start3A_28 = arith.constant 0 : i32
        %dma_start3A_29 = tpu.memref_slice %arg10[%dma_start3A_27, %dma_start3A_28] : memref<10112x64xf32, #tpu.memory_space<vmem_shared>> -> memref<10112x64xf32, #tpu.memory_space<vmem_shared>>
        tpu.enqueue_indirect_dma source(%arg9 : memref<128x64xf32, #tpu.memory_space<vmem>>) target(%dma_start3A_29 : memref<10112x64xf32, #tpu.memory_space<vmem_shared>>) offsets(%dma_start3A_26 : memref<128xi32, #tpu.memory_space<vmem>>) semaphore(%run_scoped3A : memref<!tpu.dma_semaphore, #tpu.memory_space<semaphore_mem>>) {add = true}
        %dma_wait3A_30 = arith.constant 0 : i32
        %dma_wait3A_31 = tpu.memref_slice %arg8[%scan3A_13, %dma_wait3A_30] : memref<157x128xi32, #tpu.memory_space<vmem>> -> memref<1x128xi32, #tpu.memory_space<vmem>>
        %dma_wait3A_32 = tpu.memref_squeeze %dma_wait3A_31 : memref<1x128xi32, #tpu.memory_space<vmem>> -> memref<128xi32, #tpu.memory_space<vmem>>
        %dma_wait3A_33 = arith.constant 0 : i32
        %dma_wait3A_34 = arith.constant 0 : i32
        %dma_wait3A_35 = tpu.memref_slice %arg10[%dma_wait3A_33, %dma_wait3A_34] : memref<10112x64xf32, #tpu.memory_space<vmem_shared>> -> memref<10112x64xf32, #tpu.memory_space<vmem_shared>>
        tpu.wait_indirect_dma semaphore(%run_scoped3A : memref<!tpu.dma_semaphore, #tpu.memory_space<semaphore_mem>>) src(%arg9 : memref<128x64xf32, #tpu.memory_space<vmem>>) dst(%dma_wait3A_35 : memref<10112x64xf32, #tpu.memory_space<vmem_shared>>)
        tpu.yield
      }) : () -> ()
    }
    %scan3A_7 = arith.constant 157 : i32
    %barrier3A_8 = arith.constant 0 : index
    tpu.barrier barrier_id(%barrier3A_8)
    %mul3A_9 = arith.constant 632 : i32
    %mul3A_10 = arith.muli %arg1, %mul3A_9 : i32
    %mul3A_11 = arith.constant 632 : i32
    %mul3A_12 = arith.muli %arg1, %mul3A_11 : i32
    "tpu.region"() ({
      %run_scoped3A = tpu.sem_alloc : memref<!tpu.dma_semaphore, #tpu.memory_space<semaphore_mem>>
      %dma_start3A = arith.constant 0 : i32
      %dma_start3A_13 = tpu.memref_slice %arg6[%arg0, %mul3A_12, %dma_start3A] : memref<2x10112x64xf32, #tpu.memory_space<hbm>> -> memref<1x632x64xf32, #tpu.memory_space<hbm>>
      %dma_start3A_14 = tpu.memref_squeeze %dma_start3A_13 : memref<1x632x64xf32, #tpu.memory_space<hbm>> -> memref<632x64xf32, #tpu.memory_space<hbm>>
      %dma_start3A_15 = arith.constant 0 : i32
      %dma_start3A_16 = tpu.memref_slice %arg10[%mul3A_10, %dma_start3A_15] : memref<10112x64xf32, #tpu.memory_space<vmem_shared>> -> memref<632x64xf32, #tpu.memory_space<vmem_shared>>
      tpu.enqueue_dma source(%dma_start3A_16 : memref<632x64xf32, #tpu.memory_space<vmem_shared>>) target(%dma_start3A_14 : memref<632x64xf32, #tpu.memory_space<hbm>>) target_semaphore(%run_scoped3A : memref<!tpu.dma_semaphore, #tpu.memory_space<semaphore_mem>>)
      %dma_wait3A = arith.constant 0 : i32
      %dma_wait3A_17 = tpu.memref_slice %arg6[%arg0, %mul3A_12, %dma_wait3A] : memref<2x10112x64xf32, #tpu.memory_space<hbm>> -> memref<1x632x64xf32, #tpu.memory_space<hbm>>
      %dma_wait3A_18 = tpu.memref_squeeze %dma_wait3A_17 : memref<1x632x64xf32, #tpu.memory_space<hbm>> -> memref<632x64xf32, #tpu.memory_space<hbm>>
      %dma_wait3A_19 = arith.constant 0 : i32
      %dma_wait3A_20 = tpu.memref_slice %arg10[%mul3A_10, %dma_wait3A_19] : memref<10112x64xf32, #tpu.memory_space<vmem_shared>> -> memref<632x64xf32, #tpu.memory_space<vmem_shared>>
      tpu.wait_dma2 semaphore(%run_scoped3A : memref<!tpu.dma_semaphore, #tpu.memory_space<semaphore_mem>>) src(%dma_wait3A_20 : memref<632x64xf32, #tpu.memory_space<vmem_shared>>) dst(%dma_wait3A_18 : memref<632x64xf32, #tpu.memory_space<hbm>>)
      tpu.yield
    }) : () -> ()
    return
  }
}

#map = affine_map<(d0, d1) -> (0, 0)>
#map1 = affine_map<(d0, d1) -> (0, 0, 0, 0)>
#map2 = affine_map<(d0, d1) -> (0, 0, 0)>
module attributes {stable_mosaic.version = 14 : i64} {
  func.func @_scatter_body(%arg0: i32, %arg1: i32, %arg2: memref<20224x64xf32, #tpu.memory_space<hbm>>, %arg3: memref<2x16x157x128xi32, #tpu.memory_space<hbm>>, %arg4: memref<2x16x157x128xi32, #tpu.memory_space<hbm>>, %arg5: memref<10112x64xf32, #tpu.memory_space<hbm>>, %arg6: memref<2x10112x64xf32, #tpu.memory_space<hbm>>, %arg7: memref<157x128xi32, #tpu.memory_space<vmem>>, %arg8: memref<157x128xi32, #tpu.memory_space<vmem>>, %arg9: memref<128x64xf32, #tpu.memory_space<vmem>>, %arg10: memref<10112x64xf32, #tpu.memory_space<vmem_shared>>, %arg11: memref<!tpu.dma_semaphore, #tpu.memory_space<semaphore_mem>>) attributes {dimension_semantics = [#tpu.dimension_semantics<core_parallel>, #tpu.dimension_semantics<subcore_parallel>], iteration_bounds = array<i64: 2, 16>, scalar_prefetch = 0 : i64, scratch_operands = 5 : i64, tpu.core_type = #tpu.core_type<sc_vector_subcore>, window_params = [{transform_indices = #map}, {transform_indices = #map1}, {transform_indices = #map1}, {transform_indices = #map}, {transform_indices = #map2}]} {
    %mul3A = arith.constant 632 : i32
    %mul3A_0 = arith.muli %arg1, %mul3A : i32
    %mul3A_1 = arith.constant 632 : i32
    %mul3A_2 = arith.muli %arg1, %mul3A_1 : i32
    "tpu.region"() ({
      %run_scoped3A = tpu.sem_alloc : memref<!tpu.dma_semaphore, #tpu.memory_space<semaphore_mem>>
      %dma_start3A = arith.constant 0 : i32
      %dma_start3A_13 = tpu.memref_slice %arg10[%mul3A_2, %dma_start3A] : memref<10112x64xf32, #tpu.memory_space<vmem_shared>> -> memref<632x64xf32, #tpu.memory_space<vmem_shared>>
      %dma_start3A_14 = arith.constant 0 : i32
      %dma_start3A_15 = tpu.memref_slice %arg5[%mul3A_0, %dma_start3A_14] : memref<10112x64xf32, #tpu.memory_space<hbm>> -> memref<632x64xf32, #tpu.memory_space<hbm>>
      tpu.enqueue_dma source(%dma_start3A_15 : memref<632x64xf32, #tpu.memory_space<hbm>>) target(%dma_start3A_13 : memref<632x64xf32, #tpu.memory_space<vmem_shared>>) target_semaphore(%run_scoped3A : memref<!tpu.dma_semaphore, #tpu.memory_space<semaphore_mem>>)
      %dma_wait3A = arith.constant 0 : i32
      %dma_wait3A_16 = tpu.memref_slice %arg10[%mul3A_2, %dma_wait3A] : memref<10112x64xf32, #tpu.memory_space<vmem_shared>> -> memref<632x64xf32, #tpu.memory_space<vmem_shared>>
      %dma_wait3A_17 = arith.constant 0 : i32
      %dma_wait3A_18 = tpu.memref_slice %arg5[%mul3A_0, %dma_wait3A_17] : memref<10112x64xf32, #tpu.memory_space<hbm>> -> memref<632x64xf32, #tpu.memory_space<hbm>>
      tpu.wait_dma2 semaphore(%run_scoped3A : memref<!tpu.dma_semaphore, #tpu.memory_space<semaphore_mem>>) src(%dma_wait3A_18 : memref<632x64xf32, #tpu.memory_space<hbm>>) dst(%dma_wait3A_16 : memref<632x64xf32, #tpu.memory_space<vmem_shared>>)
      tpu.yield
    }) : () -> ()
    "tpu.region"() ({
      %run_scoped3A = tpu.sem_alloc : memref<!tpu.dma_semaphore, #tpu.memory_space<semaphore_mem>>
      %dma_start3A = arith.constant 0 : i32
      %dma_start3A_13 = arith.constant 0 : i32
      %dma_start3A_14 = tpu.memref_slice %arg3[%arg0, %arg1, %dma_start3A, %dma_start3A_13] : memref<2x16x157x128xi32, #tpu.memory_space<hbm>> -> memref<1x1x157x128xi32, #tpu.memory_space<hbm>>
      %dma_start3A_15 = tpu.memref_squeeze %dma_start3A_14 : memref<1x1x157x128xi32, #tpu.memory_space<hbm>> -> memref<157x128xi32, #tpu.memory_space<hbm>>
      %dma_start3A_16 = arith.constant 0 : i32
      %dma_start3A_17 = arith.constant 0 : i32
      %dma_start3A_18 = tpu.memref_slice %arg3[%arg0, %arg1, %dma_start3A_16, %dma_start3A_17] : memref<2x16x157x128xi32, #tpu.memory_space<hbm>> -> memref<1x1x157x128xi32, #tpu.memory_space<hbm>>
      %dma_start3A_19 = tpu.memref_squeeze %dma_start3A_18 : memref<1x1x157x128xi32, #tpu.memory_space<hbm>> -> memref<157x128xi32, #tpu.memory_space<hbm>>
      tpu.enqueue_dma source(%dma_start3A_19 : memref<157x128xi32, #tpu.memory_space<hbm>>) target(%arg7 : memref<157x128xi32, #tpu.memory_space<vmem>>) target_semaphore(%run_scoped3A : memref<!tpu.dma_semaphore, #tpu.memory_space<semaphore_mem>>)
      %dma_wait3A = arith.constant 0 : i32
      %dma_wait3A_20 = arith.constant 0 : i32
      %dma_wait3A_21 = tpu.memref_slice %arg3[%arg0, %arg1, %dma_wait3A, %dma_wait3A_20] : memref<2x16x157x128xi32, #tpu.memory_space<hbm>> -> memref<1x1x157x128xi32, #tpu.memory_space<hbm>>
      %dma_wait3A_22 = tpu.memref_squeeze %dma_wait3A_21 : memref<1x1x157x128xi32, #tpu.memory_space<hbm>> -> memref<157x128xi32, #tpu.memory_space<hbm>>
      %dma_wait3A_23 = arith.constant 0 : i32
      %dma_wait3A_24 = arith.constant 0 : i32
      %dma_wait3A_25 = tpu.memref_slice %arg3[%arg0, %arg1, %dma_wait3A_23, %dma_wait3A_24] : memref<2x16x157x128xi32, #tpu.memory_space<hbm>> -> memref<1x1x157x128xi32, #tpu.memory_space<hbm>>
      %dma_wait3A_26 = tpu.memref_squeeze %dma_wait3A_25 : memref<1x1x157x128xi32, #tpu.memory_space<hbm>> -> memref<157x128xi32, #tpu.memory_space<hbm>>
      tpu.wait_dma2 semaphore(%run_scoped3A : memref<!tpu.dma_semaphore, #tpu.memory_space<semaphore_mem>>) src(%dma_wait3A_26 : memref<157x128xi32, #tpu.memory_space<hbm>>) dst(%arg7 : memref<157x128xi32, #tpu.memory_space<vmem>>)
      tpu.yield
    }) : () -> ()
    "tpu.region"() ({
      %run_scoped3A = tpu.sem_alloc : memref<!tpu.dma_semaphore, #tpu.memory_space<semaphore_mem>>
      %dma_start3A = arith.constant 0 : i32
      %dma_start3A_13 = arith.constant 0 : i32
      %dma_start3A_14 = tpu.memref_slice %arg4[%arg0, %arg1, %dma_start3A, %dma_start3A_13] : memref<2x16x157x128xi32, #tpu.memory_space<hbm>> -> memref<1x1x157x128xi32, #tpu.memory_space<hbm>>
      %dma_start3A_15 = tpu.memref_squeeze %dma_start3A_14 : memref<1x1x157x128xi32, #tpu.memory_space<hbm>> -> memref<157x128xi32, #tpu.memory_space<hbm>>
      %dma_start3A_16 = arith.constant 0 : i32
      %dma_start3A_17 = arith.constant 0 : i32
      %dma_start3A_18 = tpu.memref_slice %arg4[%arg0, %arg1, %dma_start3A_16, %dma_start3A_17] : memref<2x16x157x128xi32, #tpu.memory_space<hbm>> -> memref<1x1x157x128xi32, #tpu.memory_space<hbm>>
      %dma_start3A_19 = tpu.memref_squeeze %dma_start3A_18 : memref<1x1x157x128xi32, #tpu.memory_space<hbm>> -> memref<157x128xi32, #tpu.memory_space<hbm>>
      tpu.enqueue_dma source(%dma_start3A_19 : memref<157x128xi32, #tpu.memory_space<hbm>>) target(%arg8 : memref<157x128xi32, #tpu.memory_space<vmem>>) target_semaphore(%run_scoped3A : memref<!tpu.dma_semaphore, #tpu.memory_space<semaphore_mem>>)
      %dma_wait3A = arith.constant 0 : i32
      %dma_wait3A_20 = arith.constant 0 : i32
      %dma_wait3A_21 = tpu.memref_slice %arg4[%arg0, %arg1, %dma_wait3A, %dma_wait3A_20] : memref<2x16x157x128xi32, #tpu.memory_space<hbm>> -> memref<1x1x157x128xi32, #tpu.memory_space<hbm>>
      %dma_wait3A_22 = tpu.memref_squeeze %dma_wait3A_21 : memref<1x1x157x128xi32, #tpu.memory_space<hbm>> -> memref<157x128xi32, #tpu.memory_space<hbm>>
      %dma_wait3A_23 = arith.constant 0 : i32
      %dma_wait3A_24 = arith.constant 0 : i32
      %dma_wait3A_25 = tpu.memref_slice %arg4[%arg0, %arg1, %dma_wait3A_23, %dma_wait3A_24] : memref<2x16x157x128xi32, #tpu.memory_space<hbm>> -> memref<1x1x157x128xi32, #tpu.memory_space<hbm>>
      %dma_wait3A_26 = tpu.memref_squeeze %dma_wait3A_25 : memref<1x1x157x128xi32, #tpu.memory_space<hbm>> -> memref<157x128xi32, #tpu.memory_space<hbm>>
      tpu.wait_dma2 semaphore(%run_scoped3A : memref<!tpu.dma_semaphore, #tpu.memory_space<semaphore_mem>>) src(%dma_wait3A_26 : memref<157x128xi32, #tpu.memory_space<hbm>>) dst(%arg8 : memref<157x128xi32, #tpu.memory_space<vmem>>)
      tpu.yield
    }) : () -> ()
    %barrier3A = arith.constant 0 : index
    tpu.barrier barrier_id(%barrier3A)
    %scan3A = arith.constant 0 : i32
    %scan3A_3 = arith.constant 0 : i32
    %scan3A_4 = arith.constant 157 : i32
    %scan3A_5 = arith.addi %scan3A_3, %scan3A_4 : i32
    %scan3A_6 = arith.constant 1 : i32
    scf.for %scan3A_13 = %scan3A_3 to %scan3A_5 step %scan3A_6  : i32 {
      %dma_start3A = arith.constant 0 : i32
      %dma_start3A_14 = tpu.memref_slice %arg7[%scan3A_13, %dma_start3A] : memref<157x128xi32, #tpu.memory_space<vmem>> -> memref<1x128xi32, #tpu.memory_space<vmem>>
      %dma_start3A_15 = tpu.memref_squeeze %dma_start3A_14 : memref<1x128xi32, #tpu.memory_space<vmem>> -> memref<128xi32, #tpu.memory_space<vmem>>
      %dma_start3A_16 = arith.constant 0 : i32
      %dma_start3A_17 = arith.constant 0 : i32
      %dma_start3A_18 = tpu.memref_slice %arg2[%dma_start3A_16, %dma_start3A_17] : memref<20224x64xf32, #tpu.memory_space<hbm>> -> memref<20224x64xf32, #tpu.memory_space<hbm>>
      tpu.enqueue_indirect_dma source(%dma_start3A_18 : memref<20224x64xf32, #tpu.memory_space<hbm>>) target(%arg9 : memref<128x64xf32, #tpu.memory_space<vmem>>) offsets(%dma_start3A_15 : memref<128xi32, #tpu.memory_space<vmem>>) semaphore(%arg11 : memref<!tpu.dma_semaphore, #tpu.memory_space<semaphore_mem>>)
      %dma_wait3A = arith.constant 0 : i32
      %dma_wait3A_19 = tpu.memref_slice %arg7[%scan3A_13, %dma_wait3A] : memref<157x128xi32, #tpu.memory_space<vmem>> -> memref<1x128xi32, #tpu.memory_space<vmem>>
      %dma_wait3A_20 = tpu.memref_squeeze %dma_wait3A_19 : memref<1x128xi32, #tpu.memory_space<vmem>> -> memref<128xi32, #tpu.memory_space<vmem>>
      %dma_wait3A_21 = arith.constant 0 : i32
      %dma_wait3A_22 = arith.constant 0 : i32
      %dma_wait3A_23 = tpu.memref_slice %arg2[%dma_wait3A_21, %dma_wait3A_22] : memref<20224x64xf32, #tpu.memory_space<hbm>> -> memref<20224x64xf32, #tpu.memory_space<hbm>>
      tpu.wait_indirect_dma semaphore(%arg11 : memref<!tpu.dma_semaphore, #tpu.memory_space<semaphore_mem>>) src(%dma_wait3A_23 : memref<20224x64xf32, #tpu.memory_space<hbm>>) dst(%arg9 : memref<128x64xf32, #tpu.memory_space<vmem>>)
      "tpu.region"() ({
        %run_scoped3A = tpu.sem_alloc : memref<!tpu.dma_semaphore, #tpu.memory_space<semaphore_mem>>
        %dma_start3A_24 = arith.constant 0 : i32
        %dma_start3A_25 = tpu.memref_slice %arg8[%scan3A_13, %dma_start3A_24] : memref<157x128xi32, #tpu.memory_space<vmem>> -> memref<1x128xi32, #tpu.memory_space<vmem>>
        %dma_start3A_26 = tpu.memref_squeeze %dma_start3A_25 : memref<1x128xi32, #tpu.memory_space<vmem>> -> memref<128xi32, #tpu.memory_space<vmem>>
        %dma_start3A_27 = arith.constant 0 : i32
        %dma_start3A_28 = arith.constant 0 : i32
        %dma_start3A_29 = tpu.memref_slice %arg10[%dma_start3A_27, %dma_start3A_28] : memref<10112x64xf32, #tpu.memory_space<vmem_shared>> -> memref<10112x64xf32, #tpu.memory_space<vmem_shared>>
        tpu.enqueue_indirect_dma source(%arg9 : memref<128x64xf32, #tpu.memory_space<vmem>>) target(%dma_start3A_29 : memref<10112x64xf32, #tpu.memory_space<vmem_shared>>) offsets(%dma_start3A_26 : memref<128xi32, #tpu.memory_space<vmem>>) semaphore(%run_scoped3A : memref<!tpu.dma_semaphore, #tpu.memory_space<semaphore_mem>>) {add = true}
        %dma_wait3A_30 = arith.constant 0 : i32
        %dma_wait3A_31 = tpu.memref_slice %arg8[%scan3A_13, %dma_wait3A_30] : memref<157x128xi32, #tpu.memory_space<vmem>> -> memref<1x128xi32, #tpu.memory_space<vmem>>
        %dma_wait3A_32 = tpu.memref_squeeze %dma_wait3A_31 : memref<1x128xi32, #tpu.memory_space<vmem>> -> memref<128xi32, #tpu.memory_space<vmem>>
        %dma_wait3A_33 = arith.constant 0 : i32
        %dma_wait3A_34 = arith.constant 0 : i32
        %dma_wait3A_35 = tpu.memref_slice %arg10[%dma_wait3A_33, %dma_wait3A_34] : memref<10112x64xf32, #tpu.memory_space<vmem_shared>> -> memref<10112x64xf32, #tpu.memory_space<vmem_shared>>
        tpu.wait_indirect_dma semaphore(%run_scoped3A : memref<!tpu.dma_semaphore, #tpu.memory_space<semaphore_mem>>) src(%arg9 : memref<128x64xf32, #tpu.memory_space<vmem>>) dst(%dma_wait3A_35 : memref<10112x64xf32, #tpu.memory_space<vmem_shared>>)
        tpu.yield
      }) : () -> ()
    }
    %scan3A_7 = arith.constant 157 : i32
    %barrier3A_8 = arith.constant 0 : index
    tpu.barrier barrier_id(%barrier3A_8)
    %mul3A_9 = arith.constant 632 : i32
    %mul3A_10 = arith.muli %arg1, %mul3A_9 : i32
    %mul3A_11 = arith.constant 632 : i32
    %mul3A_12 = arith.muli %arg1, %mul3A_11 : i32
    "tpu.region"() ({
      %run_scoped3A = tpu.sem_alloc : memref<!tpu.dma_semaphore, #tpu.memory_space<semaphore_mem>>
      %dma_start3A = arith.constant 0 : i32
      %dma_start3A_13 = tpu.memref_slice %arg6[%arg0, %mul3A_12, %dma_start3A] : memref<2x10112x64xf32, #tpu.memory_space<hbm>> -> memref<1x632x64xf32, #tpu.memory_space<hbm>>
      %dma_start3A_14 = tpu.memref_squeeze %dma_start3A_13 : memref<1x632x64xf32, #tpu.memory_space<hbm>> -> memref<632x64xf32, #tpu.memory_space<hbm>>
      %dma_start3A_15 = arith.constant 0 : i32
      %dma_start3A_16 = tpu.memref_slice %arg10[%mul3A_10, %dma_start3A_15] : memref<10112x64xf32, #tpu.memory_space<vmem_shared>> -> memref<632x64xf32, #tpu.memory_space<vmem_shared>>
      tpu.enqueue_dma source(%dma_start3A_16 : memref<632x64xf32, #tpu.memory_space<vmem_shared>>) target(%dma_start3A_14 : memref<632x64xf32, #tpu.memory_space<hbm>>) target_semaphore(%run_scoped3A : memref<!tpu.dma_semaphore, #tpu.memory_space<semaphore_mem>>)
      %dma_wait3A = arith.constant 0 : i32
      %dma_wait3A_17 = tpu.memref_slice %arg6[%arg0, %mul3A_12, %dma_wait3A] : memref<2x10112x64xf32, #tpu.memory_space<hbm>> -> memref<1x632x64xf32, #tpu.memory_space<hbm>>
      %dma_wait3A_18 = tpu.memref_squeeze %dma_wait3A_17 : memref<1x632x64xf32, #tpu.memory_space<hbm>> -> memref<632x64xf32, #tpu.memory_space<hbm>>
      %dma_wait3A_19 = arith.constant 0 : i32
      %dma_wait3A_20 = tpu.memref_slice %arg10[%mul3A_10, %dma_wait3A_19] : memref<10112x64xf32, #tpu.memory_space<vmem_shared>> -> memref<632x64xf32, #tpu.memory_space<vmem_shared>>
      tpu.wait_dma2 semaphore(%run_scoped3A : memref<!tpu.dma_semaphore, #tpu.memory_space<semaphore_mem>>) src(%dma_wait3A_20 : memref<632x64xf32, #tpu.memory_space<vmem_shared>>) dst(%dma_wait3A_18 : memref<632x64xf32, #tpu.memory_space<hbm>>)
      tpu.yield
    }) : () -> ()
    return
  }
}

#map = affine_map<(d0, d1) -> (0, 0)>
#map1 = affine_map<(d0, d1) -> (0, 0, 0, 0)>
#map2 = affine_map<(d0, d1) -> (0, 0, 0)>
module attributes {stable_mosaic.version = 14 : i64} {
  func.func @_scatter_body(%arg0: i32, %arg1: i32, %arg2: memref<20224x64xf32, #tpu.memory_space<hbm>>, %arg3: memref<2x16x157x128xi32, #tpu.memory_space<hbm>>, %arg4: memref<2x16x157x128xi32, #tpu.memory_space<hbm>>, %arg5: memref<10112x64xf32, #tpu.memory_space<hbm>>, %arg6: memref<2x10112x64xf32, #tpu.memory_space<hbm>>, %arg7: memref<157x128xi32, #tpu.memory_space<vmem>>, %arg8: memref<157x128xi32, #tpu.memory_space<vmem>>, %arg9: memref<128x64xf32, #tpu.memory_space<vmem>>, %arg10: memref<10112x64xf32, #tpu.memory_space<vmem_shared>>, %arg11: memref<!tpu.dma_semaphore, #tpu.memory_space<semaphore_mem>>) attributes {dimension_semantics = [#tpu.dimension_semantics<core_parallel>, #tpu.dimension_semantics<subcore_parallel>], iteration_bounds = array<i64: 2, 16>, scalar_prefetch = 0 : i64, scratch_operands = 5 : i64, tpu.core_type = #tpu.core_type<sc_vector_subcore>, window_params = [{transform_indices = #map}, {transform_indices = #map1}, {transform_indices = #map1}, {transform_indices = #map}, {transform_indices = #map2}]} {
    %mul3A = arith.constant 632 : i32
    %mul3A_0 = arith.muli %arg1, %mul3A : i32
    %mul3A_1 = arith.constant 632 : i32
    %mul3A_2 = arith.muli %arg1, %mul3A_1 : i32
    "tpu.region"() ({
      %run_scoped3A = tpu.sem_alloc : memref<!tpu.dma_semaphore, #tpu.memory_space<semaphore_mem>>
      %dma_start3A = arith.constant 0 : i32
      %dma_start3A_13 = tpu.memref_slice %arg10[%mul3A_2, %dma_start3A] : memref<10112x64xf32, #tpu.memory_space<vmem_shared>> -> memref<632x64xf32, #tpu.memory_space<vmem_shared>>
      %dma_start3A_14 = arith.constant 0 : i32
      %dma_start3A_15 = tpu.memref_slice %arg5[%mul3A_0, %dma_start3A_14] : memref<10112x64xf32, #tpu.memory_space<hbm>> -> memref<632x64xf32, #tpu.memory_space<hbm>>
      tpu.enqueue_dma source(%dma_start3A_15 : memref<632x64xf32, #tpu.memory_space<hbm>>) target(%dma_start3A_13 : memref<632x64xf32, #tpu.memory_space<vmem_shared>>) target_semaphore(%run_scoped3A : memref<!tpu.dma_semaphore, #tpu.memory_space<semaphore_mem>>)
      %dma_wait3A = arith.constant 0 : i32
      %dma_wait3A_16 = tpu.memref_slice %arg10[%mul3A_2, %dma_wait3A] : memref<10112x64xf32, #tpu.memory_space<vmem_shared>> -> memref<632x64xf32, #tpu.memory_space<vmem_shared>>
      %dma_wait3A_17 = arith.constant 0 : i32
      %dma_wait3A_18 = tpu.memref_slice %arg5[%mul3A_0, %dma_wait3A_17] : memref<10112x64xf32, #tpu.memory_space<hbm>> -> memref<632x64xf32, #tpu.memory_space<hbm>>
      tpu.wait_dma2 semaphore(%run_scoped3A : memref<!tpu.dma_semaphore, #tpu.memory_space<semaphore_mem>>) src(%dma_wait3A_18 : memref<632x64xf32, #tpu.memory_space<hbm>>) dst(%dma_wait3A_16 : memref<632x64xf32, #tpu.memory_space<vmem_shared>>)
      tpu.yield
    }) : () -> ()
    "tpu.region"() ({
      %run_scoped3A = tpu.sem_alloc : memref<!tpu.dma_semaphore, #tpu.memory_space<semaphore_mem>>
      %dma_start3A = arith.constant 0 : i32
      %dma_start3A_13 = arith.constant 0 : i32
      %dma_start3A_14 = tpu.memref_slice %arg3[%arg0, %arg1, %dma_start3A, %dma_start3A_13] : memref<2x16x157x128xi32, #tpu.memory_space<hbm>> -> memref<1x1x157x128xi32, #tpu.memory_space<hbm>>
      %dma_start3A_15 = tpu.memref_squeeze %dma_start3A_14 : memref<1x1x157x128xi32, #tpu.memory_space<hbm>> -> memref<157x128xi32, #tpu.memory_space<hbm>>
      %dma_start3A_16 = arith.constant 0 : i32
      %dma_start3A_17 = arith.constant 0 : i32
      %dma_start3A_18 = tpu.memref_slice %arg3[%arg0, %arg1, %dma_start3A_16, %dma_start3A_17] : memref<2x16x157x128xi32, #tpu.memory_space<hbm>> -> memref<1x1x157x128xi32, #tpu.memory_space<hbm>>
      %dma_start3A_19 = tpu.memref_squeeze %dma_start3A_18 : memref<1x1x157x128xi32, #tpu.memory_space<hbm>> -> memref<157x128xi32, #tpu.memory_space<hbm>>
      tpu.enqueue_dma source(%dma_start3A_19 : memref<157x128xi32, #tpu.memory_space<hbm>>) target(%arg7 : memref<157x128xi32, #tpu.memory_space<vmem>>) target_semaphore(%run_scoped3A : memref<!tpu.dma_semaphore, #tpu.memory_space<semaphore_mem>>)
      %dma_wait3A = arith.constant 0 : i32
      %dma_wait3A_20 = arith.constant 0 : i32
      %dma_wait3A_21 = tpu.memref_slice %arg3[%arg0, %arg1, %dma_wait3A, %dma_wait3A_20] : memref<2x16x157x128xi32, #tpu.memory_space<hbm>> -> memref<1x1x157x128xi32, #tpu.memory_space<hbm>>
      %dma_wait3A_22 = tpu.memref_squeeze %dma_wait3A_21 : memref<1x1x157x128xi32, #tpu.memory_space<hbm>> -> memref<157x128xi32, #tpu.memory_space<hbm>>
      %dma_wait3A_23 = arith.constant 0 : i32
      %dma_wait3A_24 = arith.constant 0 : i32
      %dma_wait3A_25 = tpu.memref_slice %arg3[%arg0, %arg1, %dma_wait3A_23, %dma_wait3A_24] : memref<2x16x157x128xi32, #tpu.memory_space<hbm>> -> memref<1x1x157x128xi32, #tpu.memory_space<hbm>>
      %dma_wait3A_26 = tpu.memref_squeeze %dma_wait3A_25 : memref<1x1x157x128xi32, #tpu.memory_space<hbm>> -> memref<157x128xi32, #tpu.memory_space<hbm>>
      tpu.wait_dma2 semaphore(%run_scoped3A : memref<!tpu.dma_semaphore, #tpu.memory_space<semaphore_mem>>) src(%dma_wait3A_26 : memref<157x128xi32, #tpu.memory_space<hbm>>) dst(%arg7 : memref<157x128xi32, #tpu.memory_space<vmem>>)
      tpu.yield
    }) : () -> ()
    "tpu.region"() ({
      %run_scoped3A = tpu.sem_alloc : memref<!tpu.dma_semaphore, #tpu.memory_space<semaphore_mem>>
      %dma_start3A = arith.constant 0 : i32
      %dma_start3A_13 = arith.constant 0 : i32
      %dma_start3A_14 = tpu.memref_slice %arg4[%arg0, %arg1, %dma_start3A, %dma_start3A_13] : memref<2x16x157x128xi32, #tpu.memory_space<hbm>> -> memref<1x1x157x128xi32, #tpu.memory_space<hbm>>
      %dma_start3A_15 = tpu.memref_squeeze %dma_start3A_14 : memref<1x1x157x128xi32, #tpu.memory_space<hbm>> -> memref<157x128xi32, #tpu.memory_space<hbm>>
      %dma_start3A_16 = arith.constant 0 : i32
      %dma_start3A_17 = arith.constant 0 : i32
      %dma_start3A_18 = tpu.memref_slice %arg4[%arg0, %arg1, %dma_start3A_16, %dma_start3A_17] : memref<2x16x157x128xi32, #tpu.memory_space<hbm>> -> memref<1x1x157x128xi32, #tpu.memory_space<hbm>>
      %dma_start3A_19 = tpu.memref_squeeze %dma_start3A_18 : memref<1x1x157x128xi32, #tpu.memory_space<hbm>> -> memref<157x128xi32, #tpu.memory_space<hbm>>
      tpu.enqueue_dma source(%dma_start3A_19 : memref<157x128xi32, #tpu.memory_space<hbm>>) target(%arg8 : memref<157x128xi32, #tpu.memory_space<vmem>>) target_semaphore(%run_scoped3A : memref<!tpu.dma_semaphore, #tpu.memory_space<semaphore_mem>>)
      %dma_wait3A = arith.constant 0 : i32
      %dma_wait3A_20 = arith.constant 0 : i32
      %dma_wait3A_21 = tpu.memref_slice %arg4[%arg0, %arg1, %dma_wait3A, %dma_wait3A_20] : memref<2x16x157x128xi32, #tpu.memory_space<hbm>> -> memref<1x1x157x128xi32, #tpu.memory_space<hbm>>
      %dma_wait3A_22 = tpu.memref_squeeze %dma_wait3A_21 : memref<1x1x157x128xi32, #tpu.memory_space<hbm>> -> memref<157x128xi32, #tpu.memory_space<hbm>>
      %dma_wait3A_23 = arith.constant 0 : i32
      %dma_wait3A_24 = arith.constant 0 : i32
      %dma_wait3A_25 = tpu.memref_slice %arg4[%arg0, %arg1, %dma_wait3A_23, %dma_wait3A_24] : memref<2x16x157x128xi32, #tpu.memory_space<hbm>> -> memref<1x1x157x128xi32, #tpu.memory_space<hbm>>
      %dma_wait3A_26 = tpu.memref_squeeze %dma_wait3A_25 : memref<1x1x157x128xi32, #tpu.memory_space<hbm>> -> memref<157x128xi32, #tpu.memory_space<hbm>>
      tpu.wait_dma2 semaphore(%run_scoped3A : memref<!tpu.dma_semaphore, #tpu.memory_space<semaphore_mem>>) src(%dma_wait3A_26 : memref<157x128xi32, #tpu.memory_space<hbm>>) dst(%arg8 : memref<157x128xi32, #tpu.memory_space<vmem>>)
      tpu.yield
    }) : () -> ()
    %barrier3A = arith.constant 0 : index
    tpu.barrier barrier_id(%barrier3A)
    %scan3A = arith.constant 0 : i32
    %scan3A_3 = arith.constant 0 : i32
    %scan3A_4 = arith.constant 157 : i32
    %scan3A_5 = arith.addi %scan3A_3, %scan3A_4 : i32
    %scan3A_6 = arith.constant 1 : i32
    scf.for %scan3A_13 = %scan3A_3 to %scan3A_5 step %scan3A_6  : i32 {
      %dma_start3A = arith.constant 0 : i32
      %dma_start3A_14 = tpu.memref_slice %arg7[%scan3A_13, %dma_start3A] : memref<157x128xi32, #tpu.memory_space<vmem>> -> memref<1x128xi32, #tpu.memory_space<vmem>>
      %dma_start3A_15 = tpu.memref_squeeze %dma_start3A_14 : memref<1x128xi32, #tpu.memory_space<vmem>> -> memref<128xi32, #tpu.memory_space<vmem>>
      %dma_start3A_16 = arith.constant 0 : i32
      %dma_start3A_17 = arith.constant 0 : i32
      %dma_start3A_18 = tpu.memref_slice %arg2[%dma_start3A_16, %dma_start3A_17] : memref<20224x64xf32, #tpu.memory_space<hbm>> -> memref<20224x64xf32, #tpu.memory_space<hbm>>
      tpu.enqueue_indirect_dma source(%dma_start3A_18 : memref<20224x64xf32, #tpu.memory_space<hbm>>) target(%arg9 : memref<128x64xf32, #tpu.memory_space<vmem>>) offsets(%dma_start3A_15 : memref<128xi32, #tpu.memory_space<vmem>>) semaphore(%arg11 : memref<!tpu.dma_semaphore, #tpu.memory_space<semaphore_mem>>)
      %dma_wait3A = arith.constant 0 : i32
      %dma_wait3A_19 = tpu.memref_slice %arg7[%scan3A_13, %dma_wait3A] : memref<157x128xi32, #tpu.memory_space<vmem>> -> memref<1x128xi32, #tpu.memory_space<vmem>>
      %dma_wait3A_20 = tpu.memref_squeeze %dma_wait3A_19 : memref<1x128xi32, #tpu.memory_space<vmem>> -> memref<128xi32, #tpu.memory_space<vmem>>
      %dma_wait3A_21 = arith.constant 0 : i32
      %dma_wait3A_22 = arith.constant 0 : i32
      %dma_wait3A_23 = tpu.memref_slice %arg2[%dma_wait3A_21, %dma_wait3A_22] : memref<20224x64xf32, #tpu.memory_space<hbm>> -> memref<20224x64xf32, #tpu.memory_space<hbm>>
      tpu.wait_indirect_dma semaphore(%arg11 : memref<!tpu.dma_semaphore, #tpu.memory_space<semaphore_mem>>) src(%dma_wait3A_23 : memref<20224x64xf32, #tpu.memory_space<hbm>>) dst(%arg9 : memref<128x64xf32, #tpu.memory_space<vmem>>)
      "tpu.region"() ({
        %run_scoped3A = tpu.sem_alloc : memref<!tpu.dma_semaphore, #tpu.memory_space<semaphore_mem>>
        %dma_start3A_24 = arith.constant 0 : i32
        %dma_start3A_25 = tpu.memref_slice %arg8[%scan3A_13, %dma_start3A_24] : memref<157x128xi32, #tpu.memory_space<vmem>> -> memref<1x128xi32, #tpu.memory_space<vmem>>
        %dma_start3A_26 = tpu.memref_squeeze %dma_start3A_25 : memref<1x128xi32, #tpu.memory_space<vmem>> -> memref<128xi32, #tpu.memory_space<vmem>>
        %dma_start3A_27 = arith.constant 0 : i32
        %dma_start3A_28 = arith.constant 0 : i32
        %dma_start3A_29 = tpu.memref_slice %arg10[%dma_start3A_27, %dma_start3A_28] : memref<10112x64xf32, #tpu.memory_space<vmem_shared>> -> memref<10112x64xf32, #tpu.memory_space<vmem_shared>>
        tpu.enqueue_indirect_dma source(%arg9 : memref<128x64xf32, #tpu.memory_space<vmem>>) target(%dma_start3A_29 : memref<10112x64xf32, #tpu.memory_space<vmem_shared>>) offsets(%dma_start3A_26 : memref<128xi32, #tpu.memory_space<vmem>>) semaphore(%run_scoped3A : memref<!tpu.dma_semaphore, #tpu.memory_space<semaphore_mem>>) {add = true}
        %dma_wait3A_30 = arith.constant 0 : i32
        %dma_wait3A_31 = tpu.memref_slice %arg8[%scan3A_13, %dma_wait3A_30] : memref<157x128xi32, #tpu.memory_space<vmem>> -> memref<1x128xi32, #tpu.memory_space<vmem>>
        %dma_wait3A_32 = tpu.memref_squeeze %dma_wait3A_31 : memref<1x128xi32, #tpu.memory_space<vmem>> -> memref<128xi32, #tpu.memory_space<vmem>>
        %dma_wait3A_33 = arith.constant 0 : i32
        %dma_wait3A_34 = arith.constant 0 : i32
        %dma_wait3A_35 = tpu.memref_slice %arg10[%dma_wait3A_33, %dma_wait3A_34] : memref<10112x64xf32, #tpu.memory_space<vmem_shared>> -> memref<10112x64xf32, #tpu.memory_space<vmem_shared>>
        tpu.wait_indirect_dma semaphore(%run_scoped3A : memref<!tpu.dma_semaphore, #tpu.memory_space<semaphore_mem>>) src(%arg9 : memref<128x64xf32, #tpu.memory_space<vmem>>) dst(%dma_wait3A_35 : memref<10112x64xf32, #tpu.memory_space<vmem_shared>>)
        tpu.yield
      }) : () -> ()
    }
    %scan3A_7 = arith.constant 157 : i32
    %barrier3A_8 = arith.constant 0 : index
    tpu.barrier barrier_id(%barrier3A_8)
    %mul3A_9 = arith.constant 632 : i32
    %mul3A_10 = arith.muli %arg1, %mul3A_9 : i32
    %mul3A_11 = arith.constant 632 : i32
    %mul3A_12 = arith.muli %arg1, %mul3A_11 : i32
    "tpu.region"() ({
      %run_scoped3A = tpu.sem_alloc : memref<!tpu.dma_semaphore, #tpu.memory_space<semaphore_mem>>
      %dma_start3A = arith.constant 0 : i32
      %dma_start3A_13 = tpu.memref_slice %arg6[%arg0, %mul3A_12, %dma_start3A] : memref<2x10112x64xf32, #tpu.memory_space<hbm>> -> memref<1x632x64xf32, #tpu.memory_space<hbm>>
      %dma_start3A_14 = tpu.memref_squeeze %dma_start3A_13 : memref<1x632x64xf32, #tpu.memory_space<hbm>> -> memref<632x64xf32, #tpu.memory_space<hbm>>
      %dma_start3A_15 = arith.constant 0 : i32
      %dma_start3A_16 = tpu.memref_slice %arg10[%mul3A_10, %dma_start3A_15] : memref<10112x64xf32, #tpu.memory_space<vmem_shared>> -> memref<632x64xf32, #tpu.memory_space<vmem_shared>>
      tpu.enqueue_dma source(%dma_start3A_16 : memref<632x64xf32, #tpu.memory_space<vmem_shared>>) target(%dma_start3A_14 : memref<632x64xf32, #tpu.memory_space<hbm>>) target_semaphore(%run_scoped3A : memref<!tpu.dma_semaphore, #tpu.memory_space<semaphore_mem>>)
      %dma_wait3A = arith.constant 0 : i32
      %dma_wait3A_17 = tpu.memref_slice %arg6[%arg0, %mul3A_12, %dma_wait3A] : memref<2x10112x64xf32, #tpu.memory_space<hbm>> -> memref<1x632x64xf32, #tpu.memory_space<hbm>>
      %dma_wait3A_18 = tpu.memref_squeeze %dma_wait3A_17 : memref<1x632x64xf32, #tpu.memory_space<hbm>> -> memref<632x64xf32, #tpu.memory_space<hbm>>
      %dma_wait3A_19 = arith.constant 0 : i32
      %dma_wait3A_20 = tpu.memref_slice %arg10[%mul3A_10, %dma_wait3A_19] : memref<10112x64xf32, #tpu.memory_space<vmem_shared>> -> memref<632x64xf32, #tpu.memory_space<vmem_shared>>
      tpu.wait_dma2 semaphore(%run_scoped3A : memref<!tpu.dma_semaphore, #tpu.memory_space<semaphore_mem>>) src(%dma_wait3A_20 : memref<632x64xf32, #tpu.memory_space<vmem_shared>>) dst(%dma_wait3A_18 : memref<632x64xf32, #tpu.memory_space<hbm>>)
      tpu.yield
    }) : () -> ()
    return
  }
}

#map = affine_map<(d0, d1) -> (0, 0)>
#map1 = affine_map<(d0, d1) -> (0, 0, 0, 0)>
#map2 = affine_map<(d0, d1) -> (0, 0, 0)>
module attributes {stable_mosaic.version = 14 : i64} {
  func.func @_scatter_body(%arg0: i32, %arg1: i32, %arg2: memref<20224x64xf32, #tpu.memory_space<hbm>>, %arg3: memref<2x16x157x128xi32, #tpu.memory_space<hbm>>, %arg4: memref<2x16x157x128xi32, #tpu.memory_space<hbm>>, %arg5: memref<10112x64xf32, #tpu.memory_space<hbm>>, %arg6: memref<2x10112x64xf32, #tpu.memory_space<hbm>>, %arg7: memref<157x128xi32, #tpu.memory_space<vmem>>, %arg8: memref<157x128xi32, #tpu.memory_space<vmem>>, %arg9: memref<128x64xf32, #tpu.memory_space<vmem>>, %arg10: memref<10112x64xf32, #tpu.memory_space<vmem_shared>>, %arg11: memref<!tpu.dma_semaphore, #tpu.memory_space<semaphore_mem>>) attributes {dimension_semantics = [#tpu.dimension_semantics<core_parallel>, #tpu.dimension_semantics<subcore_parallel>], iteration_bounds = array<i64: 2, 16>, scalar_prefetch = 0 : i64, scratch_operands = 5 : i64, tpu.core_type = #tpu.core_type<sc_vector_subcore>, window_params = [{transform_indices = #map}, {transform_indices = #map1}, {transform_indices = #map1}, {transform_indices = #map}, {transform_indices = #map2}]} {
    %mul3A = arith.constant 632 : i32
    %mul3A_0 = arith.muli %arg1, %mul3A : i32
    %mul3A_1 = arith.constant 632 : i32
    %mul3A_2 = arith.muli %arg1, %mul3A_1 : i32
    "tpu.region"() ({
      %run_scoped3A = tpu.sem_alloc : memref<!tpu.dma_semaphore, #tpu.memory_space<semaphore_mem>>
      %dma_start3A = arith.constant 0 : i32
      %dma_start3A_13 = tpu.memref_slice %arg10[%mul3A_2, %dma_start3A] : memref<10112x64xf32, #tpu.memory_space<vmem_shared>> -> memref<632x64xf32, #tpu.memory_space<vmem_shared>>
      %dma_start3A_14 = arith.constant 0 : i32
      %dma_start3A_15 = tpu.memref_slice %arg5[%mul3A_0, %dma_start3A_14] : memref<10112x64xf32, #tpu.memory_space<hbm>> -> memref<632x64xf32, #tpu.memory_space<hbm>>
      tpu.enqueue_dma source(%dma_start3A_15 : memref<632x64xf32, #tpu.memory_space<hbm>>) target(%dma_start3A_13 : memref<632x64xf32, #tpu.memory_space<vmem_shared>>) target_semaphore(%run_scoped3A : memref<!tpu.dma_semaphore, #tpu.memory_space<semaphore_mem>>)
      %dma_wait3A = arith.constant 0 : i32
      %dma_wait3A_16 = tpu.memref_slice %arg10[%mul3A_2, %dma_wait3A] : memref<10112x64xf32, #tpu.memory_space<vmem_shared>> -> memref<632x64xf32, #tpu.memory_space<vmem_shared>>
      %dma_wait3A_17 = arith.constant 0 : i32
      %dma_wait3A_18 = tpu.memref_slice %arg5[%mul3A_0, %dma_wait3A_17] : memref<10112x64xf32, #tpu.memory_space<hbm>> -> memref<632x64xf32, #tpu.memory_space<hbm>>
      tpu.wait_dma2 semaphore(%run_scoped3A : memref<!tpu.dma_semaphore, #tpu.memory_space<semaphore_mem>>) src(%dma_wait3A_18 : memref<632x64xf32, #tpu.memory_space<hbm>>) dst(%dma_wait3A_16 : memref<632x64xf32, #tpu.memory_space<vmem_shared>>)
      tpu.yield
    }) : () -> ()
    "tpu.region"() ({
      %run_scoped3A = tpu.sem_alloc : memref<!tpu.dma_semaphore, #tpu.memory_space<semaphore_mem>>
      %dma_start3A = arith.constant 0 : i32
      %dma_start3A_13 = arith.constant 0 : i32
      %dma_start3A_14 = tpu.memref_slice %arg3[%arg0, %arg1, %dma_start3A, %dma_start3A_13] : memref<2x16x157x128xi32, #tpu.memory_space<hbm>> -> memref<1x1x157x128xi32, #tpu.memory_space<hbm>>
      %dma_start3A_15 = tpu.memref_squeeze %dma_start3A_14 : memref<1x1x157x128xi32, #tpu.memory_space<hbm>> -> memref<157x128xi32, #tpu.memory_space<hbm>>
      %dma_start3A_16 = arith.constant 0 : i32
      %dma_start3A_17 = arith.constant 0 : i32
      %dma_start3A_18 = tpu.memref_slice %arg3[%arg0, %arg1, %dma_start3A_16, %dma_start3A_17] : memref<2x16x157x128xi32, #tpu.memory_space<hbm>> -> memref<1x1x157x128xi32, #tpu.memory_space<hbm>>
      %dma_start3A_19 = tpu.memref_squeeze %dma_start3A_18 : memref<1x1x157x128xi32, #tpu.memory_space<hbm>> -> memref<157x128xi32, #tpu.memory_space<hbm>>
      tpu.enqueue_dma source(%dma_start3A_19 : memref<157x128xi32, #tpu.memory_space<hbm>>) target(%arg7 : memref<157x128xi32, #tpu.memory_space<vmem>>) target_semaphore(%run_scoped3A : memref<!tpu.dma_semaphore, #tpu.memory_space<semaphore_mem>>)
      %dma_wait3A = arith.constant 0 : i32
      %dma_wait3A_20 = arith.constant 0 : i32
      %dma_wait3A_21 = tpu.memref_slice %arg3[%arg0, %arg1, %dma_wait3A, %dma_wait3A_20] : memref<2x16x157x128xi32, #tpu.memory_space<hbm>> -> memref<1x1x157x128xi32, #tpu.memory_space<hbm>>
      %dma_wait3A_22 = tpu.memref_squeeze %dma_wait3A_21 : memref<1x1x157x128xi32, #tpu.memory_space<hbm>> -> memref<157x128xi32, #tpu.memory_space<hbm>>
      %dma_wait3A_23 = arith.constant 0 : i32
      %dma_wait3A_24 = arith.constant 0 : i32
      %dma_wait3A_25 = tpu.memref_slice %arg3[%arg0, %arg1, %dma_wait3A_23, %dma_wait3A_24] : memref<2x16x157x128xi32, #tpu.memory_space<hbm>> -> memref<1x1x157x128xi32, #tpu.memory_space<hbm>>
      %dma_wait3A_26 = tpu.memref_squeeze %dma_wait3A_25 : memref<1x1x157x128xi32, #tpu.memory_space<hbm>> -> memref<157x128xi32, #tpu.memory_space<hbm>>
      tpu.wait_dma2 semaphore(%run_scoped3A : memref<!tpu.dma_semaphore, #tpu.memory_space<semaphore_mem>>) src(%dma_wait3A_26 : memref<157x128xi32, #tpu.memory_space<hbm>>) dst(%arg7 : memref<157x128xi32, #tpu.memory_space<vmem>>)
      tpu.yield
    }) : () -> ()
    "tpu.region"() ({
      %run_scoped3A = tpu.sem_alloc : memref<!tpu.dma_semaphore, #tpu.memory_space<semaphore_mem>>
      %dma_start3A = arith.constant 0 : i32
      %dma_start3A_13 = arith.constant 0 : i32
      %dma_start3A_14 = tpu.memref_slice %arg4[%arg0, %arg1, %dma_start3A, %dma_start3A_13] : memref<2x16x157x128xi32, #tpu.memory_space<hbm>> -> memref<1x1x157x128xi32, #tpu.memory_space<hbm>>
      %dma_start3A_15 = tpu.memref_squeeze %dma_start3A_14 : memref<1x1x157x128xi32, #tpu.memory_space<hbm>> -> memref<157x128xi32, #tpu.memory_space<hbm>>
      %dma_start3A_16 = arith.constant 0 : i32
      %dma_start3A_17 = arith.constant 0 : i32
      %dma_start3A_18 = tpu.memref_slice %arg4[%arg0, %arg1, %dma_start3A_16, %dma_start3A_17] : memref<2x16x157x128xi32, #tpu.memory_space<hbm>> -> memref<1x1x157x128xi32, #tpu.memory_space<hbm>>
      %dma_start3A_19 = tpu.memref_squeeze %dma_start3A_18 : memref<1x1x157x128xi32, #tpu.memory_space<hbm>> -> memref<157x128xi32, #tpu.memory_space<hbm>>
      tpu.enqueue_dma source(%dma_start3A_19 : memref<157x128xi32, #tpu.memory_space<hbm>>) target(%arg8 : memref<157x128xi32, #tpu.memory_space<vmem>>) target_semaphore(%run_scoped3A : memref<!tpu.dma_semaphore, #tpu.memory_space<semaphore_mem>>)
      %dma_wait3A = arith.constant 0 : i32
      %dma_wait3A_20 = arith.constant 0 : i32
      %dma_wait3A_21 = tpu.memref_slice %arg4[%arg0, %arg1, %dma_wait3A, %dma_wait3A_20] : memref<2x16x157x128xi32, #tpu.memory_space<hbm>> -> memref<1x1x157x128xi32, #tpu.memory_space<hbm>>
      %dma_wait3A_22 = tpu.memref_squeeze %dma_wait3A_21 : memref<1x1x157x128xi32, #tpu.memory_space<hbm>> -> memref<157x128xi32, #tpu.memory_space<hbm>>
      %dma_wait3A_23 = arith.constant 0 : i32
      %dma_wait3A_24 = arith.constant 0 : i32
      %dma_wait3A_25 = tpu.memref_slice %arg4[%arg0, %arg1, %dma_wait3A_23, %dma_wait3A_24] : memref<2x16x157x128xi32, #tpu.memory_space<hbm>> -> memref<1x1x157x128xi32, #tpu.memory_space<hbm>>
      %dma_wait3A_26 = tpu.memref_squeeze %dma_wait3A_25 : memref<1x1x157x128xi32, #tpu.memory_space<hbm>> -> memref<157x128xi32, #tpu.memory_space<hbm>>
      tpu.wait_dma2 semaphore(%run_scoped3A : memref<!tpu.dma_semaphore, #tpu.memory_space<semaphore_mem>>) src(%dma_wait3A_26 : memref<157x128xi32, #tpu.memory_space<hbm>>) dst(%arg8 : memref<157x128xi32, #tpu.memory_space<vmem>>)
      tpu.yield
    }) : () -> ()
    %barrier3A = arith.constant 0 : index
    tpu.barrier barrier_id(%barrier3A)
    %scan3A = arith.constant 0 : i32
    %scan3A_3 = arith.constant 0 : i32
    %scan3A_4 = arith.constant 157 : i32
    %scan3A_5 = arith.addi %scan3A_3, %scan3A_4 : i32
    %scan3A_6 = arith.constant 1 : i32
    scf.for %scan3A_13 = %scan3A_3 to %scan3A_5 step %scan3A_6  : i32 {
      %dma_start3A = arith.constant 0 : i32
      %dma_start3A_14 = tpu.memref_slice %arg7[%scan3A_13, %dma_start3A] : memref<157x128xi32, #tpu.memory_space<vmem>> -> memref<1x128xi32, #tpu.memory_space<vmem>>
      %dma_start3A_15 = tpu.memref_squeeze %dma_start3A_14 : memref<1x128xi32, #tpu.memory_space<vmem>> -> memref<128xi32, #tpu.memory_space<vmem>>
      %dma_start3A_16 = arith.constant 0 : i32
      %dma_start3A_17 = arith.constant 0 : i32
      %dma_start3A_18 = tpu.memref_slice %arg2[%dma_start3A_16, %dma_start3A_17] : memref<20224x64xf32, #tpu.memory_space<hbm>> -> memref<20224x64xf32, #tpu.memory_space<hbm>>
      tpu.enqueue_indirect_dma source(%dma_start3A_18 : memref<20224x64xf32, #tpu.memory_space<hbm>>) target(%arg9 : memref<128x64xf32, #tpu.memory_space<vmem>>) offsets(%dma_start3A_15 : memref<128xi32, #tpu.memory_space<vmem>>) semaphore(%arg11 : memref<!tpu.dma_semaphore, #tpu.memory_space<semaphore_mem>>)
      %dma_wait3A = arith.constant 0 : i32
      %dma_wait3A_19 = tpu.memref_slice %arg7[%scan3A_13, %dma_wait3A] : memref<157x128xi32, #tpu.memory_space<vmem>> -> memref<1x128xi32, #tpu.memory_space<vmem>>
      %dma_wait3A_20 = tpu.memref_squeeze %dma_wait3A_19 : memref<1x128xi32, #tpu.memory_space<vmem>> -> memref<128xi32, #tpu.memory_space<vmem>>
      %dma_wait3A_21 = arith.constant 0 : i32
      %dma_wait3A_22 = arith.constant 0 : i32
      %dma_wait3A_23 = tpu.memref_slice %arg2[%dma_wait3A_21, %dma_wait3A_22] : memref<20224x64xf32, #tpu.memory_space<hbm>> -> memref<20224x64xf32, #tpu.memory_space<hbm>>
      tpu.wait_indirect_dma semaphore(%arg11 : memref<!tpu.dma_semaphore, #tpu.memory_space<semaphore_mem>>) src(%dma_wait3A_23 : memref<20224x64xf32, #tpu.memory_space<hbm>>) dst(%arg9 : memref<128x64xf32, #tpu.memory_space<vmem>>)
      "tpu.region"() ({
        %run_scoped3A = tpu.sem_alloc : memref<!tpu.dma_semaphore, #tpu.memory_space<semaphore_mem>>
        %dma_start3A_24 = arith.constant 0 : i32
        %dma_start3A_25 = tpu.memref_slice %arg8[%scan3A_13, %dma_start3A_24] : memref<157x128xi32, #tpu.memory_space<vmem>> -> memref<1x128xi32, #tpu.memory_space<vmem>>
        %dma_start3A_26 = tpu.memref_squeeze %dma_start3A_25 : memref<1x128xi32, #tpu.memory_space<vmem>> -> memref<128xi32, #tpu.memory_space<vmem>>
        %dma_start3A_27 = arith.constant 0 : i32
        %dma_start3A_28 = arith.constant 0 : i32
        %dma_start3A_29 = tpu.memref_slice %arg10[%dma_start3A_27, %dma_start3A_28] : memref<10112x64xf32, #tpu.memory_space<vmem_shared>> -> memref<10112x64xf32, #tpu.memory_space<vmem_shared>>
        tpu.enqueue_indirect_dma source(%arg9 : memref<128x64xf32, #tpu.memory_space<vmem>>) target(%dma_start3A_29 : memref<10112x64xf32, #tpu.memory_space<vmem_shared>>) offsets(%dma_start3A_26 : memref<128xi32, #tpu.memory_space<vmem>>) semaphore(%run_scoped3A : memref<!tpu.dma_semaphore, #tpu.memory_space<semaphore_mem>>) {add = true}
        %dma_wait3A_30 = arith.constant 0 : i32
        %dma_wait3A_31 = tpu.memref_slice %arg8[%scan3A_13, %dma_wait3A_30] : memref<157x128xi32, #tpu.memory_space<vmem>> -> memref<1x128xi32, #tpu.memory_space<vmem>>
        %dma_wait3A_32 = tpu.memref_squeeze %dma_wait3A_31 : memref<1x128xi32, #tpu.memory_space<vmem>> -> memref<128xi32, #tpu.memory_space<vmem>>
        %dma_wait3A_33 = arith.constant 0 : i32
        %dma_wait3A_34 = arith.constant 0 : i32
        %dma_wait3A_35 = tpu.memref_slice %arg10[%dma_wait3A_33, %dma_wait3A_34] : memref<10112x64xf32, #tpu.memory_space<vmem_shared>> -> memref<10112x64xf32, #tpu.memory_space<vmem_shared>>
        tpu.wait_indirect_dma semaphore(%run_scoped3A : memref<!tpu.dma_semaphore, #tpu.memory_space<semaphore_mem>>) src(%arg9 : memref<128x64xf32, #tpu.memory_space<vmem>>) dst(%dma_wait3A_35 : memref<10112x64xf32, #tpu.memory_space<vmem_shared>>)
        tpu.yield
      }) : () -> ()
    }
    %scan3A_7 = arith.constant 157 : i32
    %barrier3A_8 = arith.constant 0 : index
    tpu.barrier barrier_id(%barrier3A_8)
    %mul3A_9 = arith.constant 632 : i32
    %mul3A_10 = arith.muli %arg1, %mul3A_9 : i32
    %mul3A_11 = arith.constant 632 : i32
    %mul3A_12 = arith.muli %arg1, %mul3A_11 : i32
    "tpu.region"() ({
      %run_scoped3A = tpu.sem_alloc : memref<!tpu.dma_semaphore, #tpu.memory_space<semaphore_mem>>
      %dma_start3A = arith.constant 0 : i32
      %dma_start3A_13 = tpu.memref_slice %arg6[%arg0, %mul3A_12, %dma_start3A] : memref<2x10112x64xf32, #tpu.memory_space<hbm>> -> memref<1x632x64xf32, #tpu.memory_space<hbm>>
      %dma_start3A_14 = tpu.memref_squeeze %dma_start3A_13 : memref<1x632x64xf32, #tpu.memory_space<hbm>> -> memref<632x64xf32, #tpu.memory_space<hbm>>
      %dma_start3A_15 = arith.constant 0 : i32
      %dma_start3A_16 = tpu.memref_slice %arg10[%mul3A_10, %dma_start3A_15] : memref<10112x64xf32, #tpu.memory_space<vmem_shared>> -> memref<632x64xf32, #tpu.memory_space<vmem_shared>>
      tpu.enqueue_dma source(%dma_start3A_16 : memref<632x64xf32, #tpu.memory_space<vmem_shared>>) target(%dma_start3A_14 : memref<632x64xf32, #tpu.memory_space<hbm>>) target_semaphore(%run_scoped3A : memref<!tpu.dma_semaphore, #tpu.memory_space<semaphore_mem>>)
      %dma_wait3A = arith.constant 0 : i32
      %dma_wait3A_17 = tpu.memref_slice %arg6[%arg0, %mul3A_12, %dma_wait3A] : memref<2x10112x64xf32, #tpu.memory_space<hbm>> -> memref<1x632x64xf32, #tpu.memory_space<hbm>>
      %dma_wait3A_18 = tpu.memref_squeeze %dma_wait3A_17 : memref<1x632x64xf32, #tpu.memory_space<hbm>> -> memref<632x64xf32, #tpu.memory_space<hbm>>
      %dma_wait3A_19 = arith.constant 0 : i32
      %dma_wait3A_20 = tpu.memref_slice %arg10[%mul3A_10, %dma_wait3A_19] : memref<10112x64xf32, #tpu.memory_space<vmem_shared>> -> memref<632x64xf32, #tpu.memory_space<vmem_shared>>
      tpu.wait_dma2 semaphore(%run_scoped3A : memref<!tpu.dma_semaphore, #tpu.memory_space<semaphore_mem>>) src(%dma_wait3A_20 : memref<632x64xf32, #tpu.memory_space<vmem_shared>>) dst(%dma_wait3A_18 : memref<632x64xf32, #tpu.memory_space<hbm>>)
      tpu.yield
    }) : () -> ()
    return
  }
}

#map = affine_map<(d0, d1) -> (0, 0)>
#map1 = affine_map<(d0, d1) -> (0, 0, 0, 0)>
#map2 = affine_map<(d0, d1) -> (0, 0, 0)>
module attributes {stable_mosaic.version = 14 : i64} {
  func.func @_scatter_body(%arg0: i32, %arg1: i32, %arg2: memref<20224x64xf32, #tpu.memory_space<hbm>>, %arg3: memref<2x16x157x128xi32, #tpu.memory_space<hbm>>, %arg4: memref<2x16x157x128xi32, #tpu.memory_space<hbm>>, %arg5: memref<10112x64xf32, #tpu.memory_space<hbm>>, %arg6: memref<2x10112x64xf32, #tpu.memory_space<hbm>>, %arg7: memref<157x128xi32, #tpu.memory_space<vmem>>, %arg8: memref<157x128xi32, #tpu.memory_space<vmem>>, %arg9: memref<128x64xf32, #tpu.memory_space<vmem>>, %arg10: memref<10112x64xf32, #tpu.memory_space<vmem_shared>>, %arg11: memref<!tpu.dma_semaphore, #tpu.memory_space<semaphore_mem>>) attributes {dimension_semantics = [#tpu.dimension_semantics<core_parallel>, #tpu.dimension_semantics<subcore_parallel>], iteration_bounds = array<i64: 2, 16>, scalar_prefetch = 0 : i64, scratch_operands = 5 : i64, tpu.core_type = #tpu.core_type<sc_vector_subcore>, window_params = [{transform_indices = #map}, {transform_indices = #map1}, {transform_indices = #map1}, {transform_indices = #map}, {transform_indices = #map2}]} {
    %mul3A = arith.constant 632 : i32
    %mul3A_0 = arith.muli %arg1, %mul3A : i32
    %mul3A_1 = arith.constant 632 : i32
    %mul3A_2 = arith.muli %arg1, %mul3A_1 : i32
    "tpu.region"() ({
      %run_scoped3A = tpu.sem_alloc : memref<!tpu.dma_semaphore, #tpu.memory_space<semaphore_mem>>
      %dma_start3A = arith.constant 0 : i32
      %dma_start3A_13 = tpu.memref_slice %arg10[%mul3A_2, %dma_start3A] : memref<10112x64xf32, #tpu.memory_space<vmem_shared>> -> memref<632x64xf32, #tpu.memory_space<vmem_shared>>
      %dma_start3A_14 = arith.constant 0 : i32
      %dma_start3A_15 = tpu.memref_slice %arg5[%mul3A_0, %dma_start3A_14] : memref<10112x64xf32, #tpu.memory_space<hbm>> -> memref<632x64xf32, #tpu.memory_space<hbm>>
      tpu.enqueue_dma source(%dma_start3A_15 : memref<632x64xf32, #tpu.memory_space<hbm>>) target(%dma_start3A_13 : memref<632x64xf32, #tpu.memory_space<vmem_shared>>) target_semaphore(%run_scoped3A : memref<!tpu.dma_semaphore, #tpu.memory_space<semaphore_mem>>)
      %dma_wait3A = arith.constant 0 : i32
      %dma_wait3A_16 = tpu.memref_slice %arg10[%mul3A_2, %dma_wait3A] : memref<10112x64xf32, #tpu.memory_space<vmem_shared>> -> memref<632x64xf32, #tpu.memory_space<vmem_shared>>
      %dma_wait3A_17 = arith.constant 0 : i32
      %dma_wait3A_18 = tpu.memref_slice %arg5[%mul3A_0, %dma_wait3A_17] : memref<10112x64xf32, #tpu.memory_space<hbm>> -> memref<632x64xf32, #tpu.memory_space<hbm>>
      tpu.wait_dma2 semaphore(%run_scoped3A : memref<!tpu.dma_semaphore, #tpu.memory_space<semaphore_mem>>) src(%dma_wait3A_18 : memref<632x64xf32, #tpu.memory_space<hbm>>) dst(%dma_wait3A_16 : memref<632x64xf32, #tpu.memory_space<vmem_shared>>)
      tpu.yield
    }) : () -> ()
    "tpu.region"() ({
      %run_scoped3A = tpu.sem_alloc : memref<!tpu.dma_semaphore, #tpu.memory_space<semaphore_mem>>
      %dma_start3A = arith.constant 0 : i32
      %dma_start3A_13 = arith.constant 0 : i32
      %dma_start3A_14 = tpu.memref_slice %arg3[%arg0, %arg1, %dma_start3A, %dma_start3A_13] : memref<2x16x157x128xi32, #tpu.memory_space<hbm>> -> memref<1x1x157x128xi32, #tpu.memory_space<hbm>>
      %dma_start3A_15 = tpu.memref_squeeze %dma_start3A_14 : memref<1x1x157x128xi32, #tpu.memory_space<hbm>> -> memref<157x128xi32, #tpu.memory_space<hbm>>
      %dma_start3A_16 = arith.constant 0 : i32
      %dma_start3A_17 = arith.constant 0 : i32
      %dma_start3A_18 = tpu.memref_slice %arg3[%arg0, %arg1, %dma_start3A_16, %dma_start3A_17] : memref<2x16x157x128xi32, #tpu.memory_space<hbm>> -> memref<1x1x157x128xi32, #tpu.memory_space<hbm>>
      %dma_start3A_19 = tpu.memref_squeeze %dma_start3A_18 : memref<1x1x157x128xi32, #tpu.memory_space<hbm>> -> memref<157x128xi32, #tpu.memory_space<hbm>>
      tpu.enqueue_dma source(%dma_start3A_19 : memref<157x128xi32, #tpu.memory_space<hbm>>) target(%arg7 : memref<157x128xi32, #tpu.memory_space<vmem>>) target_semaphore(%run_scoped3A : memref<!tpu.dma_semaphore, #tpu.memory_space<semaphore_mem>>)
      %dma_wait3A = arith.constant 0 : i32
      %dma_wait3A_20 = arith.constant 0 : i32
      %dma_wait3A_21 = tpu.memref_slice %arg3[%arg0, %arg1, %dma_wait3A, %dma_wait3A_20] : memref<2x16x157x128xi32, #tpu.memory_space<hbm>> -> memref<1x1x157x128xi32, #tpu.memory_space<hbm>>
      %dma_wait3A_22 = tpu.memref_squeeze %dma_wait3A_21 : memref<1x1x157x128xi32, #tpu.memory_space<hbm>> -> memref<157x128xi32, #tpu.memory_space<hbm>>
      %dma_wait3A_23 = arith.constant 0 : i32
      %dma_wait3A_24 = arith.constant 0 : i32
      %dma_wait3A_25 = tpu.memref_slice %arg3[%arg0, %arg1, %dma_wait3A_23, %dma_wait3A_24] : memref<2x16x157x128xi32, #tpu.memory_space<hbm>> -> memref<1x1x157x128xi32, #tpu.memory_space<hbm>>
      %dma_wait3A_26 = tpu.memref_squeeze %dma_wait3A_25 : memref<1x1x157x128xi32, #tpu.memory_space<hbm>> -> memref<157x128xi32, #tpu.memory_space<hbm>>
      tpu.wait_dma2 semaphore(%run_scoped3A : memref<!tpu.dma_semaphore, #tpu.memory_space<semaphore_mem>>) src(%dma_wait3A_26 : memref<157x128xi32, #tpu.memory_space<hbm>>) dst(%arg7 : memref<157x128xi32, #tpu.memory_space<vmem>>)
      tpu.yield
    }) : () -> ()
    "tpu.region"() ({
      %run_scoped3A = tpu.sem_alloc : memref<!tpu.dma_semaphore, #tpu.memory_space<semaphore_mem>>
      %dma_start3A = arith.constant 0 : i32
      %dma_start3A_13 = arith.constant 0 : i32
      %dma_start3A_14 = tpu.memref_slice %arg4[%arg0, %arg1, %dma_start3A, %dma_start3A_13] : memref<2x16x157x128xi32, #tpu.memory_space<hbm>> -> memref<1x1x157x128xi32, #tpu.memory_space<hbm>>
      %dma_start3A_15 = tpu.memref_squeeze %dma_start3A_14 : memref<1x1x157x128xi32, #tpu.memory_space<hbm>> -> memref<157x128xi32, #tpu.memory_space<hbm>>
      %dma_start3A_16 = arith.constant 0 : i32
      %dma_start3A_17 = arith.constant 0 : i32
      %dma_start3A_18 = tpu.memref_slice %arg4[%arg0, %arg1, %dma_start3A_16, %dma_start3A_17] : memref<2x16x157x128xi32, #tpu.memory_space<hbm>> -> memref<1x1x157x128xi32, #tpu.memory_space<hbm>>
      %dma_start3A_19 = tpu.memref_squeeze %dma_start3A_18 : memref<1x1x157x128xi32, #tpu.memory_space<hbm>> -> memref<157x128xi32, #tpu.memory_space<hbm>>
      tpu.enqueue_dma source(%dma_start3A_19 : memref<157x128xi32, #tpu.memory_space<hbm>>) target(%arg8 : memref<157x128xi32, #tpu.memory_space<vmem>>) target_semaphore(%run_scoped3A : memref<!tpu.dma_semaphore, #tpu.memory_space<semaphore_mem>>)
      %dma_wait3A = arith.constant 0 : i32
      %dma_wait3A_20 = arith.constant 0 : i32
      %dma_wait3A_21 = tpu.memref_slice %arg4[%arg0, %arg1, %dma_wait3A, %dma_wait3A_20] : memref<2x16x157x128xi32, #tpu.memory_space<hbm>> -> memref<1x1x157x128xi32, #tpu.memory_space<hbm>>
      %dma_wait3A_22 = tpu.memref_squeeze %dma_wait3A_21 : memref<1x1x157x128xi32, #tpu.memory_space<hbm>> -> memref<157x128xi32, #tpu.memory_space<hbm>>
      %dma_wait3A_23 = arith.constant 0 : i32
      %dma_wait3A_24 = arith.constant 0 : i32
      %dma_wait3A_25 = tpu.memref_slice %arg4[%arg0, %arg1, %dma_wait3A_23, %dma_wait3A_24] : memref<2x16x157x128xi32, #tpu.memory_space<hbm>> -> memref<1x1x157x128xi32, #tpu.memory_space<hbm>>
      %dma_wait3A_26 = tpu.memref_squeeze %dma_wait3A_25 : memref<1x1x157x128xi32, #tpu.memory_space<hbm>> -> memref<157x128xi32, #tpu.memory_space<hbm>>
      tpu.wait_dma2 semaphore(%run_scoped3A : memref<!tpu.dma_semaphore, #tpu.memory_space<semaphore_mem>>) src(%dma_wait3A_26 : memref<157x128xi32, #tpu.memory_space<hbm>>) dst(%arg8 : memref<157x128xi32, #tpu.memory_space<vmem>>)
      tpu.yield
    }) : () -> ()
    %barrier3A = arith.constant 0 : index
    tpu.barrier barrier_id(%barrier3A)
    %scan3A = arith.constant 0 : i32
    %scan3A_3 = arith.constant 0 : i32
    %scan3A_4 = arith.constant 157 : i32
    %scan3A_5 = arith.addi %scan3A_3, %scan3A_4 : i32
    %scan3A_6 = arith.constant 1 : i32
    scf.for %scan3A_13 = %scan3A_3 to %scan3A_5 step %scan3A_6  : i32 {
      %dma_start3A = arith.constant 0 : i32
      %dma_start3A_14 = tpu.memref_slice %arg7[%scan3A_13, %dma_start3A] : memref<157x128xi32, #tpu.memory_space<vmem>> -> memref<1x128xi32, #tpu.memory_space<vmem>>
      %dma_start3A_15 = tpu.memref_squeeze %dma_start3A_14 : memref<1x128xi32, #tpu.memory_space<vmem>> -> memref<128xi32, #tpu.memory_space<vmem>>
      %dma_start3A_16 = arith.constant 0 : i32
      %dma_start3A_17 = arith.constant 0 : i32
      %dma_start3A_18 = tpu.memref_slice %arg2[%dma_start3A_16, %dma_start3A_17] : memref<20224x64xf32, #tpu.memory_space<hbm>> -> memref<20224x64xf32, #tpu.memory_space<hbm>>
      tpu.enqueue_indirect_dma source(%dma_start3A_18 : memref<20224x64xf32, #tpu.memory_space<hbm>>) target(%arg9 : memref<128x64xf32, #tpu.memory_space<vmem>>) offsets(%dma_start3A_15 : memref<128xi32, #tpu.memory_space<vmem>>) semaphore(%arg11 : memref<!tpu.dma_semaphore, #tpu.memory_space<semaphore_mem>>)
      %dma_wait3A = arith.constant 0 : i32
      %dma_wait3A_19 = tpu.memref_slice %arg7[%scan3A_13, %dma_wait3A] : memref<157x128xi32, #tpu.memory_space<vmem>> -> memref<1x128xi32, #tpu.memory_space<vmem>>
      %dma_wait3A_20 = tpu.memref_squeeze %dma_wait3A_19 : memref<1x128xi32, #tpu.memory_space<vmem>> -> memref<128xi32, #tpu.memory_space<vmem>>
      %dma_wait3A_21 = arith.constant 0 : i32
      %dma_wait3A_22 = arith.constant 0 : i32
      %dma_wait3A_23 = tpu.memref_slice %arg2[%dma_wait3A_21, %dma_wait3A_22] : memref<20224x64xf32, #tpu.memory_space<hbm>> -> memref<20224x64xf32, #tpu.memory_space<hbm>>
      tpu.wait_indirect_dma semaphore(%arg11 : memref<!tpu.dma_semaphore, #tpu.memory_space<semaphore_mem>>) src(%dma_wait3A_23 : memref<20224x64xf32, #tpu.memory_space<hbm>>) dst(%arg9 : memref<128x64xf32, #tpu.memory_space<vmem>>)
      "tpu.region"() ({
        %run_scoped3A = tpu.sem_alloc : memref<!tpu.dma_semaphore, #tpu.memory_space<semaphore_mem>>
        %dma_start3A_24 = arith.constant 0 : i32
        %dma_start3A_25 = tpu.memref_slice %arg8[%scan3A_13, %dma_start3A_24] : memref<157x128xi32, #tpu.memory_space<vmem>> -> memref<1x128xi32, #tpu.memory_space<vmem>>
        %dma_start3A_26 = tpu.memref_squeeze %dma_start3A_25 : memref<1x128xi32, #tpu.memory_space<vmem>> -> memref<128xi32, #tpu.memory_space<vmem>>
        %dma_start3A_27 = arith.constant 0 : i32
        %dma_start3A_28 = arith.constant 0 : i32
        %dma_start3A_29 = tpu.memref_slice %arg10[%dma_start3A_27, %dma_start3A_28] : memref<10112x64xf32, #tpu.memory_space<vmem_shared>> -> memref<10112x64xf32, #tpu.memory_space<vmem_shared>>
        tpu.enqueue_indirect_dma source(%arg9 : memref<128x64xf32, #tpu.memory_space<vmem>>) target(%dma_start3A_29 : memref<10112x64xf32, #tpu.memory_space<vmem_shared>>) offsets(%dma_start3A_26 : memref<128xi32, #tpu.memory_space<vmem>>) semaphore(%run_scoped3A : memref<!tpu.dma_semaphore, #tpu.memory_space<semaphore_mem>>) {add = true}
        %dma_wait3A_30 = arith.constant 0 : i32
        %dma_wait3A_31 = tpu.memref_slice %arg8[%scan3A_13, %dma_wait3A_30] : memref<157x128xi32, #tpu.memory_space<vmem>> -> memref<1x128xi32, #tpu.memory_space<vmem>>
        %dma_wait3A_32 = tpu.memref_squeeze %dma_wait3A_31 : memref<1x128xi32, #tpu.memory_space<vmem>> -> memref<128xi32, #tpu.memory_space<vmem>>
        %dma_wait3A_33 = arith.constant 0 : i32
        %dma_wait3A_34 = arith.constant 0 : i32
        %dma_wait3A_35 = tpu.memref_slice %arg10[%dma_wait3A_33, %dma_wait3A_34] : memref<10112x64xf32, #tpu.memory_space<vmem_shared>> -> memref<10112x64xf32, #tpu.memory_space<vmem_shared>>
        tpu.wait_indirect_dma semaphore(%run_scoped3A : memref<!tpu.dma_semaphore, #tpu.memory_space<semaphore_mem>>) src(%arg9 : memref<128x64xf32, #tpu.memory_space<vmem>>) dst(%dma_wait3A_35 : memref<10112x64xf32, #tpu.memory_space<vmem_shared>>)
        tpu.yield
      }) : () -> ()
    }
    %scan3A_7 = arith.constant 157 : i32
    %barrier3A_8 = arith.constant 0 : index
    tpu.barrier barrier_id(%barrier3A_8)
    %mul3A_9 = arith.constant 632 : i32
    %mul3A_10 = arith.muli %arg1, %mul3A_9 : i32
    %mul3A_11 = arith.constant 632 : i32
    %mul3A_12 = arith.muli %arg1, %mul3A_11 : i32
    "tpu.region"() ({
      %run_scoped3A = tpu.sem_alloc : memref<!tpu.dma_semaphore, #tpu.memory_space<semaphore_mem>>
      %dma_start3A = arith.constant 0 : i32
      %dma_start3A_13 = tpu.memref_slice %arg6[%arg0, %mul3A_12, %dma_start3A] : memref<2x10112x64xf32, #tpu.memory_space<hbm>> -> memref<1x632x64xf32, #tpu.memory_space<hbm>>
      %dma_start3A_14 = tpu.memref_squeeze %dma_start3A_13 : memref<1x632x64xf32, #tpu.memory_space<hbm>> -> memref<632x64xf32, #tpu.memory_space<hbm>>
      %dma_start3A_15 = arith.constant 0 : i32
      %dma_start3A_16 = tpu.memref_slice %arg10[%mul3A_10, %dma_start3A_15] : memref<10112x64xf32, #tpu.memory_space<vmem_shared>> -> memref<632x64xf32, #tpu.memory_space<vmem_shared>>
      tpu.enqueue_dma source(%dma_start3A_16 : memref<632x64xf32, #tpu.memory_space<vmem_shared>>) target(%dma_start3A_14 : memref<632x64xf32, #tpu.memory_space<hbm>>) target_semaphore(%run_scoped3A : memref<!tpu.dma_semaphore, #tpu.memory_space<semaphore_mem>>)
      %dma_wait3A = arith.constant 0 : i32
      %dma_wait3A_17 = tpu.memref_slice %arg6[%arg0, %mul3A_12, %dma_wait3A] : memref<2x10112x64xf32, #tpu.memory_space<hbm>> -> memref<1x632x64xf32, #tpu.memory_space<hbm>>
      %dma_wait3A_18 = tpu.memref_squeeze %dma_wait3A_17 : memref<1x632x64xf32, #tpu.memory_space<hbm>> -> memref<632x64xf32, #tpu.memory_space<hbm>>
      %dma_wait3A_19 = arith.constant 0 : i32
      %dma_wait3A_20 = tpu.memref_slice %arg10[%mul3A_10, %dma_wait3A_19] : memref<10112x64xf32, #tpu.memory_space<vmem_shared>> -> memref<632x64xf32, #tpu.memory_space<vmem_shared>>
      tpu.wait_dma2 semaphore(%run_scoped3A : memref<!tpu.dma_semaphore, #tpu.memory_space<semaphore_mem>>) src(%dma_wait3A_20 : memref<632x64xf32, #tpu.memory_space<vmem_shared>>) dst(%dma_wait3A_18 : memref<632x64xf32, #tpu.memory_space<hbm>>)
      tpu.yield
    }) : () -> ()
    return
  }
}

module attributes {stable_mosaic.version = 14 : i64} {
  func.func @_msg_body(%arg0: i32, %arg1: memref<1x10112x64xf32, #tpu.memory_space<vmem>>, %arg2: memref<1x64x128xf32, #tpu.memory_space<vmem>>, %arg3: memref<1x10112x128xf32, #tpu.memory_space<vmem>>) attributes {dimension_semantics = [#tpu.dimension_semantics<arbitrary>], iteration_bounds = array<i64: 2>, scalar_prefetch = 0 : i64, scratch_operands = 0 : i64, tpu.core_type = #tpu.core_type<tc>, window_params = [{transform_indices = @transform_0, window_bounds = array<i64: 1, 10112, 64>}, {transform_indices = @transform_1, window_bounds = array<i64: 1, 64, 128>}, {transform_indices = @transform_2, window_bounds = array<i64: 1, 10112, 128>}]} {
    %get3A = arith.constant 0 : index
    %get3A_0 = arith.constant 0 : index
    %get3A_1 = arith.constant 0 : index
    %get3A_2 = vector.load %arg1[%get3A, %get3A_0, %get3A_1] : memref<1x10112x64xf32, #tpu.memory_space<vmem>>, vector<1x10112x64xf32>
    %get3A_3 = vector.shape_cast %get3A_2 : vector<1x10112x64xf32> to vector<10112x64xf32>
    %convert_element_type3A = arith.truncf %get3A_3 : vector<10112x64xf32> to vector<10112x64xbf16>
    %convert_element_type3A_4 = arith.extf %convert_element_type3A : vector<10112x64xbf16> to vector<10112x64xf32>
    %get3A_5 = arith.constant 0 : index
    %get3A_6 = arith.constant 0 : index
    %get3A_7 = arith.constant 0 : index
    %get3A_8 = vector.load %arg2[%get3A_5, %get3A_6, %get3A_7] : memref<1x64x128xf32, #tpu.memory_space<vmem>>, vector<1x64x128xf32>
    %get3A_9 = vector.shape_cast %get3A_8 : vector<1x64x128xf32> to vector<64x128xf32>
    %convert_element_type3A_10 = arith.truncf %get3A_9 : vector<64x128xf32> to vector<64x128xbf16>
    %convert_element_type3A_11 = arith.extf %convert_element_type3A_10 : vector<64x128xbf16> to vector<64x128xf32>
    %dot_general3A = arith.constant dense<0.000000e+00> : vector<10112x128xf32>
    %dot_general3A_12 = tpu.matmul %convert_element_type3A_4, %convert_element_type3A_11, %dot_general3A {dimension_numbers = #tpu.dot_dimension_numbers<[1], [0], [0], [1], [0, 0, 1, 1], [], []>, precision = #tpu.contract_precision<fp32>, transpose_lhs_hint = false} : vector<10112x64xf32>, vector<64x128xf32>, vector<10112x128xf32> -> vector<10112x128xf32>
    %swap3A = arith.constant 0 : index
    %swap3A_13 = arith.constant 0 : index
    %swap3A_14 = arith.constant 0 : index
    %swap3A_15 = vector.load %arg3[%swap3A, %swap3A_13, %swap3A_14] : memref<1x10112x128xf32, #tpu.memory_space<vmem>>, vector<1x10112x128xf32>
    %swap3A_16 = vector.shape_cast %swap3A_15 : vector<1x10112x128xf32> to vector<10112x128xf32>
    %swap3A_17 = vector.shape_cast %dot_general3A_12 : vector<10112x128xf32> to vector<1x10112x128xf32>
    tpu.vector_store %arg3[%swap3A, %swap3A_13, %swap3A_14], %swap3A_17 {strides = array<i32>} : memref<1x10112x128xf32, #tpu.memory_space<vmem>>, vector<1x10112x128xf32>,
    return
  }
  func.func @transform_0(%arg0: i32) -> (i32, i32, i32) {
    %c0_i32 = arith.constant 0 : i32
    %c0_i32_0 = arith.constant 0 : i32
    %c0_i32_1 = arith.constant 0 : i32
    return %arg0, %c0_i32, %c0_i32_0 : i32, i32, i32
  }
  func.func @transform_1(%arg0: i32) -> (i32, i32, i32) {
    %c0_i32 = arith.constant 0 : i32
    %c0_i32_0 = arith.constant 0 : i32
    %c0_i32_1 = arith.constant 0 : i32
    return %arg0, %c0_i32, %c0_i32_0 : i32, i32, i32
  }
  func.func @transform_2(%arg0: i32) -> (i32, i32, i32) {
    %c0_i32 = arith.constant 0 : i32
    %c0_i32_0 = arith.constant 0 : i32
    %c0_i32_1 = arith.constant 0 : i32
    return %arg0, %c0_i32, %c0_i32_0 : i32, i32, i32
  }
}

module attributes {stable_mosaic.version = 14 : i64} {
  func.func @_h0_body(%arg0: i32, %arg1: memref<1x10112x1xi32, #tpu.memory_space<vmem>>, %arg2: memref<16x64xf32, #tpu.memory_space<vmem>>, %arg3: memref<1x10112x64xf32, #tpu.memory_space<vmem>>) attributes {dimension_semantics = [#tpu.dimension_semantics<arbitrary>], iteration_bounds = array<i64: 2>, scalar_prefetch = 0 : i64, scratch_operands = 0 : i64, tpu.core_type = #tpu.core_type<tc>, window_params = [{transform_indices = @transform_0, window_bounds = array<i64: 1, 10112, 1>}, {pipeline_mode = #tpu.pipeline_mode<synchronous>, transform_indices = @transform_1, window_bounds = array<i64: 16, 64>}, {transform_indices = @transform_2, window_bounds = array<i64: 1, 10112, 64>}]} {
    %get3A = arith.constant 0 : index
    %get3A_0 = arith.constant 0 : index
    %get3A_1 = arith.constant 0 : index
    %get3A_2 = vector.load %arg1[%get3A, %get3A_0, %get3A_1] : memref<1x10112x1xi32, #tpu.memory_space<vmem>>, vector<1x10112x1xi32>
    %get3A_3 = vector.shape_cast %get3A_2 : vector<1x10112x1xi32> to vector<10112x1xi32>
    %get3A_4 = arith.constant 0 : index
    %get3A_5 = arith.constant 0 : index
    %get3A_6 = vector.load %arg2[%get3A_4, %get3A_5] : memref<16x64xf32, #tpu.memory_space<vmem>>, vector<16x64xf32>
    %broadcast_in_dim3A = arith.constant 0.000000e+00 : f32
    %broadcast_in_dim3A_7 = vector.broadcast %broadcast_in_dim3A : f32 to vector<10112x64xf32>
    %eq3A = arith.constant 0 : i32
    %eq3A_8 = vector.broadcast %eq3A : i32 to vector<10112x1xi32>
    %eq3A_9 = arith.cmpi eq, %get3A_3, %eq3A_8 : vector<10112x1xi32>
    %jit3A = arith.constant 1.000000e+00 : f32
    %jit3A_10 = arith.constant 0.000000e+00 : f32
    %broadcast_in_dim3A_11 = vector.broadcast %jit3A : f32 to vector<10112x1xf32>
    %broadcast_in_dim3A_12 = vector.broadcast %jit3A_10 : f32 to vector<10112x1xf32>
    %select_n3A = arith.select %eq3A_9, %broadcast_in_dim3A_11, %broadcast_in_dim3A_12 : vector<10112x1xi1>, vector<10112x1xf32>
    %slice3A = vector.extract_strided_slice %get3A_6 {offsets = [0, 0], sizes = [1, 64], strides = [1, 1]} : vector<16x64xf32> to vector<1x64xf32>
    %mul3A = vector.broadcast %select_n3A : vector<10112x1xf32> to vector<10112x64xf32>
    %mul3A_13 = vector.broadcast %slice3A : vector<1x64xf32> to vector<10112x64xf32>
    %mul3A_14 = arith.mulf %mul3A, %mul3A_13 : vector<10112x64xf32>
    %add3A = arith.addf %broadcast_in_dim3A_7, %mul3A_14 : vector<10112x64xf32>
    %eq3A_15 = arith.constant 1 : i32
    %eq3A_16 = vector.broadcast %eq3A_15 : i32 to vector<10112x1xi32>
    %eq3A_17 = arith.cmpi eq, %get3A_3, %eq3A_16 : vector<10112x1xi32>
    %jit3A_18 = arith.constant 1.000000e+00 : f32
    %jit3A_19 = arith.constant 0.000000e+00 : f32
    %broadcast_in_dim3A_20 = vector.broadcast %jit3A_18 : f32 to vector<10112x1xf32>
    %broadcast_in_dim3A_21 = vector.broadcast %jit3A_19 : f32 to vector<10112x1xf32>
    %select_n3A_22 = arith.select %eq3A_17, %broadcast_in_dim3A_20, %broadcast_in_dim3A_21 : vector<10112x1xi1>, vector<10112x1xf32>
    %slice3A_23 = vector.extract_strided_slice %get3A_6 {offsets = [1, 0], sizes = [1, 64], strides = [1, 1]} : vector<16x64xf32> to vector<1x64xf32>
    %mul3A_24 = vector.broadcast %select_n3A_22 : vector<10112x1xf32> to vector<10112x64xf32>
    %mul3A_25 = vector.broadcast %slice3A_23 : vector<1x64xf32> to vector<10112x64xf32>
    %mul3A_26 = arith.mulf %mul3A_24, %mul3A_25 : vector<10112x64xf32>
    %add3A_27 = arith.addf %add3A, %mul3A_26 : vector<10112x64xf32>
    %eq3A_28 = arith.constant 2 : i32
    %eq3A_29 = vector.broadcast %eq3A_28 : i32 to vector<10112x1xi32>
    %eq3A_30 = arith.cmpi eq, %get3A_3, %eq3A_29 : vector<10112x1xi32>
    %jit3A_31 = arith.constant 1.000000e+00 : f32
    %jit3A_32 = arith.constant 0.000000e+00 : f32
    %broadcast_in_dim3A_33 = vector.broadcast %jit3A_31 : f32 to vector<10112x1xf32>
    %broadcast_in_dim3A_34 = vector.broadcast %jit3A_32 : f32 to vector<10112x1xf32>
    %select_n3A_35 = arith.select %eq3A_30, %broadcast_in_dim3A_33, %broadcast_in_dim3A_34 : vector<10112x1xi1>, vector<10112x1xf32>
    %slice3A_36 = vector.extract_strided_slice %get3A_6 {offsets = [2, 0], sizes = [1, 64], strides = [1, 1]} : vector<16x64xf32> to vector<1x64xf32>
    %mul3A_37 = vector.broadcast %select_n3A_35 : vector<10112x1xf32> to vector<10112x64xf32>
    %mul3A_38 = vector.broadcast %slice3A_36 : vector<1x64xf32> to vector<10112x64xf32>
    %mul3A_39 = arith.mulf %mul3A_37, %mul3A_38 : vector<10112x64xf32>
    %add3A_40 = arith.addf %add3A_27, %mul3A_39 : vector<10112x64xf32>
    %eq3A_41 = arith.constant 3 : i32
    %eq3A_42 = vector.broadcast %eq3A_41 : i32 to vector<10112x1xi32>
    %eq3A_43 = arith.cmpi eq, %get3A_3, %eq3A_42 : vector<10112x1xi32>
    %jit3A_44 = arith.constant 1.000000e+00 : f32
    %jit3A_45 = arith.constant 0.000000e+00 : f32
    %broadcast_in_dim3A_46 = vector.broadcast %jit3A_44 : f32 to vector<10112x1xf32>
    %broadcast_in_dim3A_47 = vector.broadcast %jit3A_45 : f32 to vector<10112x1xf32>
    %select_n3A_48 = arith.select %eq3A_43, %broadcast_in_dim3A_46, %broadcast_in_dim3A_47 : vector<10112x1xi1>, vector<10112x1xf32>
    %slice3A_49 = vector.extract_strided_slice %get3A_6 {offsets = [3, 0], sizes = [1, 64], strides = [1, 1]} : vector<16x64xf32> to vector<1x64xf32>
    %mul3A_50 = vector.broadcast %select_n3A_48 : vector<10112x1xf32> to vector<10112x64xf32>
    %mul3A_51 = vector.broadcast %slice3A_49 : vector<1x64xf32> to vector<10112x64xf32>
    %mul3A_52 = arith.mulf %mul3A_50, %mul3A_51 : vector<10112x64xf32>
    %add3A_53 = arith.addf %add3A_40, %mul3A_52 : vector<10112x64xf32>
    %eq3A_54 = arith.constant 4 : i32
    %eq3A_55 = vector.broadcast %eq3A_54 : i32 to vector<10112x1xi32>
    %eq3A_56 = arith.cmpi eq, %get3A_3, %eq3A_55 : vector<10112x1xi32>
    %jit3A_57 = arith.constant 1.000000e+00 : f32
    %jit3A_58 = arith.constant 0.000000e+00 : f32
    %broadcast_in_dim3A_59 = vector.broadcast %jit3A_57 : f32 to vector<10112x1xf32>
    %broadcast_in_dim3A_60 = vector.broadcast %jit3A_58 : f32 to vector<10112x1xf32>
    %select_n3A_61 = arith.select %eq3A_56, %broadcast_in_dim3A_59, %broadcast_in_dim3A_60 : vector<10112x1xi1>, vector<10112x1xf32>
    %slice3A_62 = vector.extract_strided_slice %get3A_6 {offsets = [4, 0], sizes = [1, 64], strides = [1, 1]} : vector<16x64xf32> to vector<1x64xf32>
    %mul3A_63 = vector.broadcast %select_n3A_61 : vector<10112x1xf32> to vector<10112x64xf32>
    %mul3A_64 = vector.broadcast %slice3A_62 : vector<1x64xf32> to vector<10112x64xf32>
    %mul3A_65 = arith.mulf %mul3A_63, %mul3A_64 : vector<10112x64xf32>
    %add3A_66 = arith.addf %add3A_53, %mul3A_65 : vector<10112x64xf32>
    %eq3A_67 = arith.constant 5 : i32
    %eq3A_68 = vector.broadcast %eq3A_67 : i32 to vector<10112x1xi32>
    %eq3A_69 = arith.cmpi eq, %get3A_3, %eq3A_68 : vector<10112x1xi32>
    %jit3A_70 = arith.constant 1.000000e+00 : f32
    %jit3A_71 = arith.constant 0.000000e+00 : f32
    %broadcast_in_dim3A_72 = vector.broadcast %jit3A_70 : f32 to vector<10112x1xf32>
    %broadcast_in_dim3A_73 = vector.broadcast %jit3A_71 : f32 to vector<10112x1xf32>
    %select_n3A_74 = arith.select %eq3A_69, %broadcast_in_dim3A_72, %broadcast_in_dim3A_73 : vector<10112x1xi1>, vector<10112x1xf32>
    %slice3A_75 = vector.extract_strided_slice %get3A_6 {offsets = [5, 0], sizes = [1, 64], strides = [1, 1]} : vector<16x64xf32> to vector<1x64xf32>
    %mul3A_76 = vector.broadcast %select_n3A_74 : vector<10112x1xf32> to vector<10112x64xf32>
    %mul3A_77 = vector.broadcast %slice3A_75 : vector<1x64xf32> to vector<10112x64xf32>
    %mul3A_78 = arith.mulf %mul3A_76, %mul3A_77 : vector<10112x64xf32>
    %add3A_79 = arith.addf %add3A_66, %mul3A_78 : vector<10112x64xf32>
    %eq3A_80 = arith.constant 6 : i32
    %eq3A_81 = vector.broadcast %eq3A_80 : i32 to vector<10112x1xi32>
    %eq3A_82 = arith.cmpi eq, %get3A_3, %eq3A_81 : vector<10112x1xi32>
    %jit3A_83 = arith.constant 1.000000e+00 : f32
    %jit3A_84 = arith.constant 0.000000e+00 : f32
    %broadcast_in_dim3A_85 = vector.broadcast %jit3A_83 : f32 to vector<10112x1xf32>
    %broadcast_in_dim3A_86 = vector.broadcast %jit3A_84 : f32 to vector<10112x1xf32>
    %select_n3A_87 = arith.select %eq3A_82, %broadcast_in_dim3A_85, %broadcast_in_dim3A_86 : vector<10112x1xi1>, vector<10112x1xf32>
    %slice3A_88 = vector.extract_strided_slice %get3A_6 {offsets = [6, 0], sizes = [1, 64], strides = [1, 1]} : vector<16x64xf32> to vector<1x64xf32>
    %mul3A_89 = vector.broadcast %select_n3A_87 : vector<10112x1xf32> to vector<10112x64xf32>
    %mul3A_90 = vector.broadcast %slice3A_88 : vector<1x64xf32> to vector<10112x64xf32>
    %mul3A_91 = arith.mulf %mul3A_89, %mul3A_90 : vector<10112x64xf32>
    %add3A_92 = arith.addf %add3A_79, %mul3A_91 : vector<10112x64xf32>
    %eq3A_93 = arith.constant 7 : i32
    %eq3A_94 = vector.broadcast %eq3A_93 : i32 to vector<10112x1xi32>
    %eq3A_95 = arith.cmpi eq, %get3A_3, %eq3A_94 : vector<10112x1xi32>
    %jit3A_96 = arith.constant 1.000000e+00 : f32
    %jit3A_97 = arith.constant 0.000000e+00 : f32
    %broadcast_in_dim3A_98 = vector.broadcast %jit3A_96 : f32 to vector<10112x1xf32>
    %broadcast_in_dim3A_99 = vector.broadcast %jit3A_97 : f32 to vector<10112x1xf32>
    %select_n3A_100 = arith.select %eq3A_95, %broadcast_in_dim3A_98, %broadcast_in_dim3A_99 : vector<10112x1xi1>, vector<10112x1xf32>
    %slice3A_101 = vector.extract_strided_slice %get3A_6 {offsets = [7, 0], sizes = [1, 64], strides = [1, 1]} : vector<16x64xf32> to vector<1x64xf32>
    %mul3A_102 = vector.broadcast %select_n3A_100 : vector<10112x1xf32> to vector<10112x64xf32>
    %mul3A_103 = vector.broadcast %slice3A_101 : vector<1x64xf32> to vector<10112x64xf32>
    %mul3A_104 = arith.mulf %mul3A_102, %mul3A_103 : vector<10112x64xf32>
    %add3A_105 = arith.addf %add3A_92, %mul3A_104 : vector<10112x64xf32>
    %eq3A_106 = arith.constant 8 : i32
    %eq3A_107 = vector.broadcast %eq3A_106 : i32 to vector<10112x1xi32>
    %eq3A_108 = arith.cmpi eq, %get3A_3, %eq3A_107 : vector<10112x1xi32>
    %jit3A_109 = arith.constant 1.000000e+00 : f32
    %jit3A_110 = arith.constant 0.000000e+00 : f32
    %broadcast_in_dim3A_111 = vector.broadcast %jit3A_109 : f32 to vector<10112x1xf32>
    %broadcast_in_dim3A_112 = vector.broadcast %jit3A_110 : f32 to vector<10112x1xf32>
    %select_n3A_113 = arith.select %eq3A_108, %broadcast_in_dim3A_111, %broadcast_in_dim3A_112 : vector<10112x1xi1>, vector<10112x1xf32>
    %slice3A_114 = vector.extract_strided_slice %get3A_6 {offsets = [8, 0], sizes = [1, 64], strides = [1, 1]} : vector<16x64xf32> to vector<1x64xf32>
    %mul3A_115 = vector.broadcast %select_n3A_113 : vector<10112x1xf32> to vector<10112x64xf32>
    %mul3A_116 = vector.broadcast %slice3A_114 : vector<1x64xf32> to vector<10112x64xf32>
    %mul3A_117 = arith.mulf %mul3A_115, %mul3A_116 : vector<10112x64xf32>
    %add3A_118 = arith.addf %add3A_105, %mul3A_117 : vector<10112x64xf32>
    %eq3A_119 = arith.constant 9 : i32
    %eq3A_120 = vector.broadcast %eq3A_119 : i32 to vector<10112x1xi32>
    %eq3A_121 = arith.cmpi eq, %get3A_3, %eq3A_120 : vector<10112x1xi32>
    %jit3A_122 = arith.constant 1.000000e+00 : f32
    %jit3A_123 = arith.constant 0.000000e+00 : f32
    %broadcast_in_dim3A_124 = vector.broadcast %jit3A_122 : f32 to vector<10112x1xf32>
    %broadcast_in_dim3A_125 = vector.broadcast %jit3A_123 : f32 to vector<10112x1xf32>
    %select_n3A_126 = arith.select %eq3A_121, %broadcast_in_dim3A_124, %broadcast_in_dim3A_125 : vector<10112x1xi1>, vector<10112x1xf32>
    %slice3A_127 = vector.extract_strided_slice %get3A_6 {offsets = [9, 0], sizes = [1, 64], strides = [1, 1]} : vector<16x64xf32> to vector<1x64xf32>
    %mul3A_128 = vector.broadcast %select_n3A_126 : vector<10112x1xf32> to vector<10112x64xf32>
    %mul3A_129 = vector.broadcast %slice3A_127 : vector<1x64xf32> to vector<10112x64xf32>
    %mul3A_130 = arith.mulf %mul3A_128, %mul3A_129 : vector<10112x64xf32>
    %add3A_131 = arith.addf %add3A_118, %mul3A_130 : vector<10112x64xf32>
    %eq3A_132 = arith.constant 10 : i32
    %eq3A_133 = vector.broadcast %eq3A_132 : i32 to vector<10112x1xi32>
    %eq3A_134 = arith.cmpi eq, %get3A_3, %eq3A_133 : vector<10112x1xi32>
    %jit3A_135 = arith.constant 1.000000e+00 : f32
    %jit3A_136 = arith.constant 0.000000e+00 : f32
    %broadcast_in_dim3A_137 = vector.broadcast %jit3A_135 : f32 to vector<10112x1xf32>
    %broadcast_in_dim3A_138 = vector.broadcast %jit3A_136 : f32 to vector<10112x1xf32>
    %select_n3A_139 = arith.select %eq3A_134, %broadcast_in_dim3A_137, %broadcast_in_dim3A_138 : vector<10112x1xi1>, vector<10112x1xf32>
    %slice3A_140 = vector.extract_strided_slice %get3A_6 {offsets = [10, 0], sizes = [1, 64], strides = [1, 1]} : vector<16x64xf32> to vector<1x64xf32>
    %mul3A_141 = vector.broadcast %select_n3A_139 : vector<10112x1xf32> to vector<10112x64xf32>
    %mul3A_142 = vector.broadcast %slice3A_140 : vector<1x64xf32> to vector<10112x64xf32>
    %mul3A_143 = arith.mulf %mul3A_141, %mul3A_142 : vector<10112x64xf32>
    %add3A_144 = arith.addf %add3A_131, %mul3A_143 : vector<10112x64xf32>
    %eq3A_145 = arith.constant 11 : i32
    %eq3A_146 = vector.broadcast %eq3A_145 : i32 to vector<10112x1xi32>
    %eq3A_147 = arith.cmpi eq, %get3A_3, %eq3A_146 : vector<10112x1xi32>
    %jit3A_148 = arith.constant 1.000000e+00 : f32
    %jit3A_149 = arith.constant 0.000000e+00 : f32
    %broadcast_in_dim3A_150 = vector.broadcast %jit3A_148 : f32 to vector<10112x1xf32>
    %broadcast_in_dim3A_151 = vector.broadcast %jit3A_149 : f32 to vector<10112x1xf32>
    %select_n3A_152 = arith.select %eq3A_147, %broadcast_in_dim3A_150, %broadcast_in_dim3A_151 : vector<10112x1xi1>, vector<10112x1xf32>
    %slice3A_153 = vector.extract_strided_slice %get3A_6 {offsets = [11, 0], sizes = [1, 64], strides = [1, 1]} : vector<16x64xf32> to vector<1x64xf32>
    %mul3A_154 = vector.broadcast %select_n3A_152 : vector<10112x1xf32> to vector<10112x64xf32>
    %mul3A_155 = vector.broadcast %slice3A_153 : vector<1x64xf32> to vector<10112x64xf32>
    %mul3A_156 = arith.mulf %mul3A_154, %mul3A_155 : vector<10112x64xf32>
    %add3A_157 = arith.addf %add3A_144, %mul3A_156 : vector<10112x64xf32>
    %eq3A_158 = arith.constant 12 : i32
    %eq3A_159 = vector.broadcast %eq3A_158 : i32 to vector<10112x1xi32>
    %eq3A_160 = arith.cmpi eq, %get3A_3, %eq3A_159 : vector<10112x1xi32>
    %jit3A_161 = arith.constant 1.000000e+00 : f32
    %jit3A_162 = arith.constant 0.000000e+00 : f32
    %broadcast_in_dim3A_163 = vector.broadcast %jit3A_161 : f32 to vector<10112x1xf32>
    %broadcast_in_dim3A_164 = vector.broadcast %jit3A_162 : f32 to vector<10112x1xf32>
    %select_n3A_165 = arith.select %eq3A_160, %broadcast_in_dim3A_163, %broadcast_in_dim3A_164 : vector<10112x1xi1>, vector<10112x1xf32>
    %slice3A_166 = vector.extract_strided_slice %get3A_6 {offsets = [12, 0], sizes = [1, 64], strides = [1, 1]} : vector<16x64xf32> to vector<1x64xf32>
    %mul3A_167 = vector.broadcast %select_n3A_165 : vector<10112x1xf32> to vector<10112x64xf32>
    %mul3A_168 = vector.broadcast %slice3A_166 : vector<1x64xf32> to vector<10112x64xf32>
    %mul3A_169 = arith.mulf %mul3A_167, %mul3A_168 : vector<10112x64xf32>
    %add3A_170 = arith.addf %add3A_157, %mul3A_169 : vector<10112x64xf32>
    %eq3A_171 = arith.constant 13 : i32
    %eq3A_172 = vector.broadcast %eq3A_171 : i32 to vector<10112x1xi32>
    %eq3A_173 = arith.cmpi eq, %get3A_3, %eq3A_172 : vector<10112x1xi32>
    %jit3A_174 = arith.constant 1.000000e+00 : f32
    %jit3A_175 = arith.constant 0.000000e+00 : f32
    %broadcast_in_dim3A_176 = vector.broadcast %jit3A_174 : f32 to vector<10112x1xf32>
    %broadcast_in_dim3A_177 = vector.broadcast %jit3A_175 : f32 to vector<10112x1xf32>
    %select_n3A_178 = arith.select %eq3A_173, %broadcast_in_dim3A_176, %broadcast_in_dim3A_177 : vector<10112x1xi1>, vector<10112x1xf32>
    %slice3A_179 = vector.extract_strided_slice %get3A_6 {offsets = [13, 0], sizes = [1, 64], strides = [1, 1]} : vector<16x64xf32> to vector<1x64xf32>
    %mul3A_180 = vector.broadcast %select_n3A_178 : vector<10112x1xf32> to vector<10112x64xf32>
    %mul3A_181 = vector.broadcast %slice3A_179 : vector<1x64xf32> to vector<10112x64xf32>
    %mul3A_182 = arith.mulf %mul3A_180, %mul3A_181 : vector<10112x64xf32>
    %add3A_183 = arith.addf %add3A_170, %mul3A_182 : vector<10112x64xf32>
    %eq3A_184 = arith.constant 14 : i32
    %eq3A_185 = vector.broadcast %eq3A_184 : i32 to vector<10112x1xi32>
    %eq3A_186 = arith.cmpi eq, %get3A_3, %eq3A_185 : vector<10112x1xi32>
    %jit3A_187 = arith.constant 1.000000e+00 : f32
    %jit3A_188 = arith.constant 0.000000e+00 : f32
    %broadcast_in_dim3A_189 = vector.broadcast %jit3A_187 : f32 to vector<10112x1xf32>
    %broadcast_in_dim3A_190 = vector.broadcast %jit3A_188 : f32 to vector<10112x1xf32>
    %select_n3A_191 = arith.select %eq3A_186, %broadcast_in_dim3A_189, %broadcast_in_dim3A_190 : vector<10112x1xi1>, vector<10112x1xf32>
    %slice3A_192 = vector.extract_strided_slice %get3A_6 {offsets = [14, 0], sizes = [1, 64], strides = [1, 1]} : vector<16x64xf32> to vector<1x64xf32>
    %mul3A_193 = vector.broadcast %select_n3A_191 : vector<10112x1xf32> to vector<10112x64xf32>
    %mul3A_194 = vector.broadcast %slice3A_192 : vector<1x64xf32> to vector<10112x64xf32>
    %mul3A_195 = arith.mulf %mul3A_193, %mul3A_194 : vector<10112x64xf32>
    %add3A_196 = arith.addf %add3A_183, %mul3A_195 : vector<10112x64xf32>
    %eq3A_197 = arith.constant 15 : i32
    %eq3A_198 = vector.broadcast %eq3A_197 : i32 to vector<10112x1xi32>
    %eq3A_199 = arith.cmpi eq, %get3A_3, %eq3A_198 : vector<10112x1xi32>
    %jit3A_200 = arith.constant 1.000000e+00 : f32
    %jit3A_201 = arith.constant 0.000000e+00 : f32
    %broadcast_in_dim3A_202 = vector.broadcast %jit3A_200 : f32 to vector<10112x1xf32>
    %broadcast_in_dim3A_203 = vector.broadcast %jit3A_201 : f32 to vector<10112x1xf32>
    %select_n3A_204 = arith.select %eq3A_199, %broadcast_in_dim3A_202, %broadcast_in_dim3A_203 : vector<10112x1xi1>, vector<10112x1xf32>
    %slice3A_205 = vector.extract_strided_slice %get3A_6 {offsets = [15, 0], sizes = [1, 64], strides = [1, 1]} : vector<16x64xf32> to vector<1x64xf32>
    %mul3A_206 = vector.broadcast %select_n3A_204 : vector<10112x1xf32> to vector<10112x64xf32>
    %mul3A_207 = vector.broadcast %slice3A_205 : vector<1x64xf32> to vector<10112x64xf32>
    %mul3A_208 = arith.mulf %mul3A_206, %mul3A_207 : vector<10112x64xf32>
    %add3A_209 = arith.addf %add3A_196, %mul3A_208 : vector<10112x64xf32>
    %swap3A = arith.constant 0 : index
    %swap3A_210 = arith.constant 0 : index
    %swap3A_211 = arith.constant 0 : index
    %swap3A_212 = vector.load %arg3[%swap3A, %swap3A_210, %swap3A_211] : memref<1x10112x64xf32, #tpu.memory_space<vmem>>, vector<1x10112x64xf32>
    %swap3A_213 = vector.shape_cast %swap3A_212 : vector<1x10112x64xf32> to vector<10112x64xf32>
    %swap3A_214 = vector.shape_cast %add3A_209 : vector<10112x64xf32> to vector<1x10112x64xf32>
    tpu.vector_store %arg3[%swap3A, %swap3A_210, %swap3A_211], %swap3A_214 {strides = array<i32>} : memref<1x10112x64xf32, #tpu.memory_space<vmem>>, vector<1x10112x64xf32>,
    return
  }
  func.func @transform_0(%arg0: i32) -> (i32, i32, i32) {
    %c0_i32 = arith.constant 0 : i32
    %c0_i32_0 = arith.constant 0 : i32
    %c0_i32_1 = arith.constant 0 : i32
    return %arg0, %c0_i32, %c0_i32_0 : i32, i32, i32
  }
  func.func @transform_1(%arg0: i32) -> (i32, i32) {
    %c0_i32 = arith.constant 0 : i32
    %c0_i32_0 = arith.constant 0 : i32
    %c0_i32_1 = arith.constant 0 : i32
    return %c0_i32, %c0_i32_0 : i32, i32
  }
  func.func @transform_2(%arg0: i32) -> (i32, i32, i32) {
    %c0_i32 = arith.constant 0 : i32
    %c0_i32_0 = arith.constant 0 : i32
    %c0_i32_1 = arith.constant 0 : i32
    return %arg0, %c0_i32, %c0_i32_0 : i32, i32, i32
  }
}

module attributes {stable_mosaic.version = 14 : i64} {
  func.func @_dense_body(%arg0: i32, %arg1: i32, %arg2: memref<1x1264x64xf32, #tpu.memory_space<vmem>>, %arg3: memref<1x1264x128xf32, #tpu.memory_space<vmem>>, %arg4: memref<1x1264x1xf32, #tpu.memory_space<vmem>>, %arg5: memref<1x64x128xf32, #tpu.memory_space<vmem>>, %arg6: memref<1x8x128xf32, #tpu.memory_space<vmem>>, %arg7: memref<1x3x128x64xf32, #tpu.memory_space<vmem>>, %arg8: memref<1x3x64x64xf32, #tpu.memory_space<vmem>>, %arg9: memref<1x8x64xf32, #tpu.memory_space<vmem>>, %arg10: memref<1x1264x64xf32, #tpu.memory_space<vmem>>) attributes {dimension_semantics = [#tpu.dimension_semantics<arbitrary>, #tpu.dimension_semantics<arbitrary>], iteration_bounds = array<i64: 2, 8>, scalar_prefetch = 0 : i64, scratch_operands = 0 : i64, tpu.core_type = #tpu.core_type<tc>, window_params = [{transform_indices = @transform_0, window_bounds = array<i64: 1, 1264, 64>}, {transform_indices = @transform_1, window_bounds = array<i64: 1, 1264, 128>}, {transform_indices = @transform_2, window_bounds = array<i64: 1, 1264, 1>}, {transform_indices = @transform_3, window_bounds = array<i64: 1, 64, 128>}, {transform_indices = @transform_4, window_bounds = array<i64: 1, 8, 128>}, {transform_indices = @transform_5, window_bounds = array<i64: 1, 3, 128, 64>}, {transform_indices = @transform_6, window_bounds = array<i64: 1, 3, 64, 64>}, {transform_indices = @transform_7, window_bounds = array<i64: 1, 8, 64>}, {transform_indices = @transform_8, window_bounds = array<i64: 1, 1264, 64>}]} {
    %get3A = arith.constant 0 : index
    %get3A_0 = arith.constant 0 : index
    %get3A_1 = arith.constant 0 : index
    %get3A_2 = vector.load %arg2[%get3A, %get3A_0, %get3A_1] : memref<1x1264x64xf32, #tpu.memory_space<vmem>>, vector<1x1264x64xf32>
    %get3A_3 = vector.shape_cast %get3A_2 : vector<1x1264x64xf32> to vector<1264x64xf32>
    %get3A_4 = arith.constant 0 : index
    %get3A_5 = arith.constant 0 : index
    %get3A_6 = arith.constant 0 : index
    %get3A_7 = vector.load %arg3[%get3A_4, %get3A_5, %get3A_6] : memref<1x1264x128xf32, #tpu.memory_space<vmem>>, vector<1x1264x128xf32>
    %get3A_8 = vector.shape_cast %get3A_7 : vector<1x1264x128xf32> to vector<1264x128xf32>
    %get3A_9 = arith.constant 0 : index
    %get3A_10 = arith.constant 0 : index
    %get3A_11 = arith.constant 0 : index
    %get3A_12 = vector.load %arg4[%get3A_9, %get3A_10, %get3A_11] : memref<1x1264x1xf32, #tpu.memory_space<vmem>>, vector<1x1264x1xf32>
    %get3A_13 = vector.shape_cast %get3A_12 : vector<1x1264x1xf32> to vector<1264x1xf32>
    %get3A_14 = arith.constant 0 : index
    %get3A_15 = arith.constant 0 : index
    %get3A_16 = arith.constant 0 : index
    %get3A_17 = vector.load %arg5[%get3A_14, %get3A_15, %get3A_16] : memref<1x64x128xf32, #tpu.memory_space<vmem>>, vector<1x64x128xf32>
    %get3A_18 = vector.shape_cast %get3A_17 : vector<1x64x128xf32> to vector<64x128xf32>
    %get3A_19 = arith.constant 0 : index
    %get3A_20 = arith.constant 0 : index
    %get3A_21 = arith.constant 0 : index
    %get3A_22 = vector.load %arg6[%get3A_19, %get3A_20, %get3A_21] : memref<1x8x128xf32, #tpu.memory_space<vmem>>, vector<1x1x128xf32>
    %get3A_23 = vector.shape_cast %get3A_22 : vector<1x1x128xf32> to vector<1x128xf32>
    %get3A_24 = arith.constant 0 : index
    %get3A_25 = arith.constant 0 : index
    %get3A_26 = arith.constant 0 : index
    %get3A_27 = arith.constant 0 : index
    %get3A_28 = vector.load %arg7[%get3A_24, %get3A_25, %get3A_26, %get3A_27] : memref<1x3x128x64xf32, #tpu.memory_space<vmem>>, vector<1x3x128x64xf32>
    %get3A_29 = vector.shape_cast %get3A_28 : vector<1x3x128x64xf32> to vector<3x128x64xf32>
    %get3A_30 = arith.constant 0 : index
    %get3A_31 = arith.constant 0 : index
    %get3A_32 = arith.constant 0 : index
    %get3A_33 = arith.constant 0 : index
    %get3A_34 = vector.load %arg8[%get3A_30, %get3A_31, %get3A_32, %get3A_33] : memref<1x3x64x64xf32, #tpu.memory_space<vmem>>, vector<1x3x64x64xf32>
    %get3A_35 = vector.shape_cast %get3A_34 : vector<1x3x64x64xf32> to vector<3x64x64xf32>
    %get3A_36 = arith.constant 0 : index
    %get3A_37 = arith.constant 0 : index
    %get3A_38 = arith.constant 0 : index
    %get3A_39 = vector.load %arg9[%get3A_36, %get3A_37, %get3A_38] : memref<1x8x64xf32, #tpu.memory_space<vmem>>, vector<1x8x64xf32>
    %get3A_40 = vector.shape_cast %get3A_39 : vector<1x8x64xf32> to vector<8x64xf32>
    %convert_element_type3A = arith.truncf %get3A_3 : vector<1264x64xf32> to vector<1264x64xbf16>
    %convert_element_type3A_41 = arith.extf %convert_element_type3A : vector<1264x64xbf16> to vector<1264x64xf32>
    %convert_element_type3A_42 = arith.truncf %get3A_18 : vector<64x128xf32> to vector<64x128xbf16>
    %convert_element_type3A_43 = arith.extf %convert_element_type3A_42 : vector<64x128xbf16> to vector<64x128xf32>
    %dot_general3A = arith.constant dense<0.000000e+00> : vector<1264x128xf32>
    %dot_general3A_44 = tpu.matmul %convert_element_type3A_41, %convert_element_type3A_43, %dot_general3A {dimension_numbers = #tpu.dot_dimension_numbers<[1], [0], [0], [1], [0, 0, 1, 1], [], []>, precision = #tpu.contract_precision<fp32>, transpose_lhs_hint = false} : vector<1264x64xf32>, vector<64x128xf32>, vector<1264x128xf32> -> vector<1264x128xf32>
    %add3A = vector.broadcast %get3A_23 : vector<1x128xf32> to vector<1264x128xf32>
    %add3A_45 = arith.addf %dot_general3A_44, %add3A : vector<1264x128xf32>
    %mul3A = vector.broadcast %get3A_13 : vector<1264x1xf32> to vector<1264x128xf32>
    %mul3A_46 = arith.mulf %mul3A, %add3A_45 : vector<1264x128xf32>
    %add3A_47 = arith.addf %get3A_8, %mul3A_46 : vector<1264x128xf32>
    %convert_element_type3A_48 = arith.truncf %add3A_47 : vector<1264x128xf32> to vector<1264x128xbf16>
    %convert_element_type3A_49 = arith.extf %convert_element_type3A_48 : vector<1264x128xbf16> to vector<1264x128xf32>
    %convert_element_type3A_50 = arith.truncf %get3A_3 : vector<1264x64xf32> to vector<1264x64xbf16>
    %convert_element_type3A_51 = arith.extf %convert_element_type3A_50 : vector<1264x64xbf16> to vector<1264x64xf32>
    %slice3A = vector.extract_strided_slice %get3A_29 {offsets = [0, 0, 0], sizes = [1, 128, 64], strides = [1, 1, 1]} : vector<3x128x64xf32> to vector<1x128x64xf32>
    %squeeze3A = vector.shape_cast %slice3A : vector<1x128x64xf32> to vector<128x64xf32>
    %dot_general3A_52 = arith.constant dense<0.000000e+00> : vector<1264x64xf32>
    %dot_general3A_53 = tpu.matmul %convert_element_type3A_49, %squeeze3A, %dot_general3A_52 {dimension_numbers = #tpu.dot_dimension_numbers<[1], [0], [0], [1], [0, 0, 1, 1], [], []>, precision = #tpu.contract_precision<fp32>, transpose_lhs_hint = false} : vector<1264x128xf32>, vector<128x64xf32>, vector<1264x64xf32> -> vector<1264x64xf32>
    %slice3A_54 = vector.extract_strided_slice %get3A_29 {offsets = [1, 0, 0], sizes = [1, 128, 64], strides = [1, 1, 1]} : vector<3x128x64xf32> to vector<1x128x64xf32>
    %squeeze3A_55 = vector.shape_cast %slice3A_54 : vector<1x128x64xf32> to vector<128x64xf32>
    %dot_general3A_56 = arith.constant dense<0.000000e+00> : vector<1264x64xf32>
    %dot_general3A_57 = tpu.matmul %convert_element_type3A_49, %squeeze3A_55, %dot_general3A_56 {dimension_numbers = #tpu.dot_dimension_numbers<[1], [0], [0], [1], [0, 0, 1, 1], [], []>, precision = #tpu.contract_precision<fp32>, transpose_lhs_hint = false} : vector<1264x128xf32>, vector<128x64xf32>, vector<1264x64xf32> -> vector<1264x64xf32>
    %slice3A_58 = vector.extract_strided_slice %get3A_29 {offsets = [2, 0, 0], sizes = [1, 128, 64], strides = [1, 1, 1]} : vector<3x128x64xf32> to vector<1x128x64xf32>
    %squeeze3A_59 = vector.shape_cast %slice3A_58 : vector<1x128x64xf32> to vector<128x64xf32>
    %dot_general3A_60 = arith.constant dense<0.000000e+00> : vector<1264x64xf32>
    %dot_general3A_61 = tpu.matmul %convert_element_type3A_49, %squeeze3A_59, %dot_general3A_60 {dimension_numbers = #tpu.dot_dimension_numbers<[1], [0], [0], [1], [0, 0, 1, 1], [], []>, precision = #tpu.contract_precision<fp32>, transpose_lhs_hint = false} : vector<1264x128xf32>, vector<128x64xf32>, vector<1264x64xf32> -> vector<1264x64xf32>
    %slice3A_62 = vector.extract_strided_slice %get3A_35 {offsets = [0, 0, 0], sizes = [1, 64, 64], strides = [1, 1, 1]} : vector<3x64x64xf32> to vector<1x64x64xf32>
    %squeeze3A_63 = vector.shape_cast %slice3A_62 : vector<1x64x64xf32> to vector<64x64xf32>
    %dot_general3A_64 = arith.constant dense<0.000000e+00> : vector<1264x64xf32>
    %dot_general3A_65 = tpu.matmul %convert_element_type3A_51, %squeeze3A_63, %dot_general3A_64 {dimension_numbers = #tpu.dot_dimension_numbers<[1], [0], [0], [1], [0, 0, 1, 1], [], []>, precision = #tpu.contract_precision<fp32>, transpose_lhs_hint = false} : vector<1264x64xf32>, vector<64x64xf32>, vector<1264x64xf32> -> vector<1264x64xf32>
    %slice3A_66 = vector.extract_strided_slice %get3A_35 {offsets = [1, 0, 0], sizes = [1, 64, 64], strides = [1, 1, 1]} : vector<3x64x64xf32> to vector<1x64x64xf32>
    %squeeze3A_67 = vector.shape_cast %slice3A_66 : vector<1x64x64xf32> to vector<64x64xf32>
    %dot_general3A_68 = arith.constant dense<0.000000e+00> : vector<1264x64xf32>
    %dot_general3A_69 = tpu.matmul %convert_element_type3A_51, %squeeze3A_67, %dot_general3A_68 {dimension_numbers = #tpu.dot_dimension_numbers<[1], [0], [0], [1], [0, 0, 1, 1], [], []>, precision = #tpu.contract_precision<fp32>, transpose_lhs_hint = false} : vector<1264x64xf32>, vector<64x64xf32>, vector<1264x64xf32> -> vector<1264x64xf32>
    %slice3A_70 = vector.extract_strided_slice %get3A_35 {offsets = [2, 0, 0], sizes = [1, 64, 64], strides = [1, 1, 1]} : vector<3x64x64xf32> to vector<1x64x64xf32>
    %squeeze3A_71 = vector.shape_cast %slice3A_70 : vector<1x64x64xf32> to vector<64x64xf32>
    %dot_general3A_72 = arith.constant dense<0.000000e+00> : vector<1264x64xf32>
    %dot_general3A_73 = tpu.matmul %convert_element_type3A_51, %squeeze3A_71, %dot_general3A_72 {dimension_numbers = #tpu.dot_dimension_numbers<[1], [0], [0], [1], [0, 0, 1, 1], [], []>, precision = #tpu.contract_precision<fp32>, transpose_lhs_hint = false} : vector<1264x64xf32>, vector<64x64xf32>, vector<1264x64xf32> -> vector<1264x64xf32>
    %add3A_74 = arith.addf %dot_general3A_53, %dot_general3A_65 : vector<1264x64xf32>
    %slice3A_75 = vector.extract_strided_slice %get3A_40 {offsets = [0, 0], sizes = [1, 64], strides = [1, 1]} : vector<8x64xf32> to vector<1x64xf32>
    %add3A_76 = vector.broadcast %slice3A_75 : vector<1x64xf32> to vector<1264x64xf32>
    %add3A_77 = arith.addf %add3A_74, %add3A_76 : vector<1264x64xf32>
    %logistic3A = arith.negf %add3A_77 : vector<1264x64xf32>
    %logistic3A_78 = math.exp %logistic3A : vector<1264x64xf32>
    %logistic3A_79 = arith.constant 1.000000e+00 : f32
    %logistic3A_80 = vector.broadcast %logistic3A_79 : f32 to vector<1264x64xf32>
    %logistic3A_81 = arith.addf %logistic3A_80, %logistic3A_78 : vector<1264x64xf32>
    %logistic3A_82 = arith.divf %logistic3A_80, %logistic3A_81 : vector<1264x64xf32>
    %add3A_83 = arith.addf %dot_general3A_57, %dot_general3A_69 : vector<1264x64xf32>
    %slice3A_84 = vector.extract_strided_slice %get3A_40 {offsets = [1, 0], sizes = [1, 64], strides = [1, 1]} : vector<8x64xf32> to vector<1x64xf32>
    %add3A_85 = vector.broadcast %slice3A_84 : vector<1x64xf32> to vector<1264x64xf32>
    %add3A_86 = arith.addf %add3A_83, %add3A_85 : vector<1264x64xf32>
    %logistic3A_87 = arith.negf %add3A_86 : vector<1264x64xf32>
    %logistic3A_88 = math.exp %logistic3A_87 : vector<1264x64xf32>
    %logistic3A_89 = arith.constant 1.000000e+00 : f32
    %logistic3A_90 = vector.broadcast %logistic3A_89 : f32 to vector<1264x64xf32>
    %logistic3A_91 = arith.addf %logistic3A_90, %logistic3A_88 : vector<1264x64xf32>
    %logistic3A_92 = arith.divf %logistic3A_90, %logistic3A_91 : vector<1264x64xf32>
    %slice3A_93 = vector.extract_strided_slice %get3A_40 {offsets = [2, 0], sizes = [1, 64], strides = [1, 1]} : vector<8x64xf32> to vector<1x64xf32>
    %add3A_94 = vector.broadcast %slice3A_93 : vector<1x64xf32> to vector<1264x64xf32>
    %add3A_95 = arith.addf %dot_general3A_61, %add3A_94 : vector<1264x64xf32>
    %slice3A_96 = vector.extract_strided_slice %get3A_40 {offsets = [3, 0], sizes = [1, 64], strides = [1, 1]} : vector<8x64xf32> to vector<1x64xf32>
    %add3A_97 = vector.broadcast %slice3A_96 : vector<1x64xf32> to vector<1264x64xf32>
    %add3A_98 = arith.addf %dot_general3A_73, %add3A_97 : vector<1264x64xf32>
    %mul3A_99 = arith.mulf %logistic3A_82, %add3A_98 : vector<1264x64xf32>
    %add3A_100 = arith.addf %add3A_95, %mul3A_99 : vector<1264x64xf32>
    %tanh3A = math.tanh %add3A_100 : vector<1264x64xf32>
    %sub3A = arith.constant 1.000000e+00 : f32
    %sub3A_101 = vector.broadcast %sub3A : f32 to vector<1264x64xf32>
    %sub3A_102 = arith.subf %sub3A_101, %logistic3A_92 : vector<1264x64xf32>
    %mul3A_103 = arith.mulf %sub3A_102, %tanh3A : vector<1264x64xf32>
    %mul3A_104 = arith.mulf %logistic3A_92, %get3A_3 : vector<1264x64xf32>
    %add3A_105 = arith.addf %mul3A_103, %mul3A_104 : vector<1264x64xf32>
    %swap3A = arith.constant 0 : index
    %swap3A_106 = arith.constant 0 : index
    %swap3A_107 = arith.constant 0 : index
    %swap3A_108 = vector.load %arg10[%swap3A, %swap3A_106, %swap3A_107] : memref<1x1264x64xf32, #tpu.memory_space<vmem>>, vector<1x1264x64xf32>
    %swap3A_109 = vector.shape_cast %swap3A_108 : vector<1x1264x64xf32> to vector<1264x64xf32>
    %swap3A_110 = vector.shape_cast %add3A_105 : vector<1264x64xf32> to vector<1x1264x64xf32>
    tpu.vector_store %arg10[%swap3A, %swap3A_106, %swap3A_107], %swap3A_110 {strides = array<i32>} : memref<1x1264x64xf32, #tpu.memory_space<vmem>>, vector<1x1264x64xf32>,
    return
  }
  func.func @transform_0(%arg0: i32, %arg1: i32) -> (i32, i32, i32) {
    %c0_i32 = arith.constant 0 : i32
    %c0_i32_0 = arith.constant 0 : i32
    return %arg0, %arg1, %c0_i32 : i32, i32, i32
  }
  func.func @transform_1(%arg0: i32, %arg1: i32) -> (i32, i32, i32) {
    %c0_i32 = arith.constant 0 : i32
    %c0_i32_0 = arith.constant 0 : i32
    return %arg0, %arg1, %c0_i32 : i32, i32, i32
  }
  func.func @transform_2(%arg0: i32, %arg1: i32) -> (i32, i32, i32) {
    %c0_i32 = arith.constant 0 : i32
    %c0_i32_0 = arith.constant 0 : i32
    return %arg0, %arg1, %c0_i32 : i32, i32, i32
  }
  func.func @transform_3(%arg0: i32, %arg1: i32) -> (i32, i32, i32) {
    %c0_i32 = arith.constant 0 : i32
    %c0_i32_0 = arith.constant 0 : i32
    %c0_i32_1 = arith.constant 0 : i32
    return %arg0, %c0_i32, %c0_i32_0 : i32, i32, i32
  }
  func.func @transform_4(%arg0: i32, %arg1: i32) -> (i32, i32, i32) {
    %c0_i32 = arith.constant 0 : i32
    %c0_i32_0 = arith.constant 0 : i32
    %c0_i32_1 = arith.constant 0 : i32
    return %arg0, %c0_i32, %c0_i32_0 : i32, i32, i32
  }
  func.func @transform_5(%arg0: i32, %arg1: i32) -> (i32, i32, i32, i32) {
    %c0_i32 = arith.constant 0 : i32
    %c0_i32_0 = arith.constant 0 : i32
    %c0_i32_1 = arith.constant 0 : i32
    %c0_i32_2 = arith.constant 0 : i32
    return %arg0, %c0_i32, %c0_i32_0, %c0_i32_1 : i32, i32, i32, i32
  }
  func.func @transform_6(%arg0: i32, %arg1: i32) -> (i32, i32, i32, i32) {
    %c0_i32 = arith.constant 0 : i32
    %c0_i32_0 = arith.constant 0 : i32
    %c0_i32_1 = arith.constant 0 : i32
    %c0_i32_2 = arith.constant 0 : i32
    return %arg0, %c0_i32, %c0_i32_0, %c0_i32_1 : i32, i32, i32, i32
  }
  func.func @transform_7(%arg0: i32, %arg1: i32) -> (i32, i32, i32) {
    %c0_i32 = arith.constant 0 : i32
    %c0_i32_0 = arith.constant 0 : i32
    %c0_i32_1 = arith.constant 0 : i32
    return %arg0, %c0_i32, %c0_i32_0 : i32, i32, i32
  }
  func.func @transform_8(%arg0: i32, %arg1: i32) -> (i32, i32, i32) {
    %c0_i32 = arith.constant 0 : i32
    %c0_i32_0 = arith.constant 0 : i32
    return %arg0, %arg1, %c0_i32 : i32, i32, i32
  }
}

</mosaic_0001>

<sc_bundles>
// kernel: kernel.16.cloned.1.call-start
scs
__scs_entry_jumppad:
0x0: {  	(pc) =	sbr.rel $0x88, $3  }
0x1: {  	(tag) =	ssettag $0x0;
	lr =	simm.s32 $0x1  }
0x2: {  	[smem:$0x3F92] =	sst lr;
	_ =	strace $0xD0000000  }
0x3: {  	_ = 	snop  }
0x4: {  	_ = 	snop  }
0x5: {  	_ = 	snop  }
0x6: {  	_ = 	snop  }
0x7: {  	_ = 	snop  }
__scs_overlays_trampoline_lowered:
0x8: {  	[smem:$0x3FA1] =	sst s0  }
0x9: {  	[smem:$0x3FA2] =	sst s1  }
0xa: {  	[smem:$0x3FA3] =	sst s2  }
0xb: {  	[smem:$0x3FA4] =	sst s3  }
0xc: {  	[smem:$0x3FA5] =	sst s4  }
0xd: {  	[smem:$0x3FA6] =	sst s5  }
0xe: {  	[smem:$0x3FA7] =	sst s6  }
0xf: {  	[smem:$0x3FA8] =	sst s7  }
0x10: {  	[smem:$0x3FA9] =	sst s8  }
0x11: {  	[smem:$0x3FAA] =	sst s9;
	s0 =	simm.s32 @!p0 $0x0  }
0x12: {  	s1 =	sld [smem:$0x3F90];
	s0 =	simm.s32 @p0 $0x1  }
0x13: {  	[smem:$0x3FAB] =	sst s0;
	s0 =	simm.s32 @!p1 $0x0  }
0x14: {  	s2 =	sld [smem:$0x3F8F];
	s0 =	simm.s32 @p1 $0x1  }
0x15: {  	[smem:$0x3FAC] =	sst s0;
	s0 =	simm.s32 @!p2 $0x0  }
0x16: {  	s3 =	sld [smem:$0x3FDB];
	s0 =	simm.s32 @p2 $0x1  }
0x17: {  	s4 =	simm.s32 $0x1BF5;
	[smem:$0x3FAE] =	sst s0  }
0x18: {  	s0 =	sld [smem:$0x3F91];
	_ =	swait.ge [sflag:s4], $0x0  }
0x19: {  	s7 =	sld [smem:$0x3F92]  }
0x1a: {  	s8 =	sadd.s32 $0xFFFFE003, lr  }
0x1b: {  	s9 =	sadd.s32 $0xFFFFFEF7, lr;
	s5 =	simm.s32 $0xFFFFFFFF;
	p2 =	slt.u32 s8, $0xFFFFF086  }
0x1c: {  	p1 =	slt.u32 s9, $0xF7A;
	s5 =	simm.s32 @!p2 $0x0  }
0x1d: {  	s5 =	simm.s32 @p1 $0x1;
	p0 =	seq.s32 s7, s2  }
0x1e: {  	s7 =	smul.u32 @!p0 $0xF7A, s2;
	p2 =	seq.s32 @!p0 s5, $0x0  }
0x1f: {  	s9 =	smul.u32 $0xF7A, s1;
	s8 =	simm.s32 @!p0 $0x1BF5;
	p2 =	por !p2, p0  }
0x20: {  	[sflag:s8] =	ssyncset.s32 @!p0 $0xFFFFF086;
	s6 =	sadd.s32 @!p0 s3, s7;
	s7 =	simm.s32 @!p0 $0x108  }
0x21: {  	s3 =	sadd.s32 s3, s9;
	s6 =	sadd.s32 @!p0 $0x88, s6;
	s7 =	simm.s32 @p2 $0x1082  }
0x22: {  	[simem:s7], [sflag:s8] =	dma.local @!p0 [hbm:s6], $0xF7A  }
0x23: {  	s9 =	sor.u32 $0xD0000000, s2;
	s6 =	simm.s32 $0x108;
	_ =	swait.ge @!p0 [sflag:s8], $0x0  }
0x24: {  	s3 =	sadd.s32 $0x88, s3;
	s6 =	simm.s32 @!p1 $0x1082;
	[sflag:s4] =	ssyncset.s32 $0xFFFFF086  }
0x25: {  	[simem:s6], [sflag:s4] =	dma.local [hbm:s3], $0xF7A  }
0x26: {  	[smem:$0x3F92] =	sst s1;
	(tag) =	ssettag s2;
	_ =	strace s9  }
0x27: {  	s1 =	sld [smem:$0x3FA2]  }
0x28: {  	s2 =	sld [smem:$0x3FA3]  }
0x29: {  	s4 =	sld [smem:$0x3FA5]  }
0x2a: {  	p0 =	seq.s32 s5, $0x0;
	s5 =	sld [smem:$0x3FA6]  }
0x2b: {  	s6 =	sld [smem:$0x3FA7]  }
0x2c: {  	s7 =	sld [smem:$0x3FA8]  }
0x2d: {  	s3 =	simm.s32 $0x108;
	s8 =	sld [smem:$0x3FA9]  }
0x2e: {  	s3 =	simm.s32 @!p0 $0x1082;
	s9 =	sld [smem:$0x3FAA]  }
0x2f: {  	lr =	sadd.s32 s0, s3;
	s0 =	sld [smem:$0x3FA1]  }
0x30: {  	s3 =	sld [smem:$0x3FA4]  }
0x31: {  	[smem:$0x3FAD] =	sst s10  }
0x32: {  	s10 =	sld [smem:$0x3FAB];
	_ =	sdelay $0x3  }
0x33: {  	p0 =	seq.s32 s10, $0x1;
	s10 =	sld [smem:$0x3FAD];
	_ =	sdelay $0x3  }
0x34: {  	[smem:$0x3FAD] =	sst s10  }
0x35: {  	s10 =	sld [smem:$0x3FAC];
	_ =	sdelay $0x3  }
0x36: {  	p1 =	seq.s32 s10, $0x1;
	s10 =	sld [smem:$0x3FAD];
	_ =	sdelay $0x3  }
0x37: {  	[smem:$0x3FAD] =	sst s10  }
0x38: {  	s10 =	sld [smem:$0x3FAE]  }
0x39: {  	_ = 	snop;
	(pc) =	sbr.ind lr, $3  }
0x3a: {  	_ = 	snop  }
0x3b: {  	_ = 	snop  }
0x3c: {  	p2 =	seq.s32 s10, $0x1;
	s10 =	sld [smem:$0x3FAD]  }
0x3d: {  	_ =	shalt  }
0x3e: {  	_ =	shalt  }
0x3f: {  	_ =	shalt  }
0x40: {  	_ =	shalt  }
0x41: {  	_ =	shalt  }
0x42: {  	_ =	shalt  }
0x43: {  	_ =	shalt  }
0x44: {  	_ =	shalt  }
0x45: {  	_ =	shalt  }
0x46: {  	_ =	shalt  }
0x47: {  	_ =	shalt  }
0x48: {  	_ =	shalt  }
0x49: {  	_ =	shalt  }
0x4a: {  	_ =	shalt  }
0x4b: {  	_ =	shalt  }
0x4c: {  	_ =	shalt  }
0x4d: {  	_ =	shalt  }
0x4e: {  	_ =	shalt  }
0x4f: {  	_ =	shalt  }
0x50: {  	_ =	shalt  }
0x51: {  	_ =	shalt  }
0x52: {  	_ =	shalt  }
0x53: {  	_ =	shalt  }
0x54: {  	_ =	shalt  }
0x55: {  	_ =	shalt  }
0x56: {  	_ =	shalt  }
0x57: {  	_ =	shalt  }
0x58: {  	_ =	shalt  }
0x59: {  	_ =	shalt  }
0x5a: {  	_ =	shalt  }
0x5b: {  	_ =	shalt  }
0x5c: {  	_ =	shalt  }
0x5d: {  	_ =	shalt  }
0x5e: {  	_ =	shalt  }
0x5f: {  	_ =	shalt  }
0x60: {  	_ =	shalt  }
0x61: {  	_ =	shalt  }
0x62: {  	_ =	shalt  }
0x63: {  	_ =	shalt  }
0x64: {  	_ =	shalt  }
0x65: {  	_ =	shalt  }
0x66: {  	_ =	shalt  }
0x67: {  	_ =	shalt  }
0x68: {  	_ =	shalt  }
0x69: {  	_ =	shalt  }
0x6a: {  	_ =	shalt  }
0x6b: {  	_ =	shalt  }
0x6c: {  	_ =	shalt  }
0x6d: {  	_ =	shalt  }
0x6e: {  	_ =	shalt  }
0x6f: {  	_ =	shalt  }
0x70: {  	_ =	shalt  }
0x71: {  	_ =	shalt  }
0x72: {  	_ =	shalt  }
0x73: {  	_ =	shalt  }
0x74: {  	_ =	shalt  }
0x75: {  	_ =	shalt  }
0x76: {  	_ =	shalt  }
0x77: {  	_ =	shalt  }
0x78: {  	_ =	shalt  }
0x79: {  	_ =	shalt  }
0x7a: {  	_ =	shalt  }
0x7b: {  	_ =	shalt  }
0x7c: {  	_ =	shalt  }
0x7d: {  	_ =	shalt  }
0x7e: {  	_ =	shalt  }
0x7f: {  	_ =	shalt  }
0x80: {  	_ =	shalt  }
0x81: {  	_ =	shalt  }
0x82: {  	_ =	shalt  }
0x83: {  	_ =	shalt  }
0x84: {  	_ =	shalt  }
0x85: {  	_ =	shalt  }
0x86: {  	_ =	shalt  }
0x87: {  	_ =	shalt  }
.Lfunc_end0:
.L_simem_size_0:
called_computation_lowered:
.L_overlay_start_0:
0x88: {  	s2 =	sld [smem:$0x3FD9]  }
0x89: {  	s3 =	sld [smem:$0x3FFE];
	_ =	sdelay $0x1  }
0x8a: {  	s1 =	srdreg.scid  }
0x8b: {  	s0 =	sand.u32 $0x1, s1  }
0x8c: {  	s17 =	sshll.u32 s0, $0xA;
	s2 =	sadd.s32 s3, s2  }
0x8d: {  	s2 =	sadd.s32 s2, s17  }
0x8e: {  	[smem:$0x3FB9] =	sst s2  }
0x8f: {  	_ = 	snop  }
0x90: {  	(tm) =	ssettm $0x1  }
0x91: {  	s18 =	sld [smem:$0x3FFB];
	_ =	sdelay $0x3  }
0x92: {  	_ =	strace s18  }
0x93: {  	s2 =	sld [smem:$0x3FFC];
	_ =	sdelay $0x3  }
0x94: {  	_ =	strace s2  }
0x95: {  	s2 =	sld [smem:$0x3FFD];
	_ =	sdelay $0x3  }
0x96: {  	_ =	strace s2  }
0x97: {  	_ =	strace $0x8FFFFFFF  }
0x98: {  	s19 =	sld [smem:$0x3FDB];
	_ =	sdelay $0x1  }
0x99: {  	s20 =	simm.s32 $_scs_section_size  }
0x9a: {  	s4 =	simm.s32 $_size__tile_overlayer_lowered;
	s5 =	simm.s32 $_tile_overlayer_lowered  }
0x9b: {  	s6 =	simm.s32 $0x1BFF;
	s21 =	sshll.u32 s5, $0x1;
	s3 =	sadd.s32 s20, s19  }
0x9c: {  	s22 =	simm.s32 $0x0;
	s4 =	sshll.u32 s4, $0x1;
	s5 =	sadd.s32 s21, s3  }
0x9d: {  	[timem:s22], [sflag:s6] =	dma.local [hbm:s5], s4  }
0x9e: {  	_ =	swait.ge [sflag:s6], s4  }
0x9f: {  	s4 =	ssub.s32 $0x0, s4;
	[sflag:s6] =	ssyncset.done $0x0  }
0xa0: {  	[sflag:s6] =	ssyncadd.s32 s4;
	_ =	sdelay $0x1  }
0xa1: {  	s23 =	simm.s32 $0x1B8B  }
0xa2: {  	_ =	swait.ge [sflag:s23], $0x1  }
0xa3: {  	[sflag:s23] =	ssyncset.done $0x0  }
0xa4: {  	[sflag:s23] =	ssyncadd.s32 $0xFFFFFFFF  }
0xa5: {  	s4 =	sld [smem:$0x0]  }
0xa6: {  	s5 =	sand.u32 $0xFFFFFFFE, s1  }
0xa7: {  	p0 =	sne.s32 s1, s5  }
0xa8: {  	s5 =	sshll.u32 @p0 s5, $0xE  }
0xa9: {  	s5 =	sadd.s32 @p0 $0x11B8D, s5;
	s6 =	sshll.u32 @p0 s4, $0x11  }
0xaa: {  	s5 =	sor.u32 @p0 s6, s5  }
0xab: {  	[sflag:s5] =	ssyncadd.remote.s32 @p0 $0x1;
	_ =	sdelay $0x1  }
0xac: {  	s5 =	simm.s32 @p0 $0x1B8D  }
0xad: {  	_ =	swait.eq @p0 [sflag:s5], $0x1  }
0xae: {  	[sflag:s5] =	ssyncadd.s32 @p0 $0xFFFFFFFF  }
0xaf: {  	s6 =	sshll.u32 @!p0 s1, $0xE  }
0xb0: {  	s6 =	sor.u32 @!p0 $0x4000, s6;
	s5 =	simm.s32 @!p0 $0x1B8D  }
0xb1: {  	s4 =	sshll.u32 @!p0 s4, $0x11;
	s6 =	sadd.s32 @!p0 $0x11B8D, s6;
	_ =	swait.eq @!p0 [sflag:s5], $0x1  }
0xb2: {  	s4 =	sor.u32 @!p0 s4, s6;
	[sflag:s5] =	ssyncadd.s32 @!p0 $0xFFFFFFFF  }
0xb3: {  	s25 =	simm.s32 $0x1B8E;
	s24 =	sld [smem:$0x3FFE];
	[sflag:s4] =	ssyncadd.remote.s32 @!p0 $0x1  }
0xb4: {  	s26 =	simm.s32 $execute0_lowered;
	[smem:$0x3FD2] =	sst s25  }
0xb5: {  	s5 =	sshll.u32 s26, $0x1;
	_ =	strace $0x8000004C;
	[dreg:$0x1] =	wrdreg $0xFFFFFFFF  }
0xb6: {  	s28 =	simm.s32 $_size_execute0_lowered;
	s3 =	sadd.s32 s3, s5;
	[dreg:$0x0] =	wrdreg $0x0  }
0xb7: {  	s5 =	sshll.u32 s28, $0x1;
	[dreg:$0x2] =	wrdreg s3  }
0xb8: {  	[dreg:$0x3] =	wrdreg s5  }
0xb9: {  	[dreg:$0x4] =	wrdreg $0xC0  }
0xba: {  	_ =	task [dreg:s22], $0x5FFFF  }
0xbb: {  	[dreg:$0x1] =	wrdreg $0xFFFFFFFF  }
0xbc: {  	[dreg:$0x0] =	wrdreg $0x60  }
0xbd: {  	[dreg:$0x2] =	wrdreg s24  }
0xbe: {  	[dreg:$0x3] =	wrdreg $0x56800  }
0xbf: {  	[dreg:$0x4] =	wrdreg $0x9  }
0xc0: {  	_ =	task.clear_ibuf [dreg:s22], $0x5FFFF;
	_ =	strace $0x9000004C  }
0xc1: {  	s29 =	simm.s32 $0x9;
	_ =	strace $0x8000004E  }
0xc2: {  	_ =	swait.ge [sflag:s29], $0x1  }
0xc3: {  	[sflag:s29] =	ssyncadd.s32 $0xFFFFFFFF  }
0xc4: {  	_ =	strace $0x9000004E  }
0xc5: {  	_ =	sfence  }
0xc6: {  	s30 =	sld [smem:$0x0];
	_ =	sdelay $0x2  }
0xc7: {  	s31 =	sshll.u32 s1, $0xD;
	s1 =	sshrl.u32 s1, $0x2  }
0xc8: {  	s4 =	sand.u32 $0x4000, s31;
	s1 =	sadd.s32 s1, s30  }
0xc9: {  	s0 =	sor.u32 s4, s0;
	s1 =	sshll.u32 s1, $0x11  }
0xca: {  	s0 =	sor.u32 s1, s0  }
0xcb: {  	s0 =	sadd.s32 $0x8F2B, s0  }
0xcc: {  	[sflag:s0] =	ssyncadd.remote.s32 $0x1  }
0xcd: {  	_ =	sfence.sel $0xFFFF  }
0xce: {  	[dreg:$0x0] =	wrdreg $0xFFFFFFFF;
	(pc) =	sbr.abs _section_cstart, $3  }
0xcf: {  	[dreg:$0x1] =	wrdreg $0xFFFFFFFF  }
0xd0: {  	_ =	task.clear_ibuf [dreg:s22], $0x2FFFF;
	_ =	strace $0x9FFFFFFF  }
0xd1: {  	(tm) =	ssettm $0x7FFFFFFF  }
tec
execute0_lowered:
.L_overlay_start_1:
0x0: {  	(tag) =	ssettag $0x1  }
0x1: {  	s5 =	rddreg [dreg:$0x0]  }
0x2: {  	s0 =	srdreg.scid;
	s2 =	rddreg [dreg:$0x1]  }
0x3: {  	s1 =	rddreg [dreg:$0x2];
	s6 =	sand.u32 $0x1, s0  }
0x4: {  	s0 =	stileid.u32;
	s4 =	smul.u32 $0x4E800, s6  }
0x5: {  	s3 =	simm.s32 $0x0;
	s13 =	simm.s32 $0x80;
	s7 =	smul.u32 $0x4E80, s0  }
0x6: {  	s14 =	simm.s32 $0x0;
	[smem:$0x7FF] =	sst s3;
	s30 =	smul.u32 $0x2780, s0  }
0x7: {  	s8 =	smul.u32 $0x27800, s6;
	_ =	strace $0x8000004D;
	s6 =	ssub.s32 $0x2, s6  }
0x8: {  	s31 =	sshll.u32 s0, $0x6;
	s11 =	sshrl.u32 s6, $0x1;
	s4 =	sadd.s32 s7, s4  }
0x9: {  	s8 =	sadd.s32 s30, s8;
	s10 =	sshrl.u32 s30, $0x3;
	s11 =	ssub.s32 s6, s11  }
0xa: {  	s12 =	sadd.s32 s30, s2;
	s6 =	sor.u32 $0x1C01, s31;
	s4 =	sshrl.u32 s4, $0x3  }
0xb: {  	s8 =	sshrl.u32 s8, $0x3;
	s10 =	sadd.s32 s10, s5;
	s9 =	sadd.s32 s4, s5  }
0xc: {  	s4 =	sadd.s32 $0x53A00, s5;
	s8 =	sadd.s32 s8, s5;
	s5 =	sadd.s32 $0xCA600, s10  }
0xd: {  	s10 =	sshrl.u32 s12, $0x3;
	s12 =	simm.s32 $0x4E80;
	s7 =	sadd.s32 $0x4E00, s9  }
0xe: {  	s8 =	sadd.s32 $0xCF600, s8;
	s9 =	smax.u32 s11, $0x1;
	s11 =	simm.s32 $0x1  }
.LBB2_1:
0xf: {  	[spmem:s10], [sflag:s6] =	dma.local [hbm:s5], $0x4F0  }
0x10: {  	_ =	swait.ge [sflag:s11], $0x4F0  }
0x11: {  	[sflag:s11] =	ssyncset.done $0x0  }
0x12: {  	[sflag:s11] =	ssyncadd.s32 $0xFFFFFB10  }
0x13: {  	[tilespmem:s3], [sflag:$0x1] =	stream.linear.gather [hbm4b:s7+s3], $0x4E80, $0x38;
	[tilespmem:$0x7E00] =	vst v63  }
0x14: {  	_ =	swait.ge [sflag:s11], $0x4E80  }
0x15: {  	[sflag:s11] =	ssyncset.done $0x0  }
0x16: {  	[sflag:s11] =	ssyncadd.s32 $0xFFFFB180  }
0x17: {  	[tilespmem:s12], [sflag:$0x1] =	stream.linear.gather [hbm4b:s4+s3], $0x800, $0x38;
	[tilespmem:$0x7E00] =	vst v63  }
0x18: {  	_ =	swait.ge [sflag:s11], $0x800  }
0x19: {  	[sflag:s11] =	ssyncset.done $0x0  }
0x1a: {  	[sflag:s11] =	ssyncadd.s32 $0xFFFFF800  }
0x1b: {  	s15 =	simm.s32 $0x0;
	[bflag:$0x0] =	sbarrier.arrive $0xFFFF  }
0x1c: {  	[spmem:s2] =	stream.indirect.scatter.add.f32 [tilespmem:s12], [sflag:$0x1], $0x10, s15, s13, $0xb8;
	[tilespmem:$0x7E00] =	vst v63  }
0x1d: {  	_ =	swait.ge [sflag:s11], $0x800  }
0x1e: {  	s15 =	simm.s32 $0x200;
	[sflag:s11] =	ssyncset.done $0x0  }
.LBB2_2:
0x1f: {  	s16 =	sshra.s32 s15, $0x2;
	[sflag:s11] =	ssyncadd.s32 $0xFFFFF800;
	p0 =	sne.s32 s15, $0x13800  }
0x20: {  	[spmem:s2] =	stream.indirect.scatter.add.f32 [tilespmem:s12], [sflag:$0x1], $0x10, s16, s13, $0xb8;
	[tilespmem:$0x7E00] =	vst v63  }
.Ltmp0:
0x21: {  	_ = 	snop;
	(pc) =	sbr.rel @p0 .LBB2_2-.Ltmp0, $4  }
0x22: {  	_ = 	snop  }
0x23: {  	s15 =	sadd.s32 $0x200, s15  }
0x24: {  	_ =	swait.ge [sflag:s11], $0x800  }
0x25: {  	[sflag:s11] =	ssyncset.done $0x0  }
0x26: {  	s14 =	sadd.s32 $0x1, s14  }
0x27: {  	[sflag:s11] =	ssyncadd.s32 $0xFFFFF800;
	p0 =	sne.s32 s14, s9  }
.Ltmp1:
0x28: {  	[bflag:$0x0] =	sbarrier.arrive $0xFFFF;
	(pc) =	sbr.rel @p0 .LBB2_1-.Ltmp1, $4  }
0x29: {  	[hbm:s8], [sflag:s6] =	dma.local [spmem:s10], $0x4F0  }
0x2a: {  	_ =	swait.ge [sflag:s11], $0x4F0  }
0x2b: {  	[sflag:s11] =	ssyncset.done $0x0  }
0x2c: {  	[sflag:s11] =	ssyncadd.s32 $0xFFFFFB10  }
0x2d: {  	_ =	sfence.sel $0x180000  }
0x2e: {  	[bflag:$0x0] =	sbarrier.arrive $0xFFFF  }
0x2f: {  	p0 =	sne.s32 s0, $0x0;
	_ =	strace $0x9000004D  }
0x30: {  	s0 =	sadd.s32 @!p0 $0x100000, s1;
	[bflag:$0x2] =	sbarrier.arrive $0xFFFF  }
0x31: {  	[sflag:s0] =	ssyncadd.tile.s32 @!p0 $0x1;
	_ =	shalt  }
.Lfunc_end2:
_tile_overlayer_lowered:
.L_overlay_start_2:
0x32: {  	(tag) =	ssettag $0x2  }
0x33: {  	s0 =	rddreg [dreg:$0x0];
	s2 =	stileid.u32  }
0x34: {  	s1 =	rddreg [dreg:$0x1];
	p0 =	sne.s32 s2, $0x0  }
0x35: {  	s3 =	rddreg [dreg:$0x2];
	[bflag:$0x3] =	sbarrier.arrive $0xFFFF;
	s2 =	simm.s32 @!p0 $0x1C01  }
0x36: {  	[timem:s3], [sflag:s2] =	dma.local @!p0 [hbm:s0], s1  }
0x37: {  	s0 =	simm.s32 @!p0 $0x1  }
0x38: {  	_ =	swait.ge @!p0 [sflag:s0], s1  }
0x39: {  	s1 =	ssub.s32 @!p0 $0x0, s1;
	[sflag:s0] =	ssyncset.done @!p0 $0x0  }
0x3a: {  	[sflag:s0] =	ssyncadd.s32 @!p0 s1  }
0x3b: {  	[bflag:$0x3] =	sbarrier.arrive $0xFFFF  }
0x3c: {  	_ =	shalt  }

// kernel: kernel.19.cloned.1.call-start
scs
__scs_entry_jumppad:
0x0: {  	(pc) =	sbr.rel $0x88, $3  }
0x1: {  	(tag) =	ssettag $0x0;
	lr =	simm.s32 $0x1  }
0x2: {  	[smem:$0x3F92] =	sst lr;
	_ =	strace $0xD0000000  }
0x3: {  	_ = 	snop  }
0x4: {  	_ = 	snop  }
0x5: {  	_ = 	snop  }
0x6: {  	_ = 	snop  }
0x7: {  	_ = 	snop  }
__scs_overlays_trampoline_lowered:
0x8: {  	[smem:$0x3FA1] =	sst s0  }
0x9: {  	[smem:$0x3FA2] =	sst s1  }
0xa: {  	[smem:$0x3FA3] =	sst s2  }
0xb: {  	[smem:$0x3FA4] =	sst s3  }
0xc: {  	[smem:$0x3FA5] =	sst s4  }
0xd: {  	[smem:$0x3FA6] =	sst s5  }
0xe: {  	[smem:$0x3FA7] =	sst s6  }
0xf: {  	[smem:$0x3FA8] =	sst s7  }
0x10: {  	[smem:$0x3FA9] =	sst s8  }
0x11: {  	[smem:$0x3FAA] =	sst s9;
	s0 =	simm.s32 @!p0 $0x0  }
0x12: {  	s1 =	sld [smem:$0x3F90];
	s0 =	simm.s32 @p0 $0x1  }
0x13: {  	[smem:$0x3FAB] =	sst s0;
	s0 =	simm.s32 @!p1 $0x0  }
0x14: {  	s2 =	sld [smem:$0x3F8F];
	s0 =	simm.s32 @p1 $0x1  }
0x15: {  	[smem:$0x3FAC] =	sst s0;
	s0 =	simm.s32 @!p2 $0x0  }
0x16: {  	s3 =	sld [smem:$0x3FDB];
	s0 =	simm.s32 @p2 $0x1  }
0x17: {  	s4 =	simm.s32 $0x1BF5;
	[smem:$0x3FAE] =	sst s0  }
0x18: {  	s0 =	sld [smem:$0x3F91];
	_ =	swait.ge [sflag:s4], $0x0  }
0x19: {  	s7 =	sld [smem:$0x3F92]  }
0x1a: {  	s8 =	sadd.s32 $0xFFFFE003, lr  }
0x1b: {  	s9 =	sadd.s32 $0xFFFFFEF7, lr;
	s5 =	simm.s32 $0xFFFFFFFF;
	p2 =	slt.u32 s8, $0xFFFFF086  }
0x1c: {  	p1 =	slt.u32 s9, $0xF7A;
	s5 =	simm.s32 @!p2 $0x0  }
0x1d: {  	s5 =	simm.s32 @p1 $0x1;
	p0 =	seq.s32 s7, s2  }
0x1e: {  	s7 =	smul.u32 @!p0 $0xF7A, s2;
	p2 =	seq.s32 @!p0 s5, $0x0  }
0x1f: {  	s9 =	smul.u32 $0xF7A, s1;
	s8 =	simm.s32 @!p0 $0x1BF5;
	p2 =	por !p2, p0  }
0x20: {  	[sflag:s8] =	ssyncset.s32 @!p0 $0xFFFFF086;
	s6 =	sadd.s32 @!p0 s3, s7;
	s7 =	simm.s32 @!p0 $0x108  }
0x21: {  	s3 =	sadd.s32 s3, s9;
	s6 =	sadd.s32 @!p0 $0x88, s6;
	s7 =	simm.s32 @p2 $0x1082  }
0x22: {  	[simem:s7], [sflag:s8] =	dma.local @!p0 [hbm:s6], $0xF7A  }
0x23: {  	s9 =	sor.u32 $0xD0000000, s2;
	s6 =	simm.s32 $0x108;
	_ =	swait.ge @!p0 [sflag:s8], $0x0  }
0x24: {  	s3 =	sadd.s32 $0x88, s3;
	s6 =	simm.s32 @!p1 $0x1082;
	[sflag:s4] =	ssyncset.s32 $0xFFFFF086  }
0x25: {  	[simem:s6], [sflag:s4] =	dma.local [hbm:s3], $0xF7A  }
0x26: {  	[smem:$0x3F92] =	sst s1;
	(tag) =	ssettag s2;
	_ =	strace s9  }
0x27: {  	s1 =	sld [smem:$0x3FA2]  }
0x28: {  	s2 =	sld [smem:$0x3FA3]  }
0x29: {  	s4 =	sld [smem:$0x3FA5]  }
0x2a: {  	p0 =	seq.s32 s5, $0x0;
	s5 =	sld [smem:$0x3FA6]  }
0x2b: {  	s6 =	sld [smem:$0x3FA7]  }
0x2c: {  	s7 =	sld [smem:$0x3FA8]  }
0x2d: {  	s3 =	simm.s32 $0x108;
	s8 =	sld [smem:$0x3FA9]  }
0x2e: {  	s3 =	simm.s32 @!p0 $0x1082;
	s9 =	sld [smem:$0x3FAA]  }
0x2f: {  	lr =	sadd.s32 s0, s3;
	s0 =	sld [smem:$0x3FA1]  }
0x30: {  	s3 =	sld [smem:$0x3FA4]  }
0x31: {  	[smem:$0x3FAD] =	sst s10  }
0x32: {  	s10 =	sld [smem:$0x3FAB];
	_ =	sdelay $0x3  }
0x33: {  	p0 =	seq.s32 s10, $0x1;
	s10 =	sld [smem:$0x3FAD];
	_ =	sdelay $0x3  }
0x34: {  	[smem:$0x3FAD] =	sst s10  }
0x35: {  	s10 =	sld [smem:$0x3FAC];
	_ =	sdelay $0x3  }
0x36: {  	p1 =	seq.s32 s10, $0x1;
	s10 =	sld [smem:$0x3FAD];
	_ =	sdelay $0x3  }
0x37: {  	[smem:$0x3FAD] =	sst s10  }
0x38: {  	s10 =	sld [smem:$0x3FAE]  }
0x39: {  	_ = 	snop;
	(pc) =	sbr.ind lr, $3  }
0x3a: {  	_ = 	snop  }
0x3b: {  	_ = 	snop  }
0x3c: {  	p2 =	seq.s32 s10, $0x1;
	s10 =	sld [smem:$0x3FAD]  }
0x3d: {  	_ =	shalt  }
0x3e: {  	_ =	shalt  }
0x3f: {  	_ =	shalt  }
0x40: {  	_ =	shalt  }
0x41: {  	_ =	shalt  }
0x42: {  	_ =	shalt  }
0x43: {  	_ =	shalt  }
0x44: {  	_ =	shalt  }
0x45: {  	_ =	shalt  }
0x46: {  	_ =	shalt  }
0x47: {  	_ =	shalt  }
0x48: {  	_ =	shalt  }
0x49: {  	_ =	shalt  }
0x4a: {  	_ =	shalt  }
0x4b: {  	_ =	shalt  }
0x4c: {  	_ =	shalt  }
0x4d: {  	_ =	shalt  }
0x4e: {  	_ =	shalt  }
0x4f: {  	_ =	shalt  }
0x50: {  	_ =	shalt  }
0x51: {  	_ =	shalt  }
0x52: {  	_ =	shalt  }
0x53: {  	_ =	shalt  }
0x54: {  	_ =	shalt  }
0x55: {  	_ =	shalt  }
0x56: {  	_ =	shalt  }
0x57: {  	_ =	shalt  }
0x58: {  	_ =	shalt  }
0x59: {  	_ =	shalt  }
0x5a: {  	_ =	shalt  }
0x5b: {  	_ =	shalt  }
0x5c: {  	_ =	shalt  }
0x5d: {  	_ =	shalt  }
0x5e: {  	_ =	shalt  }
0x5f: {  	_ =	shalt  }
0x60: {  	_ =	shalt  }
0x61: {  	_ =	shalt  }
0x62: {  	_ =	shalt  }
0x63: {  	_ =	shalt  }
0x64: {  	_ =	shalt  }
0x65: {  	_ =	shalt  }
0x66: {  	_ =	shalt  }
0x67: {  	_ =	shalt  }
0x68: {  	_ =	shalt  }
0x69: {  	_ =	shalt  }
0x6a: {  	_ =	shalt  }
0x6b: {  	_ =	shalt  }
0x6c: {  	_ =	shalt  }
0x6d: {  	_ =	shalt  }
0x6e: {  	_ =	shalt  }
0x6f: {  	_ =	shalt  }
0x70: {  	_ =	shalt  }
0x71: {  	_ =	shalt  }
0x72: {  	_ =	shalt  }
0x73: {  	_ =	shalt  }
0x74: {  	_ =	shalt  }
0x75: {  	_ =	shalt  }
0x76: {  	_ =	shalt  }
0x77: {  	_ =	shalt  }
0x78: {  	_ =	shalt  }
0x79: {  	_ =	shalt  }
0x7a: {  	_ =	shalt  }
0x7b: {  	_ =	shalt  }
0x7c: {  	_ =	shalt  }
0x7d: {  	_ =	shalt  }
0x7e: {  	_ =	shalt  }
0x7f: {  	_ =	shalt  }
0x80: {  	_ =	shalt  }
0x81: {  	_ =	shalt  }
0x82: {  	_ =	shalt  }
0x83: {  	_ =	shalt  }
0x84: {  	_ =	shalt  }
0x85: {  	_ =	shalt  }
0x86: {  	_ =	shalt  }
0x87: {  	_ =	shalt  }
.Lfunc_end0:
.L_simem_size_0:
called_computation.1_lowered:
.L_overlay_start_0:
0x88: {  	s2 =	sld [smem:$0x3FD9]  }
0x89: {  	s3 =	sld [smem:$0x3FFE];
	_ =	sdelay $0x1  }
0x8a: {  	s1 =	srdreg.scid  }
0x8b: {  	s0 =	sand.u32 $0x1, s1  }
0x8c: {  	s17 =	sshll.u32 s0, $0xA;
	s2 =	sadd.s32 s3, s2  }
0x8d: {  	s2 =	sadd.s32 s2, s17  }
0x8e: {  	[smem:$0x3FB9] =	sst s2  }
0x8f: {  	_ = 	snop  }
0x90: {  	s2 =	sld [smem:$0x3FD0];
	(tm) =	ssettm $0x1  }
0x91: {  	s18 =	sld [smem:$0x3FFB];
	_ =	sdelay $0x3  }
0x92: {  	_ =	strace s18  }
0x93: {  	s3 =	sld [smem:$0x3FFC];
	_ =	sdelay $0x3  }
0x94: {  	_ =	strace s3  }
0x95: {  	s3 =	sld [smem:$0x3FFD];
	_ =	sdelay $0x3  }
0x96: {  	_ =	strace s3  }
0x97: {  	_ =	strace $0x8FFFFFFF  }
0x98: {  	s19 =	sld [smem:$0x3FDB];
	_ =	sdelay $0x1  }
0x99: {  	s4 =	simm.s32 $_scs_section_size  }
0x9a: {  	s5 =	simm.s32 $_size__tile_overlayer_lowered;
	s6 =	simm.s32 $_tile_overlayer_lowered  }
0x9b: {  	s22 =	simm.s32 $0x1BFF;
	s21 =	sshll.u32 s6, $0x1;
	s3 =	sadd.s32 s4, s19  }
0x9c: {  	s7 =	simm.s32 $0x0;
	s20 =	sshll.u32 s5, $0x1;
	s5 =	sadd.s32 s21, s3  }
0x9d: {  	[timem:s7], [sflag:s22] =	dma.local [hbm:s5], s20  }
0x9e: {  	_ =	swait.ge [sflag:s22], s20  }
0x9f: {  	s4 =	ssub.s32 $0x0, s20;
	[sflag:s22] =	ssyncset.done $0x0  }
0xa0: {  	[sflag:s22] =	ssyncadd.s32 s4;
	_ =	sdelay $0x1  }
0xa1: {  	s23 =	simm.s32 $0x1B8B  }
0xa2: {  	_ =	swait.ge [sflag:s23], $0x1  }
0xa3: {  	[sflag:s23] =	ssyncset.done $0x0  }
0xa4: {  	s25 =	simm.s32 $0x1B8E;
	s24 =	sld [smem:$0x3FFE];
	[sflag:s23] =	ssyncadd.s32 $0xFFFFFFFF  }
0xa5: {  	s26 =	simm.s32 $execute0_lowered;
	[smem:$0x3FD2] =	sst s25  }
0xa6: {  	s5 =	sshll.u32 s26, $0x1;
	_ =	strace $0x80000046;
	[dreg:$0x1] =	wrdreg $0xFFFFFFFF  }
0xa7: {  	s28 =	simm.s32 $_size_execute0_lowered;
	s3 =	sadd.s32 s3, s5;
	[dreg:$0x0] =	wrdreg $0x0  }
0xa8: {  	s5 =	sshll.u32 s28, $0x1;
	[dreg:$0x2] =	wrdreg s3  }
0xa9: {  	[dreg:$0x3] =	wrdreg s5  }
0xaa: {  	[dreg:$0x4] =	wrdreg $0xC0  }
0xab: {  	_ =	task [dreg:s7], $0x5FFFF  }
0xac: {  	[dreg:$0x1] =	wrdreg $0xFFFFFFFF  }
0xad: {  	[dreg:$0x0] =	wrdreg $0x60  }
0xae: {  	[dreg:$0x2] =	wrdreg s24  }
0xaf: {  	[dreg:$0x3] =	wrdreg s2  }
0xb0: {  	[dreg:$0x4] =	wrdreg $0xBD000  }
0xb1: {  	[dreg:$0x5] =	wrdreg $0xA  }
0xb2: {  	_ =	task.clear_ibuf [dreg:s7], $0x6FFFF;
	_ =	strace $0x90000046  }
0xb3: {  	s29 =	simm.s32 $0xA;
	_ =	strace $0x80000048  }
0xb4: {  	_ =	swait.ge [sflag:s29], $0x1  }
0xb5: {  	[sflag:s29] =	ssyncadd.s32 $0xFFFFFFFF  }
0xb6: {  	_ =	strace $0x90000048  }
0xb7: {  	_ =	sfence  }
0xb8: {  	s30 =	sld [smem:$0x0];
	_ =	sdelay $0x2  }
0xb9: {  	s31 =	sshll.u32 s1, $0xD;
	s1 =	sshrl.u32 s1, $0x2  }
0xba: {  	s3 =	sand.u32 $0x4000, s31;
	s1 =	sadd.s32 s1, s30  }
0xbb: {  	s0 =	sor.u32 s3, s0;
	s1 =	sshll.u32 s1, $0x11  }
0xbc: {  	s0 =	sor.u32 s1, s0  }
0xbd: {  	s0 =	sadd.s32 $0x8F2B, s0  }
0xbe: {  	[sflag:s0] =	ssyncadd.remote.s32 $0x1  }
0xbf: {  	_ =	sfence.sel $0xFFFF  }
0xc0: {  	[dreg:$0x0] =	wrdreg $0xFFFFFFFF;
	(pc) =	sbr.abs _section_cstart, $3  }
0xc1: {  	[dreg:$0x1] =	wrdreg $0xFFFFFFFF  }
0xc2: {  	_ =	task.clear_ibuf [dreg:s7], $0x2FFFF;
	_ =	strace $0x9FFFFFFF  }
0xc3: {  	(tm) =	ssettm $0x7FFFFFFF  }
tec
execute0_lowered:
.L_overlay_start_1:
0x0: {  	(tag) =	ssettag $0x1  }
0x1: {  	s5 =	rddreg [dreg:$0x0]  }
0x2: {  	s6 =	rddreg [dreg:$0x1]  }
0x3: {  	s0 =	srdreg.scid;
	s2 =	rddreg [dreg:$0x2]  }
0x4: {  	s1 =	rddreg [dreg:$0x3];
	s3 =	simm.s32 $0x0;
	s7 =	sand.u32 $0x1, s0  }
0x5: {  	s13 =	simm.s32 $0x4E80;
	s0 =	stileid.u32;
	s8 =	smul.u32 $0x4E800, s7  }
0x6: {  	s14 =	simm.s32 $0x80;
	s15 =	simm.s32 $0x9D00;
	s9 =	smul.u32 $0x4E80, s0  }
0x7: {  	s16 =	simm.s32 $0x1;
	s17 =	simm.s32 $0x0;
	s10 =	smul.u32 $0x9E00, s0  }
0x8: {  	[smem:$0x7FF] =	sst s3;
	s4 =	sadd.s32 $0x53E00, s5;
	s11 =	smul.u32 $0x9E000, s7  }
0x9: {  	_ =	strace $0x80000047;
	s7 =	ssub.s32 $0x2, s7;
	s31 =	sshll.u32 s0, $0x6  }
0xa: {  	s29 =	sshrl.u32 s7, $0x1;
	s8 =	sadd.s32 s9, s8;
	s28 =	sadd.s32 s10, s11  }
0xb: {  	s11 =	ssub.s32 s7, s29;
	s30 =	sshrl.u32 s10, $0x3;
	s12 =	sadd.s32 s10, s2  }
0xc: {  	s8 =	sshrl.u32 s8, $0x3;
	s9 =	sshrl.u32 s28, $0x3;
	s10 =	smax.u32 s11, $0x1  }
0xd: {  	s11 =	sshrl.u32 s12, $0x3;
	s12 =	simm.s32 $0x2;
	s8 =	sadd.s32 s8, s5  }
0xe: {  	s9 =	sadd.s32 s9, s5;
	s5 =	sadd.s32 s6, s30;
	s6 =	sor.u32 $0x1C02, s31  }
0xf: {  	s7 =	sadd.s32 $0x18800, s8;
	s8 =	sadd.s32 $0x4E00, s8;
	s9 =	sadd.s32 $0x2C200, s9  }
.LBB2_1:
0x10: {  	[spmem:s11], [sflag:s6] =	dma.local [hbm:s5], $0x13C0  }
0x11: {  	_ =	swait.ge [sflag:s12], $0x13C0  }
0x12: {  	[sflag:s12] =	ssyncset.done $0x0  }
0x13: {  	[sflag:s12] =	ssyncadd.s32 $0xFFFFEC40  }
0x14: {  	[tilespmem:s3], [sflag:$0x2] =	stream.linear.gather [hbm4b:s7+s3], $0x4E80, $0x38;
	[tilespmem:$0x15B00] =	vst v63  }
0x15: {  	_ =	swait.ge [sflag:s12], $0x4E80  }
0x16: {  	[sflag:s12] =	ssyncset.done $0x0  }
0x17: {  	[sflag:s12] =	ssyncadd.s32 $0xFFFFB180  }
0x18: {  	[tilespmem:s13], [sflag:$0x2] =	stream.linear.gather [hbm4b:s8+s3], $0x4E80, $0x38;
	[tilespmem:$0x15B00] =	vst v63  }
0x19: {  	_ =	swait.ge [sflag:s12], $0x4E80  }
0x1a: {  	[sflag:s12] =	ssyncset.done $0x0  }
0x1b: {  	[sflag:s12] =	ssyncadd.s32 $0xFFFFB180  }
0x1c: {  	s18 =	simm.s32 $0x0;
	[bflag:$0x0] =	sbarrier.arrive $0xFFFF  }
0x1d: {  	[tilespmem:s15], [sflag:$0x1] =	stream.indirect.gather [hbm4b:s4+s14], $0x40, s18, s14, $0xb8;
	[tilespmem:$0x15B00] =	vst v63  }
0x1e: {  	_ =	swait.ge [sflag:s16], $0x2000  }
0x1f: {  	[sflag:s16] =	ssyncset.done $0x0  }
0x20: {  	s31 =	simm.s32 $0x4E80;
	[sflag:s16] =	ssyncadd.s32 $0xFFFFE000  }
0x21: {  	[spmem:s2] =	stream.indirect.scatter.add.f32 [tilespmem:s15], [sflag:$0x2], $0x40, s31, s14, $0xb8;
	[tilespmem:$0x15B00] =	vst v63  }
0x22: {  	_ =	swait.ge [sflag:s12], $0x2000  }
0x23: {  	s19 =	simm.s32 $0x400;
	s18 =	simm.s32 $0x200;
	[sflag:s12] =	ssyncset.done $0x0  }
.LBB2_2:
0x24: {  	s20 =	sshra.s32 s18, $0x2  }
0x25: {  	[sflag:s12] =	ssyncadd.s32 $0xFFFFE000;
	s18 =	smov.u32 s19;
	s21 =	sadd.s32 $0x200, s19  }
0x26: {  	[tilespmem:s15], [sflag:$0x1] =	stream.indirect.gather [hbm4b:s4+s14], $0x40, s20, s14, $0xb8;
	[tilespmem:$0x15B00] =	vst v63  }
0x27: {  	p0 =	sne.s32 s19, $0x13800;
	_ =	swait.ge [sflag:s16], $0x2000  }
.Ltmp0:
0x28: {  	[sflag:s16] =	ssyncset.done $0x0;
	(pc) =	sbr.rel @p0 .LBB2_2-.Ltmp0, $4  }
0x29: {  	s19 =	sadd.s32 $0x4E80, s20;
	[sflag:s16] =	ssyncadd.s32 $0xFFFFE000  }
0x2a: {  	[spmem:s2] =	stream.indirect.scatter.add.f32 [tilespmem:s15], [sflag:$0x2], $0x40, s19, s14, $0xb8;
	[tilespmem:$0x15B00] =	vst v63  }
0x2b: {  	_ =	swait.ge [sflag:s12], $0x2000  }
0x2c: {  	s19 =	smov.u32 s21;
	[sflag:s12] =	ssyncset.done $0x0  }
0x2d: {  	s18 =	sshra.s32 s18, $0x2;
	[sflag:s12] =	ssyncadd.s32 $0xFFFFE000  }
0x2e: {  	[tilespmem:s15], [sflag:$0x1] =	stream.indirect.gather [hbm4b:s4+s14], $0x40, s18, s14, $0xb8;
	[tilespmem:$0x15B00] =	vst v63  }
0x2f: {  	_ =	swait.ge [sflag:s16], $0x2000  }
0x30: {  	[sflag:s16] =	ssyncset.done $0x0  }
0x31: {  	s18 =	sadd.s32 $0x4E80, s18;
	[sflag:s16] =	ssyncadd.s32 $0xFFFFE000  }
0x32: {  	[spmem:s2] =	stream.indirect.scatter.add.f32 [tilespmem:s15], [sflag:$0x2], $0x40, s18, s14, $0xb8;
	[tilespmem:$0x15B00] =	vst v63  }
0x33: {  	_ =	swait.ge [sflag:s12], $0x2000  }
0x34: {  	s17 =	sadd.s32 $0x1, s17;
	[sflag:s12] =	ssyncset.done $0x0  }
0x35: {  	p0 =	sne.s32 s17, s10;
	[sflag:s12] =	ssyncadd.s32 $0xFFFFE000  }
.Ltmp1:
0x36: {  	[bflag:$0x0] =	sbarrier.arrive $0xFFFF;
	(pc) =	sbr.rel @p0 .LBB2_1-.Ltmp1, $4  }
0x37: {  	[hbm:s9], [sflag:s6] =	dma.local [spmem:s11], $0x13C0  }
0x38: {  	_ =	swait.ge [sflag:s12], $0x13C0  }
0x39: {  	[sflag:s12] =	ssyncset.done $0x0  }
0x3a: {  	[sflag:s12] =	ssyncadd.s32 $0xFFFFEC40  }
0x3b: {  	_ =	sfence.sel $0x180000  }
0x3c: {  	[bflag:$0x0] =	sbarrier.arrive $0xFFFF  }
0x3d: {  	p0 =	sne.s32 s0, $0x0;
	_ =	strace $0x90000047  }
0x3e: {  	s0 =	sadd.s32 @!p0 $0x100000, s1;
	[bflag:$0x2] =	sbarrier.arrive $0xFFFF  }
0x3f: {  	[sflag:s0] =	ssyncadd.tile.s32 @!p0 $0x1;
	_ =	shalt  }
.Lfunc_end2:
_tile_overlayer_lowered:
.L_overlay_start_2:
0x40: {  	(tag) =	ssettag $0x2  }
0x41: {  	s0 =	rddreg [dreg:$0x0];
	s2 =	stileid.u32  }
0x42: {  	s1 =	rddreg [dreg:$0x1];
	p0 =	sne.s32 s2, $0x0  }
0x43: {  	s3 =	rddreg [dreg:$0x2];
	[bflag:$0x3] =	sbarrier.arrive $0xFFFF;
	s2 =	simm.s32 @!p0 $0x1C02  }
0x44: {  	[timem:s3], [sflag:s2] =	dma.local @!p0 [hbm:s0], s1  }
0x45: {  	s0 =	simm.s32 @!p0 $0x2  }
0x46: {  	_ =	swait.ge @!p0 [sflag:s0], s1  }
0x47: {  	s1 =	ssub.s32 @!p0 $0x0, s1;
	[sflag:s0] =	ssyncset.done @!p0 $0x0  }
0x48: {  	[sflag:s0] =	ssyncadd.s32 @!p0 s1  }
0x49: {  	[bflag:$0x3] =	sbarrier.arrive $0xFFFF  }
0x4a: {  	_ =	shalt  }

// kernel: kernel.22.cloned.1.call-start
scs
__scs_entry_jumppad:
0x0: {  	(pc) =	sbr.rel $0x88, $3  }
0x1: {  	(tag) =	ssettag $0x0;
	lr =	simm.s32 $0x1  }
0x2: {  	[smem:$0x3F92] =	sst lr;
	_ =	strace $0xD0000000  }
0x3: {  	_ = 	snop  }
0x4: {  	_ = 	snop  }
0x5: {  	_ = 	snop  }
0x6: {  	_ = 	snop  }
0x7: {  	_ = 	snop  }
__scs_overlays_trampoline_lowered:
0x8: {  	[smem:$0x3FA1] =	sst s0  }
0x9: {  	[smem:$0x3FA2] =	sst s1  }
0xa: {  	[smem:$0x3FA3] =	sst s2  }
0xb: {  	[smem:$0x3FA4] =	sst s3  }
0xc: {  	[smem:$0x3FA5] =	sst s4  }
0xd: {  	[smem:$0x3FA6] =	sst s5  }
0xe: {  	[smem:$0x3FA7] =	sst s6  }
0xf: {  	[smem:$0x3FA8] =	sst s7  }
0x10: {  	[smem:$0x3FA9] =	sst s8  }
0x11: {  	[smem:$0x3FAA] =	sst s9;
	s0 =	simm.s32 @!p0 $0x0  }
0x12: {  	s1 =	sld [smem:$0x3F90];
	s0 =	simm.s32 @p0 $0x1  }
0x13: {  	[smem:$0x3FAB] =	sst s0;
	s0 =	simm.s32 @!p1 $0x0  }
0x14: {  	s2 =	sld [smem:$0x3F8F];
	s0 =	simm.s32 @p1 $0x1  }
0x15: {  	[smem:$0x3FAC] =	sst s0;
	s0 =	simm.s32 @!p2 $0x0  }
0x16: {  	s3 =	sld [smem:$0x3FDB];
	s0 =	simm.s32 @p2 $0x1  }
0x17: {  	s4 =	simm.s32 $0x1BF5;
	[smem:$0x3FAE] =	sst s0  }
0x18: {  	s0 =	sld [smem:$0x3F91];
	_ =	swait.ge [sflag:s4], $0x0  }
0x19: {  	s7 =	sld [smem:$0x3F92]  }
0x1a: {  	s8 =	sadd.s32 $0xFFFFE003, lr  }
0x1b: {  	s9 =	sadd.s32 $0xFFFFFEF7, lr;
	s5 =	simm.s32 $0xFFFFFFFF;
	p2 =	slt.u32 s8, $0xFFFFF086  }
0x1c: {  	p1 =	slt.u32 s9, $0xF7A;
	s5 =	simm.s32 @!p2 $0x0  }
0x1d: {  	s5 =	simm.s32 @p1 $0x1;
	p0 =	seq.s32 s7, s2  }
0x1e: {  	s7 =	smul.u32 @!p0 $0xF7A, s2;
	p2 =	seq.s32 @!p0 s5, $0x0  }
0x1f: {  	s9 =	smul.u32 $0xF7A, s1;
	s8 =	simm.s32 @!p0 $0x1BF5;
	p2 =	por !p2, p0  }
0x20: {  	[sflag:s8] =	ssyncset.s32 @!p0 $0xFFFFF086;
	s6 =	sadd.s32 @!p0 s3, s7;
	s7 =	simm.s32 @!p0 $0x108  }
0x21: {  	s3 =	sadd.s32 s3, s9;
	s6 =	sadd.s32 @!p0 $0x88, s6;
	s7 =	simm.s32 @p2 $0x1082  }
0x22: {  	[simem:s7], [sflag:s8] =	dma.local @!p0 [hbm:s6], $0xF7A  }
0x23: {  	s9 =	sor.u32 $0xD0000000, s2;
	s6 =	simm.s32 $0x108;
	_ =	swait.ge @!p0 [sflag:s8], $0x0  }
0x24: {  	s3 =	sadd.s32 $0x88, s3;
	s6 =	simm.s32 @!p1 $0x1082;
	[sflag:s4] =	ssyncset.s32 $0xFFFFF086  }
0x25: {  	[simem:s6], [sflag:s4] =	dma.local [hbm:s3], $0xF7A  }
0x26: {  	[smem:$0x3F92] =	sst s1;
	(tag) =	ssettag s2;
	_ =	strace s9  }
0x27: {  	s1 =	sld [smem:$0x3FA2]  }
0x28: {  	s2 =	sld [smem:$0x3FA3]  }
0x29: {  	s4 =	sld [smem:$0x3FA5]  }
0x2a: {  	p0 =	seq.s32 s5, $0x0;
	s5 =	sld [smem:$0x3FA6]  }
0x2b: {  	s6 =	sld [smem:$0x3FA7]  }
0x2c: {  	s7 =	sld [smem:$0x3FA8]  }
0x2d: {  	s3 =	simm.s32 $0x108;
	s8 =	sld [smem:$0x3FA9]  }
0x2e: {  	s3 =	simm.s32 @!p0 $0x1082;
	s9 =	sld [smem:$0x3FAA]  }
0x2f: {  	lr =	sadd.s32 s0, s3;
	s0 =	sld [smem:$0x3FA1]  }
0x30: {  	s3 =	sld [smem:$0x3FA4]  }
0x31: {  	[smem:$0x3FAD] =	sst s10  }
0x32: {  	s10 =	sld [smem:$0x3FAB];
	_ =	sdelay $0x3  }
0x33: {  	p0 =	seq.s32 s10, $0x1;
	s10 =	sld [smem:$0x3FAD];
	_ =	sdelay $0x3  }
0x34: {  	[smem:$0x3FAD] =	sst s10  }
0x35: {  	s10 =	sld [smem:$0x3FAC];
	_ =	sdelay $0x3  }
0x36: {  	p1 =	seq.s32 s10, $0x1;
	s10 =	sld [smem:$0x3FAD];
	_ =	sdelay $0x3  }
0x37: {  	[smem:$0x3FAD] =	sst s10  }
0x38: {  	s10 =	sld [smem:$0x3FAE]  }
0x39: {  	_ = 	snop;
	(pc) =	sbr.ind lr, $3  }
0x3a: {  	_ = 	snop  }
0x3b: {  	_ = 	snop  }
0x3c: {  	p2 =	seq.s32 s10, $0x1;
	s10 =	sld [smem:$0x3FAD]  }
0x3d: {  	_ =	shalt  }
0x3e: {  	_ =	shalt  }
0x3f: {  	_ =	shalt  }
0x40: {  	_ =	shalt  }
0x41: {  	_ =	shalt  }
0x42: {  	_ =	shalt  }
0x43: {  	_ =	shalt  }
0x44: {  	_ =	shalt  }
0x45: {  	_ =	shalt  }
0x46: {  	_ =	shalt  }
0x47: {  	_ =	shalt  }
0x48: {  	_ =	shalt  }
0x49: {  	_ =	shalt  }
0x4a: {  	_ =	shalt  }
0x4b: {  	_ =	shalt  }
0x4c: {  	_ =	shalt  }
0x4d: {  	_ =	shalt  }
0x4e: {  	_ =	shalt  }
0x4f: {  	_ =	shalt  }
0x50: {  	_ =	shalt  }
0x51: {  	_ =	shalt  }
0x52: {  	_ =	shalt  }
0x53: {  	_ =	shalt  }
0x54: {  	_ =	shalt  }
0x55: {  	_ =	shalt  }
0x56: {  	_ =	shalt  }
0x57: {  	_ =	shalt  }
0x58: {  	_ =	shalt  }
0x59: {  	_ =	shalt  }
0x5a: {  	_ =	shalt  }
0x5b: {  	_ =	shalt  }
0x5c: {  	_ =	shalt  }
0x5d: {  	_ =	shalt  }
0x5e: {  	_ =	shalt  }
0x5f: {  	_ =	shalt  }
0x60: {  	_ =	shalt  }
0x61: {  	_ =	shalt  }
0x62: {  	_ =	shalt  }
0x63: {  	_ =	shalt  }
0x64: {  	_ =	shalt  }
0x65: {  	_ =	shalt  }
0x66: {  	_ =	shalt  }
0x67: {  	_ =	shalt  }
0x68: {  	_ =	shalt  }
0x69: {  	_ =	shalt  }
0x6a: {  	_ =	shalt  }
0x6b: {  	_ =	shalt  }
0x6c: {  	_ =	shalt  }
0x6d: {  	_ =	shalt  }
0x6e: {  	_ =	shalt  }
0x6f: {  	_ =	shalt  }
0x70: {  	_ =	shalt  }
0x71: {  	_ =	shalt  }
0x72: {  	_ =	shalt  }
0x73: {  	_ =	shalt  }
0x74: {  	_ =	shalt  }
0x75: {  	_ =	shalt  }
0x76: {  	_ =	shalt  }
0x77: {  	_ =	shalt  }
0x78: {  	_ =	shalt  }
0x79: {  	_ =	shalt  }
0x7a: {  	_ =	shalt  }
0x7b: {  	_ =	shalt  }
0x7c: {  	_ =	shalt  }
0x7d: {  	_ =	shalt  }
0x7e: {  	_ =	shalt  }
0x7f: {  	_ =	shalt  }
0x80: {  	_ =	shalt  }
0x81: {  	_ =	shalt  }
0x82: {  	_ =	shalt  }
0x83: {  	_ =	shalt  }
0x84: {  	_ =	shalt  }
0x85: {  	_ =	shalt  }
0x86: {  	_ =	shalt  }
0x87: {  	_ =	shalt  }
.Lfunc_end0:
.L_simem_size_0:
called_computation.2_lowered:
.L_overlay_start_0:
0x88: {  	s2 =	sld [smem:$0x3FD9]  }
0x89: {  	s3 =	sld [smem:$0x3FFE];
	_ =	sdelay $0x1  }
0x8a: {  	s1 =	srdreg.scid  }
0x8b: {  	s0 =	sand.u32 $0x1, s1  }
0x8c: {  	s17 =	sshll.u32 s0, $0xA;
	s2 =	sadd.s32 s3, s2  }
0x8d: {  	s2 =	sadd.s32 s2, s17  }
0x8e: {  	[smem:$0x3FB9] =	sst s2  }
0x8f: {  	_ = 	snop  }
0x90: {  	s18 =	sld [smem:$0x3FD0];
	(tm) =	ssettm $0x1  }
0x91: {  	s19 =	sld [smem:$0x3FFB];
	_ =	sdelay $0x3  }
0x92: {  	_ =	strace s19  }
0x93: {  	s2 =	sld [smem:$0x3FFC];
	_ =	sdelay $0x3  }
0x94: {  	_ =	strace s2  }
0x95: {  	s2 =	sld [smem:$0x3FFD];
	_ =	sdelay $0x3  }
0x96: {  	_ =	strace s2  }
0x97: {  	_ =	strace $0x8FFFFFFF  }
0x98: {  	s20 =	sld [smem:$0x3FDB];
	_ =	sdelay $0x1  }
0x99: {  	s4 =	simm.s32 $_scs_section_size  }
0x9a: {  	s5 =	simm.s32 $_size__tile_overlayer_lowered;
	s6 =	simm.s32 $_tile_overlayer_lowered  }
0x9b: {  	s7 =	simm.s32 $0x1BFF;
	s21 =	sshll.u32 s6, $0x1;
	s4 =	sadd.s32 s4, s20  }
0x9c: {  	s22 =	simm.s32 $0x0;
	s5 =	sshll.u32 s5, $0x1;
	s6 =	sadd.s32 s21, s4  }
0x9d: {  	[timem:s22], [sflag:s7] =	dma.local [hbm:s6], s5  }
0x9e: {  	_ =	swait.ge [sflag:s7], s5  }
0x9f: {  	s5 =	ssub.s32 $0x0, s5;
	[sflag:s7] =	ssyncset.done $0x0  }
0xa0: {  	[sflag:s7] =	ssyncadd.s32 s5;
	_ =	sdelay $0x1  }
0xa1: {  	s23 =	simm.s32 $0x1B8B  }
0xa2: {  	_ =	swait.ge [sflag:s23], $0x1  }
0xa3: {  	[sflag:s23] =	ssyncset.done $0x0  }
0xa4: {  	[sflag:s23] =	ssyncadd.s32 $0xFFFFFFFF  }
0xa5: {  	s5 =	sld [smem:$0x0]  }
0xa6: {  	s6 =	sand.u32 $0xFFFFFFFE, s1  }
0xa7: {  	p0 =	sne.s32 s1, s6  }
0xa8: {  	s6 =	sshll.u32 @p0 s6, $0xE  }
0xa9: {  	s6 =	sadd.s32 @p0 $0x11B8D, s6;
	s7 =	sshll.u32 @p0 s5, $0x11  }
0xaa: {  	s6 =	sor.u32 @p0 s7, s6  }
0xab: {  	[sflag:s6] =	ssyncadd.remote.s32 @p0 $0x1;
	_ =	sdelay $0x1  }
0xac: {  	s6 =	simm.s32 @p0 $0x1B8D  }
0xad: {  	_ =	swait.eq @p0 [sflag:s6], $0x1  }
0xae: {  	[sflag:s6] =	ssyncadd.s32 @p0 $0xFFFFFFFF  }
0xaf: {  	s7 =	sshll.u32 @!p0 s1, $0xE  }
0xb0: {  	s7 =	sor.u32 @!p0 $0x4000, s7;
	s6 =	simm.s32 @!p0 $0x1B8D  }
0xb1: {  	s5 =	sshll.u32 @!p0 s5, $0x11;
	s7 =	sadd.s32 @!p0 $0x11B8D, s7;
	_ =	swait.eq @!p0 [sflag:s6], $0x1  }
0xb2: {  	s5 =	sor.u32 @!p0 s5, s7;
	[sflag:s6] =	ssyncadd.s32 @!p0 $0xFFFFFFFF  }
0xb3: {  	s25 =	simm.s32 $0x1B8E;
	s24 =	sld [smem:$0x3FFE];
	[sflag:s5] =	ssyncadd.remote.s32 @!p0 $0x1  }
0xb4: {  	s26 =	simm.s32 $execute0_lowered;
	[smem:$0x3FD2] =	sst s25  }
0xb5: {  	s6 =	sshll.u32 s26, $0x1;
	_ =	strace $0x80000049;
	[dreg:$0x1] =	wrdreg $0xFFFFFFFF  }
0xb6: {  	s28 =	simm.s32 $_size_execute0_lowered;
	s4 =	sadd.s32 s4, s6;
	[dreg:$0x0] =	wrdreg $0x0  }
0xb7: {  	s6 =	sshll.u32 s28, $0x1;
	[dreg:$0x2] =	wrdreg s4  }
0xb8: {  	[dreg:$0x3] =	wrdreg s6  }
0xb9: {  	[dreg:$0x4] =	wrdreg $0xC0  }
0xba: {  	_ =	task [dreg:s22], $0x5FFFF  }
0xbb: {  	[dreg:$0x1] =	wrdreg $0xFFFFFFFF  }
0xbc: {  	[dreg:$0x0] =	wrdreg $0x60  }
0xbd: {  	[dreg:$0x2] =	wrdreg s24  }
0xbe: {  	[dreg:$0x3] =	wrdreg s18  }
0xbf: {  	[dreg:$0x4] =	wrdreg $0xBD000  }
0xc0: {  	[dreg:$0x5] =	wrdreg $0xB  }
0xc1: {  	_ =	task.clear_ibuf [dreg:s22], $0x6FFFF;
	_ =	strace $0x90000049  }
0xc2: {  	s29 =	simm.s32 $0xB;
	_ =	strace $0x8000004B  }
0xc3: {  	_ =	swait.ge [sflag:s29], $0x1  }
0xc4: {  	[sflag:s29] =	ssyncadd.s32 $0xFFFFFFFF  }
0xc5: {  	_ =	strace $0x9000004B  }
0xc6: {  	_ =	sfence  }
0xc7: {  	s30 =	sld [smem:$0x0];
	_ =	sdelay $0x2  }
0xc8: {  	s31 =	sshll.u32 s1, $0xD;
	s1 =	sshrl.u32 s1, $0x2  }
0xc9: {  	s4 =	sand.u32 $0x4000, s31;
	s1 =	sadd.s32 s1, s30  }
0xca: {  	s0 =	sor.u32 s4, s0;
	s1 =	sshll.u32 s1, $0x11  }
0xcb: {  	s0 =	sor.u32 s1, s0  }
0xcc: {  	s0 =	sadd.s32 $0x8F2B, s0  }
0xcd: {  	[sflag:s0] =	ssyncadd.remote.s32 $0x1  }
0xce: {  	_ =	sfence.sel $0xFFFF  }
0xcf: {  	[dreg:$0x0] =	wrdreg $0xFFFFFFFF;
	(pc) =	sbr.abs _section_cstart, $3  }
0xd0: {  	[dreg:$0x1] =	wrdreg $0xFFFFFFFF  }
0xd1: {  	_ =	task.clear_ibuf [dreg:s22], $0x2FFFF;
	_ =	strace $0x9FFFFFFF  }
0xd2: {  	(tm) =	ssettm $0x7FFFFFFF  }
0xd3: {  	_ =	shalt  }
tec
execute0_lowered:
.L_overlay_start_1:
0x0: {  	(tag) =	ssettag $0x1  }
0x1: {  	s5 =	rddreg [dreg:$0x0]  }
0x2: {  	s6 =	rddreg [dreg:$0x1]  }
0x3: {  	s0 =	srdreg.scid;
	s2 =	rddreg [dreg:$0x2]  }
0x4: {  	s1 =	rddreg [dreg:$0x3];
	s3 =	simm.s32 $0x0;
	s7 =	sand.u32 $0x1, s0  }
0x5: {  	s13 =	simm.s32 $0x4E80;
	s0 =	stileid.u32;
	s8 =	smul.u32 $0x4E800, s7  }
0x6: {  	s14 =	simm.s32 $0x80;
	s15 =	simm.s32 $0x9D00;
	s9 =	smul.u32 $0x4E80, s0  }
0x7: {  	s16 =	simm.s32 $0x1;
	s17 =	simm.s32 $0x0;
	s10 =	smul.u32 $0x9E00, s0  }
0x8: {  	[smem:$0x7FF] =	sst s3;
	s4 =	sadd.s32 $0x7B600, s5;
	s11 =	smul.u32 $0x9E000, s7  }
0x9: {  	_ =	strace $0x8000004A;
	s7 =	ssub.s32 $0x2, s7;
	s31 =	sshll.u32 s0, $0x6  }
0xa: {  	s29 =	sshrl.u32 s7, $0x1;
	s8 =	sadd.s32 s9, s8;
	s28 =	sadd.s32 s10, s11  }
0xb: {  	s11 =	ssub.s32 s7, s29;
	s30 =	sshrl.u32 s10, $0x3;
	s12 =	sadd.s32 s10, s2  }
0xc: {  	s8 =	sshrl.u32 s8, $0x3;
	s9 =	sshrl.u32 s28, $0x3;
	s10 =	smax.u32 s11, $0x1  }
0xd: {  	s11 =	sshrl.u32 s12, $0x3;
	s12 =	simm.s32 $0x2;
	s8 =	sadd.s32 s8, s5  }
0xe: {  	s9 =	sadd.s32 s9, s5;
	s5 =	sadd.s32 s6, s30;
	s6 =	sor.u32 $0x1C02, s31  }
0xf: {  	s7 =	sadd.s32 $0x18800, s8;
	s8 =	sadd.s32 $0x4E00, s8;
	s9 =	sadd.s32 $0xA2E00, s9  }
.LBB2_1:
0x10: {  	[spmem:s11], [sflag:s6] =	dma.local [hbm:s5], $0x13C0  }
0x11: {  	_ =	swait.ge [sflag:s12], $0x13C0  }
0x12: {  	[sflag:s12] =	ssyncset.done $0x0  }
0x13: {  	[sflag:s12] =	ssyncadd.s32 $0xFFFFEC40  }
0x14: {  	[tilespmem:s3], [sflag:$0x2] =	stream.linear.gather [hbm4b:s7+s3], $0x4E80, $0x38;
	[tilespmem:$0x15B00] =	vst v63  }
0x15: {  	_ =	swait.ge [sflag:s12], $0x4E80  }
0x16: {  	[sflag:s12] =	ssyncset.done $0x0  }
0x17: {  	[sflag:s12] =	ssyncadd.s32 $0xFFFFB180  }
0x18: {  	[tilespmem:s13], [sflag:$0x2] =	stream.linear.gather [hbm4b:s8+s3], $0x4E80, $0x38;
	[tilespmem:$0x15B00] =	vst v63  }
0x19: {  	_ =	swait.ge [sflag:s12], $0x4E80  }
0x1a: {  	[sflag:s12] =	ssyncset.done $0x0  }
0x1b: {  	[sflag:s12] =	ssyncadd.s32 $0xFFFFB180  }
0x1c: {  	s18 =	simm.s32 $0x0;
	[bflag:$0x0] =	sbarrier.arrive $0xFFFF  }
0x1d: {  	[tilespmem:s15], [sflag:$0x1] =	stream.indirect.gather [hbm4b:s4+s14], $0x40, s18, s14, $0xb8;
	[tilespmem:$0x15B00] =	vst v63  }
0x1e: {  	_ =	swait.ge [sflag:s16], $0x2000  }
0x1f: {  	[sflag:s16] =	ssyncset.done $0x0  }
0x20: {  	s31 =	simm.s32 $0x4E80;
	[sflag:s16] =	ssyncadd.s32 $0xFFFFE000  }
0x21: {  	[spmem:s2] =	stream.indirect.scatter.add.f32 [tilespmem:s15], [sflag:$0x2], $0x40, s31, s14, $0xb8;
	[tilespmem:$0x15B00] =	vst v63  }
0x22: {  	_ =	swait.ge [sflag:s12], $0x2000  }
0x23: {  	s19 =	simm.s32 $0x400;
	s18 =	simm.s32 $0x200;
	[sflag:s12] =	ssyncset.done $0x0  }
.LBB2_2:
0x24: {  	s20 =	sshra.s32 s18, $0x2  }
0x25: {  	[sflag:s12] =	ssyncadd.s32 $0xFFFFE000;
	s18 =	smov.u32 s19;
	s21 =	sadd.s32 $0x200, s19  }
0x26: {  	[tilespmem:s15], [sflag:$0x1] =	stream.indirect.gather [hbm4b:s4+s14], $0x40, s20, s14, $0xb8;
	[tilespmem:$0x15B00] =	vst v63  }
0x27: {  	p0 =	sne.s32 s19, $0x13800;
	_ =	swait.ge [sflag:s16], $0x2000  }
.Ltmp0:
0x28: {  	[sflag:s16] =	ssyncset.done $0x0;
	(pc) =	sbr.rel @p0 .LBB2_2-.Ltmp0, $4  }
0x29: {  	s19 =	sadd.s32 $0x4E80, s20;
	[sflag:s16] =	ssyncadd.s32 $0xFFFFE000  }
0x2a: {  	[spmem:s2] =	stream.indirect.scatter.add.f32 [tilespmem:s15], [sflag:$0x2], $0x40, s19, s14, $0xb8;
	[tilespmem:$0x15B00] =	vst v63  }
0x2b: {  	_ =	swait.ge [sflag:s12], $0x2000  }
0x2c: {  	s19 =	smov.u32 s21;
	[sflag:s12] =	ssyncset.done $0x0  }
0x2d: {  	s18 =	sshra.s32 s18, $0x2;
	[sflag:s12] =	ssyncadd.s32 $0xFFFFE000  }
0x2e: {  	[tilespmem:s15], [sflag:$0x1] =	stream.indirect.gather [hbm4b:s4+s14], $0x40, s18, s14, $0xb8;
	[tilespmem:$0x15B00] =	vst v63  }
0x2f: {  	_ =	swait.ge [sflag:s16], $0x2000  }
0x30: {  	[sflag:s16] =	ssyncset.done $0x0  }
0x31: {  	s18 =	sadd.s32 $0x4E80, s18;
	[sflag:s16] =	ssyncadd.s32 $0xFFFFE000  }
0x32: {  	[spmem:s2] =	stream.indirect.scatter.add.f32 [tilespmem:s15], [sflag:$0x2], $0x40, s18, s14, $0xb8;
	[tilespmem:$0x15B00] =	vst v63  }
0x33: {  	_ =	swait.ge [sflag:s12], $0x2000  }
0x34: {  	s17 =	sadd.s32 $0x1, s17;
	[sflag:s12] =	ssyncset.done $0x0  }
0x35: {  	p0 =	sne.s32 s17, s10;
	[sflag:s12] =	ssyncadd.s32 $0xFFFFE000  }
.Ltmp1:
0x36: {  	[bflag:$0x0] =	sbarrier.arrive $0xFFFF;
	(pc) =	sbr.rel @p0 .LBB2_1-.Ltmp1, $4  }
0x37: {  	[hbm:s9], [sflag:s6] =	dma.local [spmem:s11], $0x13C0  }
0x38: {  	_ =	swait.ge [sflag:s12], $0x13C0  }
0x39: {  	[sflag:s12] =	ssyncset.done $0x0  }
0x3a: {  	[sflag:s12] =	ssyncadd.s32 $0xFFFFEC40  }
0x3b: {  	_ =	sfence.sel $0x180000  }
0x3c: {  	[bflag:$0x0] =	sbarrier.arrive $0xFFFF  }
0x3d: {  	p0 =	sne.s32 s0, $0x0;
	_ =	strace $0x9000004A  }
0x3e: {  	s0 =	sadd.s32 @!p0 $0x100000, s1;
	[bflag:$0x2] =	sbarrier.arrive $0xFFFF  }
0x3f: {  	[sflag:s0] =	ssyncadd.tile.s32 @!p0 $0x1;
	_ =	shalt  }
.Lfunc_end2:
_tile_overlayer_lowered:
.L_overlay_start_2:
0x40: {  	(tag) =	ssettag $0x2  }
0x41: {  	s0 =	rddreg [dreg:$0x0];
	s2 =	stileid.u32  }
0x42: {  	s1 =	rddreg [dreg:$0x1];
	p0 =	sne.s32 s2, $0x0  }
0x43: {  	s3 =	rddreg [dreg:$0x2];
	[bflag:$0x3] =	sbarrier.arrive $0xFFFF;
	s2 =	simm.s32 @!p0 $0x1C02  }
0x44: {  	[timem:s3], [sflag:s2] =	dma.local @!p0 [hbm:s0], s1  }
0x45: {  	s0 =	simm.s32 @!p0 $0x2  }
0x46: {  	_ =	swait.ge @!p0 [sflag:s0], s1  }
0x47: {  	s1 =	ssub.s32 @!p0 $0x0, s1;
	[sflag:s0] =	ssyncset.done @!p0 $0x0  }
0x48: {  	[sflag:s0] =	ssyncadd.s32 @!p0 s1  }
0x49: {  	[bflag:$0x3] =	sbarrier.arrive $0xFFFF  }
0x4a: {  	_ =	shalt  }

// kernel: kernel.25.cloned.1.call-start
scs
__scs_entry_jumppad:
0x0: {  	(pc) =	sbr.rel $0x88, $3  }
0x1: {  	(tag) =	ssettag $0x0;
	lr =	simm.s32 $0x1  }
0x2: {  	[smem:$0x3F92] =	sst lr;
	_ =	strace $0xD0000000  }
0x3: {  	_ = 	snop  }
0x4: {  	_ = 	snop  }
0x5: {  	_ = 	snop  }
0x6: {  	_ = 	snop  }
0x7: {  	_ = 	snop  }
__scs_overlays_trampoline_lowered:
0x8: {  	[smem:$0x3FA1] =	sst s0  }
0x9: {  	[smem:$0x3FA2] =	sst s1  }
0xa: {  	[smem:$0x3FA3] =	sst s2  }
0xb: {  	[smem:$0x3FA4] =	sst s3  }
0xc: {  	[smem:$0x3FA5] =	sst s4  }
0xd: {  	[smem:$0x3FA6] =	sst s5  }
0xe: {  	[smem:$0x3FA7] =	sst s6  }
0xf: {  	[smem:$0x3FA8] =	sst s7  }
0x10: {  	[smem:$0x3FA9] =	sst s8  }
0x11: {  	[smem:$0x3FAA] =	sst s9;
	s0 =	simm.s32 @!p0 $0x0  }
0x12: {  	s1 =	sld [smem:$0x3F90];
	s0 =	simm.s32 @p0 $0x1  }
0x13: {  	[smem:$0x3FAB] =	sst s0;
	s0 =	simm.s32 @!p1 $0x0  }
0x14: {  	s2 =	sld [smem:$0x3F8F];
	s0 =	simm.s32 @p1 $0x1  }
0x15: {  	[smem:$0x3FAC] =	sst s0;
	s0 =	simm.s32 @!p2 $0x0  }
0x16: {  	s3 =	sld [smem:$0x3FDB];
	s0 =	simm.s32 @p2 $0x1  }
0x17: {  	s4 =	simm.s32 $0x1BF5;
	[smem:$0x3FAE] =	sst s0  }
0x18: {  	s0 =	sld [smem:$0x3F91];
	_ =	swait.ge [sflag:s4], $0x0  }
0x19: {  	s7 =	sld [smem:$0x3F92]  }
0x1a: {  	s8 =	sadd.s32 $0xFFFFE003, lr  }
0x1b: {  	s9 =	sadd.s32 $0xFFFFFEF7, lr;
	s5 =	simm.s32 $0xFFFFFFFF;
	p2 =	slt.u32 s8, $0xFFFFF086  }
0x1c: {  	p1 =	slt.u32 s9, $0xF7A;
	s5 =	simm.s32 @!p2 $0x0  }
0x1d: {  	s5 =	simm.s32 @p1 $0x1;
	p0 =	seq.s32 s7, s2  }
0x1e: {  	s7 =	smul.u32 @!p0 $0xF7A, s2;
	p2 =	seq.s32 @!p0 s5, $0x0  }
0x1f: {  	s9 =	smul.u32 $0xF7A, s1;
	s8 =	simm.s32 @!p0 $0x1BF5;
	p2 =	por !p2, p0  }
0x20: {  	[sflag:s8] =	ssyncset.s32 @!p0 $0xFFFFF086;
	s6 =	sadd.s32 @!p0 s3, s7;
	s7 =	simm.s32 @!p0 $0x108  }
0x21: {  	s3 =	sadd.s32 s3, s9;
	s6 =	sadd.s32 @!p0 $0x88, s6;
	s7 =	simm.s32 @p2 $0x1082  }
0x22: {  	[simem:s7], [sflag:s8] =	dma.local @!p0 [hbm:s6], $0xF7A  }
0x23: {  	s9 =	sor.u32 $0xD0000000, s2;
	s6 =	simm.s32 $0x108;
	_ =	swait.ge @!p0 [sflag:s8], $0x0  }
0x24: {  	s3 =	sadd.s32 $0x88, s3;
	s6 =	simm.s32 @!p1 $0x1082;
	[sflag:s4] =	ssyncset.s32 $0xFFFFF086  }
0x25: {  	[simem:s6], [sflag:s4] =	dma.local [hbm:s3], $0xF7A  }
0x26: {  	[smem:$0x3F92] =	sst s1;
	(tag) =	ssettag s2;
	_ =	strace s9  }
0x27: {  	s1 =	sld [smem:$0x3FA2]  }
0x28: {  	s2 =	sld [smem:$0x3FA3]  }
0x29: {  	s4 =	sld [smem:$0x3FA5]  }
0x2a: {  	p0 =	seq.s32 s5, $0x0;
	s5 =	sld [smem:$0x3FA6]  }
0x2b: {  	s6 =	sld [smem:$0x3FA7]  }
0x2c: {  	s7 =	sld [smem:$0x3FA8]  }
0x2d: {  	s3 =	simm.s32 $0x108;
	s8 =	sld [smem:$0x3FA9]  }
0x2e: {  	s3 =	simm.s32 @!p0 $0x1082;
	s9 =	sld [smem:$0x3FAA]  }
0x2f: {  	lr =	sadd.s32 s0, s3;
	s0 =	sld [smem:$0x3FA1]  }
0x30: {  	s3 =	sld [smem:$0x3FA4]  }
0x31: {  	[smem:$0x3FAD] =	sst s10  }
0x32: {  	s10 =	sld [smem:$0x3FAB];
	_ =	sdelay $0x3  }
0x33: {  	p0 =	seq.s32 s10, $0x1;
	s10 =	sld [smem:$0x3FAD];
	_ =	sdelay $0x3  }
0x34: {  	[smem:$0x3FAD] =	sst s10  }
0x35: {  	s10 =	sld [smem:$0x3FAC];
	_ =	sdelay $0x3  }
0x36: {  	p1 =	seq.s32 s10, $0x1;
	s10 =	sld [smem:$0x3FAD];
	_ =	sdelay $0x3  }
0x37: {  	[smem:$0x3FAD] =	sst s10  }
0x38: {  	s10 =	sld [smem:$0x3FAE]  }
0x39: {  	_ = 	snop;
	(pc) =	sbr.ind lr, $3  }
0x3a: {  	_ = 	snop  }
0x3b: {  	_ = 	snop  }
0x3c: {  	p2 =	seq.s32 s10, $0x1;
	s10 =	sld [smem:$0x3FAD]  }
0x3d: {  	_ =	shalt  }
0x3e: {  	_ =	shalt  }
0x3f: {  	_ =	shalt  }
0x40: {  	_ =	shalt  }
0x41: {  	_ =	shalt  }
0x42: {  	_ =	shalt  }
0x43: {  	_ =	shalt  }
0x44: {  	_ =	shalt  }
0x45: {  	_ =	shalt  }
0x46: {  	_ =	shalt  }
0x47: {  	_ =	shalt  }
0x48: {  	_ =	shalt  }
0x49: {  	_ =	shalt  }
0x4a: {  	_ =	shalt  }
0x4b: {  	_ =	shalt  }
0x4c: {  	_ =	shalt  }
0x4d: {  	_ =	shalt  }
0x4e: {  	_ =	shalt  }
0x4f: {  	_ =	shalt  }
0x50: {  	_ =	shalt  }
0x51: {  	_ =	shalt  }
0x52: {  	_ =	shalt  }
0x53: {  	_ =	shalt  }
0x54: {  	_ =	shalt  }
0x55: {  	_ =	shalt  }
0x56: {  	_ =	shalt  }
0x57: {  	_ =	shalt  }
0x58: {  	_ =	shalt  }
0x59: {  	_ =	shalt  }
0x5a: {  	_ =	shalt  }
0x5b: {  	_ =	shalt  }
0x5c: {  	_ =	shalt  }
0x5d: {  	_ =	shalt  }
0x5e: {  	_ =	shalt  }
0x5f: {  	_ =	shalt  }
0x60: {  	_ =	shalt  }
0x61: {  	_ =	shalt  }
0x62: {  	_ =	shalt  }
0x63: {  	_ =	shalt  }
0x64: {  	_ =	shalt  }
0x65: {  	_ =	shalt  }
0x66: {  	_ =	shalt  }
0x67: {  	_ =	shalt  }
0x68: {  	_ =	shalt  }
0x69: {  	_ =	shalt  }
0x6a: {  	_ =	shalt  }
0x6b: {  	_ =	shalt  }
0x6c: {  	_ =	shalt  }
0x6d: {  	_ =	shalt  }
0x6e: {  	_ =	shalt  }
0x6f: {  	_ =	shalt  }
0x70: {  	_ =	shalt  }
0x71: {  	_ =	shalt  }
0x72: {  	_ =	shalt  }
0x73: {  	_ =	shalt  }
0x74: {  	_ =	shalt  }
0x75: {  	_ =	shalt  }
0x76: {  	_ =	shalt  }
0x77: {  	_ =	shalt  }
0x78: {  	_ =	shalt  }
0x79: {  	_ =	shalt  }
0x7a: {  	_ =	shalt  }
0x7b: {  	_ =	shalt  }
0x7c: {  	_ =	shalt  }
0x7d: {  	_ =	shalt  }
0x7e: {  	_ =	shalt  }
0x7f: {  	_ =	shalt  }
0x80: {  	_ =	shalt  }
0x81: {  	_ =	shalt  }
0x82: {  	_ =	shalt  }
0x83: {  	_ =	shalt  }
0x84: {  	_ =	shalt  }
0x85: {  	_ =	shalt  }
0x86: {  	_ =	shalt  }
0x87: {  	_ =	shalt  }
.Lfunc_end0:
.L_simem_size_0:
called_computation.3_lowered:
.L_overlay_start_0:
0x88: {  	s2 =	sld [smem:$0x3FD9]  }
0x89: {  	s3 =	sld [smem:$0x3FFE];
	_ =	sdelay $0x1  }
0x8a: {  	s1 =	srdreg.scid  }
0x8b: {  	s0 =	sand.u32 $0x1, s1  }
0x8c: {  	s17 =	sshll.u32 s0, $0xA;
	s2 =	sadd.s32 s3, s2  }
0x8d: {  	s2 =	sadd.s32 s2, s17  }
0x8e: {  	[smem:$0x3FB9] =	sst s2  }
0x8f: {  	_ = 	snop  }
0x90: {  	s2 =	sld [smem:$0x3FD0];
	(tm) =	ssettm $0x1  }
0x91: {  	s18 =	sld [smem:$0x3FFB];
	_ =	sdelay $0x3  }
0x92: {  	_ =	strace s18  }
0x93: {  	s3 =	sld [smem:$0x3FFC];
	_ =	sdelay $0x3  }
0x94: {  	_ =	strace s3  }
0x95: {  	s3 =	sld [smem:$0x3FFD];
	_ =	sdelay $0x3  }
0x96: {  	_ =	strace s3  }
0x97: {  	_ =	strace $0x8FFFFFFF  }
0x98: {  	s19 =	sld [smem:$0x3FDB];
	_ =	sdelay $0x1  }
0x99: {  	s4 =	simm.s32 $_scs_section_size  }
0x9a: {  	s5 =	simm.s32 $_size__tile_overlayer_lowered;
	s6 =	simm.s32 $_tile_overlayer_lowered  }
0x9b: {  	s22 =	simm.s32 $0x1BFF;
	s21 =	sshll.u32 s6, $0x1;
	s3 =	sadd.s32 s4, s19  }
0x9c: {  	s7 =	simm.s32 $0x0;
	s20 =	sshll.u32 s5, $0x1;
	s5 =	sadd.s32 s21, s3  }
0x9d: {  	[timem:s7], [sflag:s22] =	dma.local [hbm:s5], s20  }
0x9e: {  	_ =	swait.ge [sflag:s22], s20  }
0x9f: {  	s4 =	ssub.s32 $0x0, s20;
	[sflag:s22] =	ssyncset.done $0x0  }
0xa0: {  	[sflag:s22] =	ssyncadd.s32 s4;
	_ =	sdelay $0x1  }
0xa1: {  	s23 =	simm.s32 $0x1B8B  }
0xa2: {  	_ =	swait.ge [sflag:s23], $0x1  }
0xa3: {  	[sflag:s23] =	ssyncset.done $0x0  }
0xa4: {  	s25 =	simm.s32 $0x1B8E;
	s24 =	sld [smem:$0x3FFE];
	[sflag:s23] =	ssyncadd.s32 $0xFFFFFFFF  }
0xa5: {  	s26 =	simm.s32 $execute0_lowered;
	[smem:$0x3FD2] =	sst s25  }
0xa6: {  	s5 =	sshll.u32 s26, $0x1;
	_ =	strace $0x8000004F;
	[dreg:$0x1] =	wrdreg $0xFFFFFFFF  }
0xa7: {  	s28 =	simm.s32 $_size_execute0_lowered;
	s3 =	sadd.s32 s3, s5;
	[dreg:$0x0] =	wrdreg $0x0  }
0xa8: {  	s5 =	sshll.u32 s28, $0x1;
	[dreg:$0x2] =	wrdreg s3  }
0xa9: {  	[dreg:$0x3] =	wrdreg s5  }
0xaa: {  	[dreg:$0x4] =	wrdreg $0xC0  }
0xab: {  	_ =	task [dreg:s7], $0x5FFFF  }
0xac: {  	[dreg:$0x1] =	wrdreg $0xFFFFFFFF  }
0xad: {  	[dreg:$0x0] =	wrdreg $0x60  }
0xae: {  	[dreg:$0x2] =	wrdreg s24  }
0xaf: {  	[dreg:$0x3] =	wrdreg s2  }
0xb0: {  	[dreg:$0x4] =	wrdreg $0xBD000  }
0xb1: {  	[dreg:$0x5] =	wrdreg $0x9  }
0xb2: {  	_ =	task.clear_ibuf [dreg:s7], $0x6FFFF;
	_ =	strace $0x9000004F  }
0xb3: {  	s29 =	simm.s32 $0x9;
	_ =	strace $0x80000051  }
0xb4: {  	_ =	swait.ge [sflag:s29], $0x1  }
0xb5: {  	[sflag:s29] =	ssyncadd.s32 $0xFFFFFFFF  }
0xb6: {  	_ =	strace $0x90000051  }
0xb7: {  	_ =	sfence  }
0xb8: {  	s30 =	sld [smem:$0x0];
	_ =	sdelay $0x2  }
0xb9: {  	s31 =	sshll.u32 s1, $0xD;
	s1 =	sshrl.u32 s1, $0x2  }
0xba: {  	s3 =	sand.u32 $0x4000, s31;
	s1 =	sadd.s32 s1, s30  }
0xbb: {  	s0 =	sor.u32 s3, s0;
	s1 =	sshll.u32 s1, $0x11  }
0xbc: {  	s0 =	sor.u32 s1, s0  }
0xbd: {  	s0 =	sadd.s32 $0x8F2B, s0  }
0xbe: {  	[sflag:s0] =	ssyncadd.remote.s32 $0x1  }
0xbf: {  	_ =	sfence.sel $0xFFFF  }
0xc0: {  	[dreg:$0x0] =	wrdreg $0xFFFFFFFF;
	(pc) =	sbr.abs _section_cstart, $3  }
0xc1: {  	[dreg:$0x1] =	wrdreg $0xFFFFFFFF  }
0xc2: {  	_ =	task.clear_ibuf [dreg:s7], $0x2FFFF;
	_ =	strace $0x9FFFFFFF  }
0xc3: {  	(tm) =	ssettm $0x7FFFFFFF  }
tec
execute0_lowered:
.L_overlay_start_1:
0x0: {  	(tag) =	ssettag $0x1  }
0x1: {  	s5 =	rddreg [dreg:$0x0]  }
0x2: {  	s6 =	rddreg [dreg:$0x1]  }
0x3: {  	s0 =	srdreg.scid;
	s2 =	rddreg [dreg:$0x2]  }
0x4: {  	s1 =	rddreg [dreg:$0x3];
	s3 =	simm.s32 $0x0;
	s7 =	sand.u32 $0x1, s0  }
0x5: {  	s13 =	simm.s32 $0x4E80;
	s0 =	stileid.u32;
	s8 =	smul.u32 $0x4E800, s7  }
0x6: {  	s14 =	simm.s32 $0x80;
	s15 =	simm.s32 $0x9D00;
	s9 =	smul.u32 $0x4E80, s0  }
0x7: {  	s16 =	simm.s32 $0x1;
	s17 =	simm.s32 $0x0;
	s10 =	smul.u32 $0x9E00, s0  }
0x8: {  	[smem:$0x7FF] =	sst s3;
	s4 =	sadd.s32 $0x2C200, s5;
	s11 =	smul.u32 $0x9E000, s7  }
0x9: {  	_ =	strace $0x80000050;
	s7 =	ssub.s32 $0x2, s7;
	s31 =	sshll.u32 s0, $0x6  }
0xa: {  	s29 =	sshrl.u32 s7, $0x1;
	s8 =	sadd.s32 s9, s8;
	s28 =	sadd.s32 s10, s11  }
0xb: {  	s11 =	ssub.s32 s7, s29;
	s30 =	sshrl.u32 s10, $0x3;
	s12 =	sadd.s32 s10, s2  }
0xc: {  	s8 =	sshrl.u32 s8, $0x3;
	s9 =	sshrl.u32 s28, $0x3;
	s10 =	smax.u32 s11, $0x1  }
0xd: {  	s11 =	sshrl.u32 s12, $0x3;
	s12 =	simm.s32 $0x2;
	s8 =	sadd.s32 s8, s5  }
0xe: {  	s9 =	sadd.s32 s9, s5;
	s5 =	sadd.s32 s6, s30;
	s6 =	sor.u32 $0x1C02, s31  }
0xf: {  	s7 =	sadd.s32 $0x18800, s8;
	s8 =	sadd.s32 $0x4E00, s8;
	s9 =	sadd.s32 $0xA2E00, s9  }
.LBB2_1:
0x10: {  	[spmem:s11], [sflag:s6] =	dma.local [hbm:s5], $0x13C0  }
0x11: {  	_ =	swait.ge [sflag:s12], $0x13C0  }
0x12: {  	[sflag:s12] =	ssyncset.done $0x0  }
0x13: {  	[sflag:s12] =	ssyncadd.s32 $0xFFFFEC40  }
0x14: {  	[tilespmem:s3], [sflag:$0x2] =	stream.linear.gather [hbm4b:s7+s3], $0x4E80, $0x38;
	[tilespmem:$0x15B00] =	vst v63  }
0x15: {  	_ =	swait.ge [sflag:s12], $0x4E80  }
0x16: {  	[sflag:s12] =	ssyncset.done $0x0  }
0x17: {  	[sflag:s12] =	ssyncadd.s32 $0xFFFFB180  }
0x18: {  	[tilespmem:s13], [sflag:$0x2] =	stream.linear.gather [hbm4b:s8+s3], $0x4E80, $0x38;
	[tilespmem:$0x15B00] =	vst v63  }
0x19: {  	_ =	swait.ge [sflag:s12], $0x4E80  }
0x1a: {  	[sflag:s12] =	ssyncset.done $0x0  }
0x1b: {  	[sflag:s12] =	ssyncadd.s32 $0xFFFFB180  }
0x1c: {  	s18 =	simm.s32 $0x0;
	[bflag:$0x0] =	sbarrier.arrive $0xFFFF  }
0x1d: {  	[tilespmem:s15], [sflag:$0x1] =	stream.indirect.gather [hbm4b:s4+s14], $0x40, s18, s14, $0xb8;
	[tilespmem:$0x15B00] =	vst v63  }
0x1e: {  	_ =	swait.ge [sflag:s16], $0x2000  }
0x1f: {  	[sflag:s16] =	ssyncset.done $0x0  }
0x20: {  	s31 =	simm.s32 $0x4E80;
	[sflag:s16] =	ssyncadd.s32 $0xFFFFE000  }
0x21: {  	[spmem:s2] =	stream.indirect.scatter.add.f32 [tilespmem:s15], [sflag:$0x2], $0x40, s31, s14, $0xb8;
	[tilespmem:$0x15B00] =	vst v63  }
0x22: {  	_ =	swait.ge [sflag:s12], $0x2000  }
0x23: {  	s19 =	simm.s32 $0x400;
	s18 =	simm.s32 $0x200;
	[sflag:s12] =	ssyncset.done $0x0  }
.LBB2_2:
0x24: {  	s20 =	sshra.s32 s18, $0x2  }
0x25: {  	[sflag:s12] =	ssyncadd.s32 $0xFFFFE000;
	s18 =	smov.u32 s19;
	s21 =	sadd.s32 $0x200, s19  }
0x26: {  	[tilespmem:s15], [sflag:$0x1] =	stream.indirect.gather [hbm4b:s4+s14], $0x40, s20, s14, $0xb8;
	[tilespmem:$0x15B00] =	vst v63  }
0x27: {  	p0 =	sne.s32 s19, $0x13800;
	_ =	swait.ge [sflag:s16], $0x2000  }
.Ltmp0:
0x28: {  	[sflag:s16] =	ssyncset.done $0x0;
	(pc) =	sbr.rel @p0 .LBB2_2-.Ltmp0, $4  }
0x29: {  	s19 =	sadd.s32 $0x4E80, s20;
	[sflag:s16] =	ssyncadd.s32 $0xFFFFE000  }
0x2a: {  	[spmem:s2] =	stream.indirect.scatter.add.f32 [tilespmem:s15], [sflag:$0x2], $0x40, s19, s14, $0xb8;
	[tilespmem:$0x15B00] =	vst v63  }
0x2b: {  	_ =	swait.ge [sflag:s12], $0x2000  }
0x2c: {  	s19 =	smov.u32 s21;
	[sflag:s12] =	ssyncset.done $0x0  }
0x2d: {  	s18 =	sshra.s32 s18, $0x2;
	[sflag:s12] =	ssyncadd.s32 $0xFFFFE000  }
0x2e: {  	[tilespmem:s15], [sflag:$0x1] =	stream.indirect.gather [hbm4b:s4+s14], $0x40, s18, s14, $0xb8;
	[tilespmem:$0x15B00] =	vst v63  }
0x2f: {  	_ =	swait.ge [sflag:s16], $0x2000  }
0x30: {  	[sflag:s16] =	ssyncset.done $0x0  }
0x31: {  	s18 =	sadd.s32 $0x4E80, s18;
	[sflag:s16] =	ssyncadd.s32 $0xFFFFE000  }
0x32: {  	[spmem:s2] =	stream.indirect.scatter.add.f32 [tilespmem:s15], [sflag:$0x2], $0x40, s18, s14, $0xb8;
	[tilespmem:$0x15B00] =	vst v63  }
0x33: {  	_ =	swait.ge [sflag:s12], $0x2000  }
0x34: {  	s17 =	sadd.s32 $0x1, s17;
	[sflag:s12] =	ssyncset.done $0x0  }
0x35: {  	p0 =	sne.s32 s17, s10;
	[sflag:s12] =	ssyncadd.s32 $0xFFFFE000  }
.Ltmp1:
0x36: {  	[bflag:$0x0] =	sbarrier.arrive $0xFFFF;
	(pc) =	sbr.rel @p0 .LBB2_1-.Ltmp1, $4  }
0x37: {  	[hbm:s9], [sflag:s6] =	dma.local [spmem:s11], $0x13C0  }
0x38: {  	_ =	swait.ge [sflag:s12], $0x13C0  }
0x39: {  	[sflag:s12] =	ssyncset.done $0x0  }
0x3a: {  	[sflag:s12] =	ssyncadd.s32 $0xFFFFEC40  }
0x3b: {  	_ =	sfence.sel $0x180000  }
0x3c: {  	[bflag:$0x0] =	sbarrier.arrive $0xFFFF  }
0x3d: {  	p0 =	sne.s32 s0, $0x0;
	_ =	strace $0x90000050  }
0x3e: {  	s0 =	sadd.s32 @!p0 $0x100000, s1;
	[bflag:$0x2] =	sbarrier.arrive $0xFFFF  }
0x3f: {  	[sflag:s0] =	ssyncadd.tile.s32 @!p0 $0x1;
	_ =	shalt  }
.Lfunc_end2:
_tile_overlayer_lowered:
.L_overlay_start_2:
0x40: {  	(tag) =	ssettag $0x2  }
0x41: {  	s0 =	rddreg [dreg:$0x0];
	s2 =	stileid.u32  }
0x42: {  	s1 =	rddreg [dreg:$0x1];
	p0 =	sne.s32 s2, $0x0  }
0x43: {  	s3 =	rddreg [dreg:$0x2];
	[bflag:$0x3] =	sbarrier.arrive $0xFFFF;
	s2 =	simm.s32 @!p0 $0x1C02  }
0x44: {  	[timem:s3], [sflag:s2] =	dma.local @!p0 [hbm:s0], s1  }
0x45: {  	s0 =	simm.s32 @!p0 $0x2  }
0x46: {  	_ =	swait.ge @!p0 [sflag:s0], s1  }
0x47: {  	s1 =	ssub.s32 @!p0 $0x0, s1;
	[sflag:s0] =	ssyncset.done @!p0 $0x0  }
0x48: {  	[sflag:s0] =	ssyncadd.s32 @!p0 s1  }
0x49: {  	[bflag:$0x3] =	sbarrier.arrive $0xFFFF  }
0x4a: {  	_ =	shalt  }

// kernel: kernel.28.cloned.1.call-start
scs
__scs_entry_jumppad:
0x0: {  	(pc) =	sbr.rel $0x88, $3  }
0x1: {  	(tag) =	ssettag $0x0;
	lr =	simm.s32 $0x1  }
0x2: {  	[smem:$0x3F92] =	sst lr;
	_ =	strace $0xD0000000  }
0x3: {  	_ = 	snop  }
0x4: {  	_ = 	snop  }
0x5: {  	_ = 	snop  }
0x6: {  	_ = 	snop  }
0x7: {  	_ = 	snop  }
__scs_overlays_trampoline_lowered:
0x8: {  	[smem:$0x3FA1] =	sst s0  }
0x9: {  	[smem:$0x3FA2] =	sst s1  }
0xa: {  	[smem:$0x3FA3] =	sst s2  }
0xb: {  	[smem:$0x3FA4] =	sst s3  }
0xc: {  	[smem:$0x3FA5] =	sst s4  }
0xd: {  	[smem:$0x3FA6] =	sst s5  }
0xe: {  	[smem:$0x3FA7] =	sst s6  }
0xf: {  	[smem:$0x3FA8] =	sst s7  }
0x10: {  	[smem:$0x3FA9] =	sst s8  }
0x11: {  	[smem:$0x3FAA] =	sst s9;
	s0 =	simm.s32 @!p0 $0x0  }
0x12: {  	s1 =	sld [smem:$0x3F90];
	s0 =	simm.s32 @p0 $0x1  }
0x13: {  	[smem:$0x3FAB] =	sst s0;
	s0 =	simm.s32 @!p1 $0x0  }
0x14: {  	s2 =	sld [smem:$0x3F8F];
	s0 =	simm.s32 @p1 $0x1  }
0x15: {  	[smem:$0x3FAC] =	sst s0;
	s0 =	simm.s32 @!p2 $0x0  }
0x16: {  	s3 =	sld [smem:$0x3FDB];
	s0 =	simm.s32 @p2 $0x1  }
0x17: {  	s4 =	simm.s32 $0x1BF5;
	[smem:$0x3FAE] =	sst s0  }
0x18: {  	s0 =	sld [smem:$0x3F91];
	_ =	swait.ge [sflag:s4], $0x0  }
0x19: {  	s7 =	sld [smem:$0x3F92]  }
0x1a: {  	s8 =	sadd.s32 $0xFFFFE003, lr  }
0x1b: {  	s9 =	sadd.s32 $0xFFFFFEF7, lr;
	s5 =	simm.s32 $0xFFFFFFFF;
	p2 =	slt.u32 s8, $0xFFFFF086  }
0x1c: {  	p1 =	slt.u32 s9, $0xF7A;
	s5 =	simm.s32 @!p2 $0x0  }
0x1d: {  	s5 =	simm.s32 @p1 $0x1;
	p0 =	seq.s32 s7, s2  }
0x1e: {  	s7 =	smul.u32 @!p0 $0xF7A, s2;
	p2 =	seq.s32 @!p0 s5, $0x0  }
0x1f: {  	s9 =	smul.u32 $0xF7A, s1;
	s8 =	simm.s32 @!p0 $0x1BF5;
	p2 =	por !p2, p0  }
0x20: {  	[sflag:s8] =	ssyncset.s32 @!p0 $0xFFFFF086;
	s6 =	sadd.s32 @!p0 s3, s7;
	s7 =	simm.s32 @!p0 $0x108  }
0x21: {  	s3 =	sadd.s32 s3, s9;
	s6 =	sadd.s32 @!p0 $0x88, s6;
	s7 =	simm.s32 @p2 $0x1082  }
0x22: {  	[simem:s7], [sflag:s8] =	dma.local @!p0 [hbm:s6], $0xF7A  }
0x23: {  	s9 =	sor.u32 $0xD0000000, s2;
	s6 =	simm.s32 $0x108;
	_ =	swait.ge @!p0 [sflag:s8], $0x0  }
0x24: {  	s3 =	sadd.s32 $0x88, s3;
	s6 =	simm.s32 @!p1 $0x1082;
	[sflag:s4] =	ssyncset.s32 $0xFFFFF086  }
0x25: {  	[simem:s6], [sflag:s4] =	dma.local [hbm:s3], $0xF7A  }
0x26: {  	[smem:$0x3F92] =	sst s1;
	(tag) =	ssettag s2;
	_ =	strace s9  }
0x27: {  	s1 =	sld [smem:$0x3FA2]  }
0x28: {  	s2 =	sld [smem:$0x3FA3]  }
0x29: {  	s4 =	sld [smem:$0x3FA5]  }
0x2a: {  	p0 =	seq.s32 s5, $0x0;
	s5 =	sld [smem:$0x3FA6]  }
0x2b: {  	s6 =	sld [smem:$0x3FA7]  }
0x2c: {  	s7 =	sld [smem:$0x3FA8]  }
0x2d: {  	s3 =	simm.s32 $0x108;
	s8 =	sld [smem:$0x3FA9]  }
0x2e: {  	s3 =	simm.s32 @!p0 $0x1082;
	s9 =	sld [smem:$0x3FAA]  }
0x2f: {  	lr =	sadd.s32 s0, s3;
	s0 =	sld [smem:$0x3FA1]  }
0x30: {  	s3 =	sld [smem:$0x3FA4]  }
0x31: {  	[smem:$0x3FAD] =	sst s10  }
0x32: {  	s10 =	sld [smem:$0x3FAB];
	_ =	sdelay $0x3  }
0x33: {  	p0 =	seq.s32 s10, $0x1;
	s10 =	sld [smem:$0x3FAD];
	_ =	sdelay $0x3  }
0x34: {  	[smem:$0x3FAD] =	sst s10  }
0x35: {  	s10 =	sld [smem:$0x3FAC];
	_ =	sdelay $0x3  }
0x36: {  	p1 =	seq.s32 s10, $0x1;
	s10 =	sld [smem:$0x3FAD];
	_ =	sdelay $0x3  }
0x37: {  	[smem:$0x3FAD] =	sst s10  }
0x38: {  	s10 =	sld [smem:$0x3FAE]  }
0x39: {  	_ = 	snop;
	(pc) =	sbr.ind lr, $3  }
0x3a: {  	_ = 	snop  }
0x3b: {  	_ = 	snop  }
0x3c: {  	p2 =	seq.s32 s10, $0x1;
	s10 =	sld [smem:$0x3FAD]  }
0x3d: {  	_ =	shalt  }
0x3e: {  	_ =	shalt  }
0x3f: {  	_ =	shalt  }
0x40: {  	_ =	shalt  }
0x41: {  	_ =	shalt  }
0x42: {  	_ =	shalt  }
0x43: {  	_ =	shalt  }
0x44: {  	_ =	shalt  }
0x45: {  	_ =	shalt  }
0x46: {  	_ =	shalt  }
0x47: {  	_ =	shalt  }
0x48: {  	_ =	shalt  }
0x49: {  	_ =	shalt  }
0x4a: {  	_ =	shalt  }
0x4b: {  	_ =	shalt  }
0x4c: {  	_ =	shalt  }
0x4d: {  	_ =	shalt  }
0x4e: {  	_ =	shalt  }
0x4f: {  	_ =	shalt  }
0x50: {  	_ =	shalt  }
0x51: {  	_ =	shalt  }
0x52: {  	_ =	shalt  }
0x53: {  	_ =	shalt  }
0x54: {  	_ =	shalt  }
0x55: {  	_ =	shalt  }
0x56: {  	_ =	shalt  }
0x57: {  	_ =	shalt  }
0x58: {  	_ =	shalt  }
0x59: {  	_ =	shalt  }
0x5a: {  	_ =	shalt  }
0x5b: {  	_ =	shalt  }
0x5c: {  	_ =	shalt  }
0x5d: {  	_ =	shalt  }
0x5e: {  	_ =	shalt  }
0x5f: {  	_ =	shalt  }
0x60: {  	_ =	shalt  }
0x61: {  	_ =	shalt  }
0x62: {  	_ =	shalt  }
0x63: {  	_ =	shalt  }
0x64: {  	_ =	shalt  }
0x65: {  	_ =	shalt  }
0x66: {  	_ =	shalt  }
0x67: {  	_ =	shalt  }
0x68: {  	_ =	shalt  }
0x69: {  	_ =	shalt  }
0x6a: {  	_ =	shalt  }
0x6b: {  	_ =	shalt  }
0x6c: {  	_ =	shalt  }
0x6d: {  	_ =	shalt  }
0x6e: {  	_ =	shalt  }
0x6f: {  	_ =	shalt  }
0x70: {  	_ =	shalt  }
0x71: {  	_ =	shalt  }
0x72: {  	_ =	shalt  }
0x73: {  	_ =	shalt  }
0x74: {  	_ =	shalt  }
0x75: {  	_ =	shalt  }
0x76: {  	_ =	shalt  }
0x77: {  	_ =	shalt  }
0x78: {  	_ =	shalt  }
0x79: {  	_ =	shalt  }
0x7a: {  	_ =	shalt  }
0x7b: {  	_ =	shalt  }
0x7c: {  	_ =	shalt  }
0x7d: {  	_ =	shalt  }
0x7e: {  	_ =	shalt  }
0x7f: {  	_ =	shalt  }
0x80: {  	_ =	shalt  }
0x81: {  	_ =	shalt  }
0x82: {  	_ =	shalt  }
0x83: {  	_ =	shalt  }
0x84: {  	_ =	shalt  }
0x85: {  	_ =	shalt  }
0x86: {  	_ =	shalt  }
0x87: {  	_ =	shalt  }
.Lfunc_end0:
.L_simem_size_0:
called_computation.4_lowered:
.L_overlay_start_0:
0x88: {  	s2 =	sld [smem:$0x3FD9]  }
0x89: {  	s3 =	sld [smem:$0x3FFE];
	_ =	sdelay $0x1  }
0x8a: {  	s1 =	srdreg.scid  }
0x8b: {  	s0 =	sand.u32 $0x1, s1  }
0x8c: {  	s17 =	sshll.u32 s0, $0xA;
	s2 =	sadd.s32 s3, s2  }
0x8d: {  	s2 =	sadd.s32 s2, s17  }
0x8e: {  	[smem:$0x3FB9] =	sst s2  }
0x8f: {  	_ = 	snop  }
0x90: {  	s18 =	sld [smem:$0x3FD0];
	(tm) =	ssettm $0x1  }
0x91: {  	s19 =	sld [smem:$0x3FFB];
	_ =	sdelay $0x3  }
0x92: {  	_ =	strace s19  }
0x93: {  	s2 =	sld [smem:$0x3FFC];
	_ =	sdelay $0x3  }
0x94: {  	_ =	strace s2  }
0x95: {  	s2 =	sld [smem:$0x3FFD];
	_ =	sdelay $0x3  }
0x96: {  	_ =	strace s2  }
0x97: {  	_ =	strace $0x8FFFFFFF  }
0x98: {  	s20 =	sld [smem:$0x3FDB];
	_ =	sdelay $0x1  }
0x99: {  	s4 =	simm.s32 $_scs_section_size  }
0x9a: {  	s5 =	simm.s32 $_size__tile_overlayer_lowered;
	s6 =	simm.s32 $_tile_overlayer_lowered  }
0x9b: {  	s7 =	simm.s32 $0x1BFF;
	s21 =	sshll.u32 s6, $0x1;
	s4 =	sadd.s32 s4, s20  }
0x9c: {  	s22 =	simm.s32 $0x0;
	s5 =	sshll.u32 s5, $0x1;
	s6 =	sadd.s32 s21, s4  }
0x9d: {  	[timem:s22], [sflag:s7] =	dma.local [hbm:s6], s5  }
0x9e: {  	_ =	swait.ge [sflag:s7], s5  }
0x9f: {  	s5 =	ssub.s32 $0x0, s5;
	[sflag:s7] =	ssyncset.done $0x0  }
0xa0: {  	[sflag:s7] =	ssyncadd.s32 s5;
	_ =	sdelay $0x1  }
0xa1: {  	s23 =	simm.s32 $0x1B8B  }
0xa2: {  	_ =	swait.ge [sflag:s23], $0x1  }
0xa3: {  	[sflag:s23] =	ssyncset.done $0x0  }
0xa4: {  	[sflag:s23] =	ssyncadd.s32 $0xFFFFFFFF  }
0xa5: {  	s5 =	sld [smem:$0x0]  }
0xa6: {  	s6 =	sand.u32 $0xFFFFFFFE, s1  }
0xa7: {  	p0 =	sne.s32 s1, s6  }
0xa8: {  	s6 =	sshll.u32 @p0 s6, $0xE  }
0xa9: {  	s6 =	sadd.s32 @p0 $0x11B8D, s6;
	s7 =	sshll.u32 @p0 s5, $0x11  }
0xaa: {  	s6 =	sor.u32 @p0 s7, s6  }
0xab: {  	[sflag:s6] =	ssyncadd.remote.s32 @p0 $0x1;
	_ =	sdelay $0x1  }
0xac: {  	s6 =	simm.s32 @p0 $0x1B8D  }
0xad: {  	_ =	swait.eq @p0 [sflag:s6], $0x1  }
0xae: {  	[sflag:s6] =	ssyncadd.s32 @p0 $0xFFFFFFFF  }
0xaf: {  	s7 =	sshll.u32 @!p0 s1, $0xE  }
0xb0: {  	s7 =	sor.u32 @!p0 $0x4000, s7;
	s6 =	simm.s32 @!p0 $0x1B8D  }
0xb1: {  	s5 =	sshll.u32 @!p0 s5, $0x11;
	s7 =	sadd.s32 @!p0 $0x11B8D, s7;
	_ =	swait.eq @!p0 [sflag:s6], $0x1  }
0xb2: {  	s5 =	sor.u32 @!p0 s5, s7;
	[sflag:s6] =	ssyncadd.s32 @!p0 $0xFFFFFFFF  }
0xb3: {  	s25 =	simm.s32 $0x1B8E;
	s24 =	sld [smem:$0x3FFE];
	[sflag:s5] =	ssyncadd.remote.s32 @!p0 $0x1  }
0xb4: {  	s26 =	simm.s32 $execute0_lowered;
	[smem:$0x3FD2] =	sst s25  }
0xb5: {  	s6 =	sshll.u32 s26, $0x1;
	_ =	strace $0x80000052;
	[dreg:$0x1] =	wrdreg $0xFFFFFFFF  }
0xb6: {  	s28 =	simm.s32 $_size_execute0_lowered;
	s4 =	sadd.s32 s4, s6;
	[dreg:$0x0] =	wrdreg $0x0  }
0xb7: {  	s6 =	sshll.u32 s28, $0x1;
	[dreg:$0x2] =	wrdreg s4  }
0xb8: {  	[dreg:$0x3] =	wrdreg s6  }
0xb9: {  	[dreg:$0x4] =	wrdreg $0xC0  }
0xba: {  	_ =	task [dreg:s22], $0x5FFFF  }
0xbb: {  	[dreg:$0x1] =	wrdreg $0xFFFFFFFF  }
0xbc: {  	[dreg:$0x0] =	wrdreg $0x60  }
0xbd: {  	[dreg:$0x2] =	wrdreg s24  }
0xbe: {  	[dreg:$0x3] =	wrdreg s18  }
0xbf: {  	[dreg:$0x4] =	wrdreg $0xBD000  }
0xc0: {  	[dreg:$0x5] =	wrdreg $0xA  }
0xc1: {  	_ =	task.clear_ibuf [dreg:s22], $0x6FFFF;
	_ =	strace $0x90000052  }
0xc2: {  	s29 =	simm.s32 $0xA;
	_ =	strace $0x80000054  }
0xc3: {  	_ =	swait.ge [sflag:s29], $0x1  }
0xc4: {  	[sflag:s29] =	ssyncadd.s32 $0xFFFFFFFF  }
0xc5: {  	_ =	strace $0x90000054  }
0xc6: {  	_ =	sfence  }
0xc7: {  	s30 =	sld [smem:$0x0];
	_ =	sdelay $0x2  }
0xc8: {  	s31 =	sshll.u32 s1, $0xD;
	s1 =	sshrl.u32 s1, $0x2  }
0xc9: {  	s4 =	sand.u32 $0x4000, s31;
	s1 =	sadd.s32 s1, s30  }
0xca: {  	s0 =	sor.u32 s4, s0;
	s1 =	sshll.u32 s1, $0x11  }
0xcb: {  	s0 =	sor.u32 s1, s0  }
0xcc: {  	s0 =	sadd.s32 $0x8F2B, s0  }
0xcd: {  	[sflag:s0] =	ssyncadd.remote.s32 $0x1  }
0xce: {  	_ =	sfence.sel $0xFFFF  }
0xcf: {  	[dreg:$0x0] =	wrdreg $0xFFFFFFFF;
	(pc) =	sbr.abs _section_cstart, $3  }
0xd0: {  	[dreg:$0x1] =	wrdreg $0xFFFFFFFF  }
0xd1: {  	_ =	task.clear_ibuf [dreg:s22], $0x2FFFF;
	_ =	strace $0x9FFFFFFF  }
0xd2: {  	(tm) =	ssettm $0x7FFFFFFF  }
0xd3: {  	_ =	shalt  }
tec
execute0_lowered:
.L_overlay_start_1:
0x0: {  	(tag) =	ssettag $0x1  }
0x1: {  	s5 =	rddreg [dreg:$0x0]  }
0x2: {  	s6 =	rddreg [dreg:$0x1]  }
0x3: {  	s0 =	srdreg.scid;
	s2 =	rddreg [dreg:$0x2]  }
0x4: {  	s1 =	rddreg [dreg:$0x3];
	s3 =	simm.s32 $0x0;
	s7 =	sand.u32 $0x1, s0  }
0x5: {  	s13 =	simm.s32 $0x4E80;
	s0 =	stileid.u32;
	s8 =	smul.u32 $0x4E800, s7  }
0x6: {  	s14 =	simm.s32 $0x80;
	s15 =	simm.s32 $0x9D00;
	s9 =	smul.u32 $0x4E80, s0  }
0x7: {  	s16 =	simm.s32 $0x1;
	s17 =	simm.s32 $0x0;
	s10 =	smul.u32 $0x9E00, s0  }
0x8: {  	[smem:$0x7FF] =	sst s3;
	s4 =	sadd.s32 $0xDB200, s5;
	s11 =	smul.u32 $0x9E000, s7  }
0x9: {  	_ =	strace $0x80000053;
	s7 =	ssub.s32 $0x2, s7;
	s31 =	sshll.u32 s0, $0x6  }
0xa: {  	s29 =	sshrl.u32 s7, $0x1;
	s8 =	sadd.s32 s9, s8;
	s28 =	sadd.s32 s10, s11  }
0xb: {  	s11 =	ssub.s32 s7, s29;
	s30 =	sshrl.u32 s10, $0x3;
	s12 =	sadd.s32 s10, s2  }
0xc: {  	s8 =	sshrl.u32 s8, $0x3;
	s9 =	sshrl.u32 s28, $0x3;
	s10 =	smax.u32 s11, $0x1  }
0xd: {  	s11 =	sshrl.u32 s12, $0x3;
	s12 =	simm.s32 $0x2;
	s8 =	sadd.s32 s8, s5  }
0xe: {  	s9 =	sadd.s32 s9, s5;
	s5 =	sadd.s32 s6, s30;
	s6 =	sor.u32 $0x1C02, s31  }
0xf: {  	s7 =	sadd.s32 $0x18800, s8;
	s8 =	sadd.s32 $0x4E00, s8;
	s9 =	sadd.s32 $0x102A00, s9  }
.LBB2_1:
0x10: {  	[spmem:s11], [sflag:s6] =	dma.local [hbm:s5], $0x13C0  }
0x11: {  	_ =	swait.ge [sflag:s12], $0x13C0  }
0x12: {  	[sflag:s12] =	ssyncset.done $0x0  }
0x13: {  	[sflag:s12] =	ssyncadd.s32 $0xFFFFEC40  }
0x14: {  	[tilespmem:s3], [sflag:$0x2] =	stream.linear.gather [hbm4b:s7+s3], $0x4E80, $0x38;
	[tilespmem:$0x15B00] =	vst v63  }
0x15: {  	_ =	swait.ge [sflag:s12], $0x4E80  }
0x16: {  	[sflag:s12] =	ssyncset.done $0x0  }
0x17: {  	[sflag:s12] =	ssyncadd.s32 $0xFFFFB180  }
0x18: {  	[tilespmem:s13], [sflag:$0x2] =	stream.linear.gather [hbm4b:s8+s3], $0x4E80, $0x38;
	[tilespmem:$0x15B00] =	vst v63  }
0x19: {  	_ =	swait.ge [sflag:s12], $0x4E80  }
0x1a: {  	[sflag:s12] =	ssyncset.done $0x0  }
0x1b: {  	[sflag:s12] =	ssyncadd.s32 $0xFFFFB180  }
0x1c: {  	s18 =	simm.s32 $0x0;
	[bflag:$0x0] =	sbarrier.arrive $0xFFFF  }
0x1d: {  	[tilespmem:s15], [sflag:$0x1] =	stream.indirect.gather [hbm4b:s4+s14], $0x40, s18, s14, $0xb8;
	[tilespmem:$0x15B00] =	vst v63  }
0x1e: {  	_ =	swait.ge [sflag:s16], $0x2000  }
0x1f: {  	[sflag:s16] =	ssyncset.done $0x0  }
0x20: {  	s31 =	simm.s32 $0x4E80;
	[sflag:s16] =	ssyncadd.s32 $0xFFFFE000  }
0x21: {  	[spmem:s2] =	stream.indirect.scatter.add.f32 [tilespmem:s15], [sflag:$0x2], $0x40, s31, s14, $0xb8;
	[tilespmem:$0x15B00] =	vst v63  }
0x22: {  	_ =	swait.ge [sflag:s12], $0x2000  }
0x23: {  	s19 =	simm.s32 $0x400;
	s18 =	simm.s32 $0x200;
	[sflag:s12] =	ssyncset.done $0x0  }
.LBB2_2:
0x24: {  	s20 =	sshra.s32 s18, $0x2  }
0x25: {  	[sflag:s12] =	ssyncadd.s32 $0xFFFFE000;
	s18 =	smov.u32 s19;
	s21 =	sadd.s32 $0x200, s19  }
0x26: {  	[tilespmem:s15], [sflag:$0x1] =	stream.indirect.gather [hbm4b:s4+s14], $0x40, s20, s14, $0xb8;
	[tilespmem:$0x15B00] =	vst v63  }
0x27: {  	p0 =	sne.s32 s19, $0x13800;
	_ =	swait.ge [sflag:s16], $0x2000  }
.Ltmp0:
0x28: {  	[sflag:s16] =	ssyncset.done $0x0;
	(pc) =	sbr.rel @p0 .LBB2_2-.Ltmp0, $4  }
0x29: {  	s19 =	sadd.s32 $0x4E80, s20;
	[sflag:s16] =	ssyncadd.s32 $0xFFFFE000  }
0x2a: {  	[spmem:s2] =	stream.indirect.scatter.add.f32 [tilespmem:s15], [sflag:$0x2], $0x40, s19, s14, $0xb8;
	[tilespmem:$0x15B00] =	vst v63  }
0x2b: {  	_ =	swait.ge [sflag:s12], $0x2000  }
0x2c: {  	s19 =	smov.u32 s21;
	[sflag:s12] =	ssyncset.done $0x0  }
0x2d: {  	s18 =	sshra.s32 s18, $0x2;
	[sflag:s12] =	ssyncadd.s32 $0xFFFFE000  }
0x2e: {  	[tilespmem:s15], [sflag:$0x1] =	stream.indirect.gather [hbm4b:s4+s14], $0x40, s18, s14, $0xb8;
	[tilespmem:$0x15B00] =	vst v63  }
0x2f: {  	_ =	swait.ge [sflag:s16], $0x2000  }
0x30: {  	[sflag:s16] =	ssyncset.done $0x0  }
0x31: {  	s18 =	sadd.s32 $0x4E80, s18;
	[sflag:s16] =	ssyncadd.s32 $0xFFFFE000  }
0x32: {  	[spmem:s2] =	stream.indirect.scatter.add.f32 [tilespmem:s15], [sflag:$0x2], $0x40, s18, s14, $0xb8;
	[tilespmem:$0x15B00] =	vst v63  }
0x33: {  	_ =	swait.ge [sflag:s12], $0x2000  }
0x34: {  	s17 =	sadd.s32 $0x1, s17;
	[sflag:s12] =	ssyncset.done $0x0  }
0x35: {  	p0 =	sne.s32 s17, s10;
	[sflag:s12] =	ssyncadd.s32 $0xFFFFE000  }
.Ltmp1:
0x36: {  	[bflag:$0x0] =	sbarrier.arrive $0xFFFF;
	(pc) =	sbr.rel @p0 .LBB2_1-.Ltmp1, $4  }
0x37: {  	[hbm:s9], [sflag:s6] =	dma.local [spmem:s11], $0x13C0  }
0x38: {  	_ =	swait.ge [sflag:s12], $0x13C0  }
0x39: {  	[sflag:s12] =	ssyncset.done $0x0  }
0x3a: {  	[sflag:s12] =	ssyncadd.s32 $0xFFFFEC40  }
0x3b: {  	_ =	sfence.sel $0x180000  }
0x3c: {  	[bflag:$0x0] =	sbarrier.arrive $0xFFFF  }
0x3d: {  	p0 =	sne.s32 s0, $0x0;
	_ =	strace $0x90000053  }
0x3e: {  	s0 =	sadd.s32 @!p0 $0x100000, s1;
	[bflag:$0x2] =	sbarrier.arrive $0xFFFF  }
0x3f: {  	[sflag:s0] =	ssyncadd.tile.s32 @!p0 $0x1;
	_ =	shalt  }
.Lfunc_end2:
_tile_overlayer_lowered:
.L_overlay_start_2:
0x40: {  	(tag) =	ssettag $0x2  }
0x41: {  	s0 =	rddreg [dreg:$0x0];
	s2 =	stileid.u32  }
0x42: {  	s1 =	rddreg [dreg:$0x1];
	p0 =	sne.s32 s2, $0x0  }
0x43: {  	s3 =	rddreg [dreg:$0x2];
	[bflag:$0x3] =	sbarrier.arrive $0xFFFF;
	s2 =	simm.s32 @!p0 $0x1C02  }
0x44: {  	[timem:s3], [sflag:s2] =	dma.local @!p0 [hbm:s0], s1  }
0x45: {  	s0 =	simm.s32 @!p0 $0x2  }
0x46: {  	_ =	swait.ge @!p0 [sflag:s0], s1  }
0x47: {  	s1 =	ssub.s32 @!p0 $0x0, s1;
	[sflag:s0] =	ssyncset.done @!p0 $0x0  }
0x48: {  	[sflag:s0] =	ssyncadd.s32 @!p0 s1  }
0x49: {  	[bflag:$0x3] =	sbarrier.arrive $0xFFFF  }
0x4a: {  	_ =	shalt  }

// kernel: kernel.31.cloned.1.call-start
scs
__scs_entry_jumppad:
0x0: {  	(pc) =	sbr.rel $0x88, $3  }
0x1: {  	(tag) =	ssettag $0x0;
	lr =	simm.s32 $0x1  }
0x2: {  	[smem:$0x3F92] =	sst lr;
	_ =	strace $0xD0000000  }
0x3: {  	_ = 	snop  }
0x4: {  	_ = 	snop  }
0x5: {  	_ = 	snop  }
0x6: {  	_ = 	snop  }
0x7: {  	_ = 	snop  }
__scs_overlays_trampoline_lowered:
0x8: {  	[smem:$0x3FA1] =	sst s0  }
0x9: {  	[smem:$0x3FA2] =	sst s1  }
0xa: {  	[smem:$0x3FA3] =	sst s2  }
0xb: {  	[smem:$0x3FA4] =	sst s3  }
0xc: {  	[smem:$0x3FA5] =	sst s4  }
0xd: {  	[smem:$0x3FA6] =	sst s5  }
0xe: {  	[smem:$0x3FA7] =	sst s6  }
0xf: {  	[smem:$0x3FA8] =	sst s7  }
0x10: {  	[smem:$0x3FA9] =	sst s8  }
0x11: {  	[smem:$0x3FAA] =	sst s9;
	s0 =	simm.s32 @!p0 $0x0  }
0x12: {  	s1 =	sld [smem:$0x3F90];
	s0 =	simm.s32 @p0 $0x1  }
0x13: {  	[smem:$0x3FAB] =	sst s0;
	s0 =	simm.s32 @!p1 $0x0  }
0x14: {  	s2 =	sld [smem:$0x3F8F];
	s0 =	simm.s32 @p1 $0x1  }
0x15: {  	[smem:$0x3FAC] =	sst s0;
	s0 =	simm.s32 @!p2 $0x0  }
0x16: {  	s3 =	sld [smem:$0x3FDB];
	s0 =	simm.s32 @p2 $0x1  }
0x17: {  	s4 =	simm.s32 $0x1BF5;
	[smem:$0x3FAE] =	sst s0  }
0x18: {  	s0 =	sld [smem:$0x3F91];
	_ =	swait.ge [sflag:s4], $0x0  }
0x19: {  	s7 =	sld [smem:$0x3F92]  }
0x1a: {  	s8 =	sadd.s32 $0xFFFFE003, lr  }
0x1b: {  	s9 =	sadd.s32 $0xFFFFFEF7, lr;
	s5 =	simm.s32 $0xFFFFFFFF;
	p2 =	slt.u32 s8, $0xFFFFF086  }
0x1c: {  	p1 =	slt.u32 s9, $0xF7A;
	s5 =	simm.s32 @!p2 $0x0  }
0x1d: {  	s5 =	simm.s32 @p1 $0x1;
	p0 =	seq.s32 s7, s2  }
0x1e: {  	s7 =	smul.u32 @!p0 $0xF7A, s2;
	p2 =	seq.s32 @!p0 s5, $0x0  }
0x1f: {  	s9 =	smul.u32 $0xF7A, s1;
	s8 =	simm.s32 @!p0 $0x1BF5;
	p2 =	por !p2, p0  }
0x20: {  	[sflag:s8] =	ssyncset.s32 @!p0 $0xFFFFF086;
	s6 =	sadd.s32 @!p0 s3, s7;
	s7 =	simm.s32 @!p0 $0x108  }
0x21: {  	s3 =	sadd.s32 s3, s9;
	s6 =	sadd.s32 @!p0 $0x88, s6;
	s7 =	simm.s32 @p2 $0x1082  }
0x22: {  	[simem:s7], [sflag:s8] =	dma.local @!p0 [hbm:s6], $0xF7A  }
0x23: {  	s9 =	sor.u32 $0xD0000000, s2;
	s6 =	simm.s32 $0x108;
	_ =	swait.ge @!p0 [sflag:s8], $0x0  }
0x24: {  	s3 =	sadd.s32 $0x88, s3;
	s6 =	simm.s32 @!p1 $0x1082;
	[sflag:s4] =	ssyncset.s32 $0xFFFFF086  }
0x25: {  	[simem:s6], [sflag:s4] =	dma.local [hbm:s3], $0xF7A  }
0x26: {  	[smem:$0x3F92] =	sst s1;
	(tag) =	ssettag s2;
	_ =	strace s9  }
0x27: {  	s1 =	sld [smem:$0x3FA2]  }
0x28: {  	s2 =	sld [smem:$0x3FA3]  }
0x29: {  	s4 =	sld [smem:$0x3FA5]  }
0x2a: {  	p0 =	seq.s32 s5, $0x0;
	s5 =	sld [smem:$0x3FA6]  }
0x2b: {  	s6 =	sld [smem:$0x3FA7]  }
0x2c: {  	s7 =	sld [smem:$0x3FA8]  }
0x2d: {  	s3 =	simm.s32 $0x108;
	s8 =	sld [smem:$0x3FA9]  }
0x2e: {  	s3 =	simm.s32 @!p0 $0x1082;
	s9 =	sld [smem:$0x3FAA]  }
0x2f: {  	lr =	sadd.s32 s0, s3;
	s0 =	sld [smem:$0x3FA1]  }
0x30: {  	s3 =	sld [smem:$0x3FA4]  }
0x31: {  	[smem:$0x3FAD] =	sst s10  }
0x32: {  	s10 =	sld [smem:$0x3FAB];
	_ =	sdelay $0x3  }
0x33: {  	p0 =	seq.s32 s10, $0x1;
	s10 =	sld [smem:$0x3FAD];
	_ =	sdelay $0x3  }
0x34: {  	[smem:$0x3FAD] =	sst s10  }
0x35: {  	s10 =	sld [smem:$0x3FAC];
	_ =	sdelay $0x3  }
0x36: {  	p1 =	seq.s32 s10, $0x1;
	s10 =	sld [smem:$0x3FAD];
	_ =	sdelay $0x3  }
0x37: {  	[smem:$0x3FAD] =	sst s10  }
0x38: {  	s10 =	sld [smem:$0x3FAE]  }
0x39: {  	_ = 	snop;
	(pc) =	sbr.ind lr, $3  }
0x3a: {  	_ = 	snop  }
0x3b: {  	_ = 	snop  }
0x3c: {  	p2 =	seq.s32 s10, $0x1;
	s10 =	sld [smem:$0x3FAD]  }
0x3d: {  	_ =	shalt  }
0x3e: {  	_ =	shalt  }
0x3f: {  	_ =	shalt  }
0x40: {  	_ =	shalt  }
0x41: {  	_ =	shalt  }
0x42: {  	_ =	shalt  }
0x43: {  	_ =	shalt  }
0x44: {  	_ =	shalt  }
0x45: {  	_ =	shalt  }
0x46: {  	_ =	shalt  }
0x47: {  	_ =	shalt  }
0x48: {  	_ =	shalt  }
0x49: {  	_ =	shalt  }
0x4a: {  	_ =	shalt  }
0x4b: {  	_ =	shalt  }
0x4c: {  	_ =	shalt  }
0x4d: {  	_ =	shalt  }
0x4e: {  	_ =	shalt  }
0x4f: {  	_ =	shalt  }
0x50: {  	_ =	shalt  }
0x51: {  	_ =	shalt  }
0x52: {  	_ =	shalt  }
0x53: {  	_ =	shalt  }
0x54: {  	_ =	shalt  }
0x55: {  	_ =	shalt  }
0x56: {  	_ =	shalt  }
0x57: {  	_ =	shalt  }
0x58: {  	_ =	shalt  }
0x59: {  	_ =	shalt  }
0x5a: {  	_ =	shalt  }
0x5b: {  	_ =	shalt  }
0x5c: {  	_ =	shalt  }
0x5d: {  	_ =	shalt  }
0x5e: {  	_ =	shalt  }
0x5f: {  	_ =	shalt  }
0x60: {  	_ =	shalt  }
0x61: {  	_ =	shalt  }
0x62: {  	_ =	shalt  }
0x63: {  	_ =	shalt  }
0x64: {  	_ =	shalt  }
0x65: {  	_ =	shalt  }
0x66: {  	_ =	shalt  }
0x67: {  	_ =	shalt  }
0x68: {  	_ =	shalt  }
0x69: {  	_ =	shalt  }
0x6a: {  	_ =	shalt  }
0x6b: {  	_ =	shalt  }
0x6c: {  	_ =	shalt  }
0x6d: {  	_ =	shalt  }
0x6e: {  	_ =	shalt  }
0x6f: {  	_ =	shalt  }
0x70: {  	_ =	shalt  }
0x71: {  	_ =	shalt  }
0x72: {  	_ =	shalt  }
0x73: {  	_ =	shalt  }
0x74: {  	_ =	shalt  }
0x75: {  	_ =	shalt  }
0x76: {  	_ =	shalt  }
0x77: {  	_ =	shalt  }
0x78: {  	_ =	shalt  }
0x79: {  	_ =	shalt  }
0x7a: {  	_ =	shalt  }
0x7b: {  	_ =	shalt  }
0x7c: {  	_ =	shalt  }
0x7d: {  	_ =	shalt  }
0x7e: {  	_ =	shalt  }
0x7f: {  	_ =	shalt  }
0x80: {  	_ =	shalt  }
0x81: {  	_ =	shalt  }
0x82: {  	_ =	shalt  }
0x83: {  	_ =	shalt  }
0x84: {  	_ =	shalt  }
0x85: {  	_ =	shalt  }
0x86: {  	_ =	shalt  }
0x87: {  	_ =	shalt  }
.Lfunc_end0:
.L_simem_size_0:
called_computation.5_lowered:
.L_overlay_start_0:
0x88: {  	s2 =	sld [smem:$0x3FD9]  }
0x89: {  	s3 =	sld [smem:$0x3FFE];
	_ =	sdelay $0x1  }
0x8a: {  	s1 =	srdreg.scid  }
0x8b: {  	s0 =	sand.u32 $0x1, s1  }
0x8c: {  	s17 =	sshll.u32 s0, $0xA;
	s2 =	sadd.s32 s3, s2  }
0x8d: {  	s2 =	sadd.s32 s2, s17  }
0x8e: {  	[smem:$0x3FB9] =	sst s2  }
0x8f: {  	_ = 	snop  }
0x90: {  	s2 =	sld [smem:$0x3FD0];
	(tm) =	ssettm $0x1  }
0x91: {  	s18 =	sld [smem:$0x3FFB];
	_ =	sdelay $0x3  }
0x92: {  	_ =	strace s18  }
0x93: {  	s3 =	sld [smem:$0x3FFC];
	_ =	sdelay $0x3  }
0x94: {  	_ =	strace s3  }
0x95: {  	s3 =	sld [smem:$0x3FFD];
	_ =	sdelay $0x3  }
0x96: {  	_ =	strace s3  }
0x97: {  	_ =	strace $0x8FFFFFFF  }
0x98: {  	s19 =	sld [smem:$0x3FDB];
	_ =	sdelay $0x1  }
0x99: {  	s4 =	simm.s32 $_scs_section_size  }
0x9a: {  	s5 =	simm.s32 $_size__tile_overlayer_lowered;
	s6 =	simm.s32 $_tile_overlayer_lowered  }
0x9b: {  	s22 =	simm.s32 $0x1BFF;
	s21 =	sshll.u32 s6, $0x1;
	s3 =	sadd.s32 s4, s19  }
0x9c: {  	s7 =	simm.s32 $0x0;
	s20 =	sshll.u32 s5, $0x1;
	s5 =	sadd.s32 s21, s3  }
0x9d: {  	[timem:s7], [sflag:s22] =	dma.local [hbm:s5], s20  }
0x9e: {  	_ =	swait.ge [sflag:s22], s20  }
0x9f: {  	s4 =	ssub.s32 $0x0, s20;
	[sflag:s22] =	ssyncset.done $0x0  }
0xa0: {  	[sflag:s22] =	ssyncadd.s32 s4;
	_ =	sdelay $0x1  }
0xa1: {  	s23 =	simm.s32 $0x1B8B  }
0xa2: {  	_ =	swait.ge [sflag:s23], $0x1  }
0xa3: {  	[sflag:s23] =	ssyncset.done $0x0  }
0xa4: {  	s25 =	simm.s32 $0x1B8E;
	s24 =	sld [smem:$0x3FFE];
	[sflag:s23] =	ssyncadd.s32 $0xFFFFFFFF  }
0xa5: {  	s26 =	simm.s32 $execute0_lowered;
	[smem:$0x3FD2] =	sst s25  }
0xa6: {  	s5 =	sshll.u32 s26, $0x1;
	_ =	strace $0x80000055;
	[dreg:$0x1] =	wrdreg $0xFFFFFFFF  }
0xa7: {  	s28 =	simm.s32 $_size_execute0_lowered;
	s3 =	sadd.s32 s3, s5;
	[dreg:$0x0] =	wrdreg $0x0  }
0xa8: {  	s5 =	sshll.u32 s28, $0x1;
	[dreg:$0x2] =	wrdreg s3  }
0xa9: {  	[dreg:$0x3] =	wrdreg s5  }
0xaa: {  	[dreg:$0x4] =	wrdreg $0xC0  }
0xab: {  	_ =	task [dreg:s7], $0x5FFFF  }
0xac: {  	[dreg:$0x1] =	wrdreg $0xFFFFFFFF  }
0xad: {  	[dreg:$0x0] =	wrdreg $0x60  }
0xae: {  	[dreg:$0x2] =	wrdreg s24  }
0xaf: {  	[dreg:$0x3] =	wrdreg s2  }
0xb0: {  	[dreg:$0x4] =	wrdreg $0xBD000  }
0xb1: {  	[dreg:$0x5] =	wrdreg $0x9  }
0xb2: {  	_ =	task.clear_ibuf [dreg:s7], $0x6FFFF;
	_ =	strace $0x90000055  }
0xb3: {  	s29 =	simm.s32 $0x9;
	_ =	strace $0x80000057  }
0xb4: {  	_ =	swait.ge [sflag:s29], $0x1  }
0xb5: {  	[sflag:s29] =	ssyncadd.s32 $0xFFFFFFFF  }
0xb6: {  	_ =	strace $0x90000057  }
0xb7: {  	_ =	sfence  }
0xb8: {  	s30 =	sld [smem:$0x0];
	_ =	sdelay $0x2  }
0xb9: {  	s31 =	sshll.u32 s1, $0xD;
	s1 =	sshrl.u32 s1, $0x2  }
0xba: {  	s3 =	sand.u32 $0x4000, s31;
	s1 =	sadd.s32 s1, s30  }
0xbb: {  	s0 =	sor.u32 s3, s0;
	s1 =	sshll.u32 s1, $0x11  }
0xbc: {  	s0 =	sor.u32 s1, s0  }
0xbd: {  	s0 =	sadd.s32 $0x8F2B, s0  }
0xbe: {  	[sflag:s0] =	ssyncadd.remote.s32 $0x1  }
0xbf: {  	_ =	sfence.sel $0xFFFF  }
0xc0: {  	[dreg:$0x0] =	wrdreg $0xFFFFFFFF;
	(pc) =	sbr.abs _section_cstart, $3  }
0xc1: {  	[dreg:$0x1] =	wrdreg $0xFFFFFFFF  }
0xc2: {  	_ =	task.clear_ibuf [dreg:s7], $0x2FFFF;
	_ =	strace $0x9FFFFFFF  }
0xc3: {  	(tm) =	ssettm $0x7FFFFFFF  }
tec
execute0_lowered:
.L_overlay_start_1:
0x0: {  	(tag) =	ssettag $0x1  }
0x1: {  	s5 =	rddreg [dreg:$0x0]  }
0x2: {  	s6 =	rddreg [dreg:$0x1]  }
0x3: {  	s0 =	srdreg.scid;
	s2 =	rddreg [dreg:$0x2]  }
0x4: {  	s1 =	rddreg [dreg:$0x3];
	s3 =	simm.s32 $0x0;
	s7 =	sand.u32 $0x1, s0  }
0x5: {  	s13 =	simm.s32 $0x4E80;
	s0 =	stileid.u32;
	s8 =	smul.u32 $0x4E800, s7  }
0x6: {  	s14 =	simm.s32 $0x80;
	s15 =	simm.s32 $0x9D00;
	s9 =	smul.u32 $0x4E80, s0  }
0x7: {  	s16 =	simm.s32 $0x1;
	s17 =	simm.s32 $0x0;
	s10 =	smul.u32 $0x9E00, s0  }
0x8: {  	[smem:$0x7FF] =	sst s3;
	s4 =	sadd.s32 $0x2C200, s5;
	s11 =	smul.u32 $0x9E000, s7  }
0x9: {  	_ =	strace $0x80000056;
	s7 =	ssub.s32 $0x2, s7;
	s31 =	sshll.u32 s0, $0x6  }
0xa: {  	s29 =	sshrl.u32 s7, $0x1;
	s8 =	sadd.s32 s9, s8;
	s28 =	sadd.s32 s10, s11  }
0xb: {  	s11 =	ssub.s32 s7, s29;
	s30 =	sshrl.u32 s10, $0x3;
	s12 =	sadd.s32 s10, s2  }
0xc: {  	s8 =	sshrl.u32 s8, $0x3;
	s9 =	sshrl.u32 s28, $0x3;
	s10 =	smax.u32 s11, $0x1  }
0xd: {  	s11 =	sshrl.u32 s12, $0x3;
	s12 =	simm.s32 $0x2;
	s8 =	sadd.s32 s8, s5  }
0xe: {  	s9 =	sadd.s32 s9, s5;
	s5 =	sadd.s32 s6, s30;
	s6 =	sor.u32 $0x1C02, s31  }
0xf: {  	s7 =	sadd.s32 $0x18800, s8;
	s8 =	sadd.s32 $0x4E00, s8;
	s9 =	sadd.s32 $0xA2E00, s9  }
.LBB2_1:
0x10: {  	[spmem:s11], [sflag:s6] =	dma.local [hbm:s5], $0x13C0  }
0x11: {  	_ =	swait.ge [sflag:s12], $0x13C0  }
0x12: {  	[sflag:s12] =	ssyncset.done $0x0  }
0x13: {  	[sflag:s12] =	ssyncadd.s32 $0xFFFFEC40  }
0x14: {  	[tilespmem:s3], [sflag:$0x2] =	stream.linear.gather [hbm4b:s7+s3], $0x4E80, $0x38;
	[tilespmem:$0x15B00] =	vst v63  }
0x15: {  	_ =	swait.ge [sflag:s12], $0x4E80  }
0x16: {  	[sflag:s12] =	ssyncset.done $0x0  }
0x17: {  	[sflag:s12] =	ssyncadd.s32 $0xFFFFB180  }
0x18: {  	[tilespmem:s13], [sflag:$0x2] =	stream.linear.gather [hbm4b:s8+s3], $0x4E80, $0x38;
	[tilespmem:$0x15B00] =	vst v63  }
0x19: {  	_ =	swait.ge [sflag:s12], $0x4E80  }
0x1a: {  	[sflag:s12] =	ssyncset.done $0x0  }
0x1b: {  	[sflag:s12] =	ssyncadd.s32 $0xFFFFB180  }
0x1c: {  	s18 =	simm.s32 $0x0;
	[bflag:$0x0] =	sbarrier.arrive $0xFFFF  }
0x1d: {  	[tilespmem:s15], [sflag:$0x1] =	stream.indirect.gather [hbm4b:s4+s14], $0x40, s18, s14, $0xb8;
	[tilespmem:$0x15B00] =	vst v63  }
0x1e: {  	_ =	swait.ge [sflag:s16], $0x2000  }
0x1f: {  	[sflag:s16] =	ssyncset.done $0x0  }
0x20: {  	s31 =	simm.s32 $0x4E80;
	[sflag:s16] =	ssyncadd.s32 $0xFFFFE000  }
0x21: {  	[spmem:s2] =	stream.indirect.scatter.add.f32 [tilespmem:s15], [sflag:$0x2], $0x40, s31, s14, $0xb8;
	[tilespmem:$0x15B00] =	vst v63  }
0x22: {  	_ =	swait.ge [sflag:s12], $0x2000  }
0x23: {  	s19 =	simm.s32 $0x400;
	s18 =	simm.s32 $0x200;
	[sflag:s12] =	ssyncset.done $0x0  }
.LBB2_2:
0x24: {  	s20 =	sshra.s32 s18, $0x2  }
0x25: {  	[sflag:s12] =	ssyncadd.s32 $0xFFFFE000;
	s18 =	smov.u32 s19;
	s21 =	sadd.s32 $0x200, s19  }
0x26: {  	[tilespmem:s15], [sflag:$0x1] =	stream.indirect.gather [hbm4b:s4+s14], $0x40, s20, s14, $0xb8;
	[tilespmem:$0x15B00] =	vst v63  }
0x27: {  	p0 =	sne.s32 s19, $0x13800;
	_ =	swait.ge [sflag:s16], $0x2000  }
.Ltmp0:
0x28: {  	[sflag:s16] =	ssyncset.done $0x0;
	(pc) =	sbr.rel @p0 .LBB2_2-.Ltmp0, $4  }
0x29: {  	s19 =	sadd.s32 $0x4E80, s20;
	[sflag:s16] =	ssyncadd.s32 $0xFFFFE000  }
0x2a: {  	[spmem:s2] =	stream.indirect.scatter.add.f32 [tilespmem:s15], [sflag:$0x2], $0x40, s19, s14, $0xb8;
	[tilespmem:$0x15B00] =	vst v63  }
0x2b: {  	_ =	swait.ge [sflag:s12], $0x2000  }
0x2c: {  	s19 =	smov.u32 s21;
	[sflag:s12] =	ssyncset.done $0x0  }
0x2d: {  	s18 =	sshra.s32 s18, $0x2;
	[sflag:s12] =	ssyncadd.s32 $0xFFFFE000  }
0x2e: {  	[tilespmem:s15], [sflag:$0x1] =	stream.indirect.gather [hbm4b:s4+s14], $0x40, s18, s14, $0xb8;
	[tilespmem:$0x15B00] =	vst v63  }
0x2f: {  	_ =	swait.ge [sflag:s16], $0x2000  }
0x30: {  	[sflag:s16] =	ssyncset.done $0x0  }
0x31: {  	s18 =	sadd.s32 $0x4E80, s18;
	[sflag:s16] =	ssyncadd.s32 $0xFFFFE000  }
0x32: {  	[spmem:s2] =	stream.indirect.scatter.add.f32 [tilespmem:s15], [sflag:$0x2], $0x40, s18, s14, $0xb8;
	[tilespmem:$0x15B00] =	vst v63  }
0x33: {  	_ =	swait.ge [sflag:s12], $0x2000  }
0x34: {  	s17 =	sadd.s32 $0x1, s17;
	[sflag:s12] =	ssyncset.done $0x0  }
0x35: {  	p0 =	sne.s32 s17, s10;
	[sflag:s12] =	ssyncadd.s32 $0xFFFFE000  }
.Ltmp1:
0x36: {  	[bflag:$0x0] =	sbarrier.arrive $0xFFFF;
	(pc) =	sbr.rel @p0 .LBB2_1-.Ltmp1, $4  }
0x37: {  	[hbm:s9], [sflag:s6] =	dma.local [spmem:s11], $0x13C0  }
0x38: {  	_ =	swait.ge [sflag:s12], $0x13C0  }
0x39: {  	[sflag:s12] =	ssyncset.done $0x0  }
0x3a: {  	[sflag:s12] =	ssyncadd.s32 $0xFFFFEC40  }
0x3b: {  	_ =	sfence.sel $0x180000  }
0x3c: {  	[bflag:$0x0] =	sbarrier.arrive $0xFFFF  }
0x3d: {  	p0 =	sne.s32 s0, $0x0;
	_ =	strace $0x90000056  }
0x3e: {  	s0 =	sadd.s32 @!p0 $0x100000, s1;
	[bflag:$0x2] =	sbarrier.arrive $0xFFFF  }
0x3f: {  	[sflag:s0] =	ssyncadd.tile.s32 @!p0 $0x1;
	_ =	shalt  }
.Lfunc_end2:
_tile_overlayer_lowered:
.L_overlay_start_2:
0x40: {  	(tag) =	ssettag $0x2  }
0x41: {  	s0 =	rddreg [dreg:$0x0];
	s2 =	stileid.u32  }
0x42: {  	s1 =	rddreg [dreg:$0x1];
	p0 =	sne.s32 s2, $0x0  }
0x43: {  	s3 =	rddreg [dreg:$0x2];
	[bflag:$0x3] =	sbarrier.arrive $0xFFFF;
	s2 =	simm.s32 @!p0 $0x1C02  }
0x44: {  	[timem:s3], [sflag:s2] =	dma.local @!p0 [hbm:s0], s1  }
0x45: {  	s0 =	simm.s32 @!p0 $0x2  }
0x46: {  	_ =	swait.ge @!p0 [sflag:s0], s1  }
0x47: {  	s1 =	ssub.s32 @!p0 $0x0, s1;
	[sflag:s0] =	ssyncset.done @!p0 $0x0  }
0x48: {  	[sflag:s0] =	ssyncadd.s32 @!p0 s1  }
0x49: {  	[bflag:$0x3] =	sbarrier.arrive $0xFFFF  }
0x4a: {  	_ =	shalt  }

// kernel: kernel.34.cloned.1.call-start
scs
__scs_entry_jumppad:
0x0: {  	(pc) =	sbr.rel $0x88, $3  }
0x1: {  	(tag) =	ssettag $0x0;
	lr =	simm.s32 $0x1  }
0x2: {  	[smem:$0x3F92] =	sst lr;
	_ =	strace $0xD0000000  }
0x3: {  	_ = 	snop  }
0x4: {  	_ = 	snop  }
0x5: {  	_ = 	snop  }
0x6: {  	_ = 	snop  }
0x7: {  	_ = 	snop  }
__scs_overlays_trampoline_lowered:
0x8: {  	[smem:$0x3FA1] =	sst s0  }
0x9: {  	[smem:$0x3FA2] =	sst s1  }
0xa: {  	[smem:$0x3FA3] =	sst s2  }
0xb: {  	[smem:$0x3FA4] =	sst s3  }
0xc: {  	[smem:$0x3FA5] =	sst s4  }
0xd: {  	[smem:$0x3FA6] =	sst s5  }
0xe: {  	[smem:$0x3FA7] =	sst s6  }
0xf: {  	[smem:$0x3FA8] =	sst s7  }
0x10: {  	[smem:$0x3FA9] =	sst s8  }
0x11: {  	[smem:$0x3FAA] =	sst s9;
	s0 =	simm.s32 @!p0 $0x0  }
0x12: {  	s1 =	sld [smem:$0x3F90];
	s0 =	simm.s32 @p0 $0x1  }
0x13: {  	[smem:$0x3FAB] =	sst s0;
	s0 =	simm.s32 @!p1 $0x0  }
0x14: {  	s2 =	sld [smem:$0x3F8F];
	s0 =	simm.s32 @p1 $0x1  }
0x15: {  	[smem:$0x3FAC] =	sst s0;
	s0 =	simm.s32 @!p2 $0x0  }
0x16: {  	s3 =	sld [smem:$0x3FDB];
	s0 =	simm.s32 @p2 $0x1  }
0x17: {  	s4 =	simm.s32 $0x1BF5;
	[smem:$0x3FAE] =	sst s0  }
0x18: {  	s0 =	sld [smem:$0x3F91];
	_ =	swait.ge [sflag:s4], $0x0  }
0x19: {  	s7 =	sld [smem:$0x3F92]  }
0x1a: {  	s8 =	sadd.s32 $0xFFFFE003, lr  }
0x1b: {  	s9 =	sadd.s32 $0xFFFFFEF7, lr;
	s5 =	simm.s32 $0xFFFFFFFF;
	p2 =	slt.u32 s8, $0xFFFFF086  }
0x1c: {  	p1 =	slt.u32 s9, $0xF7A;
	s5 =	simm.s32 @!p2 $0x0  }
0x1d: {  	s5 =	simm.s32 @p1 $0x1;
	p0 =	seq.s32 s7, s2  }
0x1e: {  	s7 =	smul.u32 @!p0 $0xF7A, s2;
	p2 =	seq.s32 @!p0 s5, $0x0  }
0x1f: {  	s9 =	smul.u32 $0xF7A, s1;
	s8 =	simm.s32 @!p0 $0x1BF5;
	p2 =	por !p2, p0  }
0x20: {  	[sflag:s8] =	ssyncset.s32 @!p0 $0xFFFFF086;
	s6 =	sadd.s32 @!p0 s3, s7;
	s7 =	simm.s32 @!p0 $0x108  }
0x21: {  	s3 =	sadd.s32 s3, s9;
	s6 =	sadd.s32 @!p0 $0x88, s6;
	s7 =	simm.s32 @p2 $0x1082  }
0x22: {  	[simem:s7], [sflag:s8] =	dma.local @!p0 [hbm:s6], $0xF7A  }
0x23: {  	s9 =	sor.u32 $0xD0000000, s2;
	s6 =	simm.s32 $0x108;
	_ =	swait.ge @!p0 [sflag:s8], $0x0  }
0x24: {  	s3 =	sadd.s32 $0x88, s3;
	s6 =	simm.s32 @!p1 $0x1082;
	[sflag:s4] =	ssyncset.s32 $0xFFFFF086  }
0x25: {  	[simem:s6], [sflag:s4] =	dma.local [hbm:s3], $0xF7A  }
0x26: {  	[smem:$0x3F92] =	sst s1;
	(tag) =	ssettag s2;
	_ =	strace s9  }
0x27: {  	s1 =	sld [smem:$0x3FA2]  }
0x28: {  	s2 =	sld [smem:$0x3FA3]  }
0x29: {  	s4 =	sld [smem:$0x3FA5]  }
0x2a: {  	p0 =	seq.s32 s5, $0x0;
	s5 =	sld [smem:$0x3FA6]  }
0x2b: {  	s6 =	sld [smem:$0x3FA7]  }
0x2c: {  	s7 =	sld [smem:$0x3FA8]  }
0x2d: {  	s3 =	simm.s32 $0x108;
	s8 =	sld [smem:$0x3FA9]  }
0x2e: {  	s3 =	simm.s32 @!p0 $0x1082;
	s9 =	sld [smem:$0x3FAA]  }
0x2f: {  	lr =	sadd.s32 s0, s3;
	s0 =	sld [smem:$0x3FA1]  }
0x30: {  	s3 =	sld [smem:$0x3FA4]  }
0x31: {  	[smem:$0x3FAD] =	sst s10  }
0x32: {  	s10 =	sld [smem:$0x3FAB];
	_ =	sdelay $0x3  }
0x33: {  	p0 =	seq.s32 s10, $0x1;
	s10 =	sld [smem:$0x3FAD];
	_ =	sdelay $0x3  }
0x34: {  	[smem:$0x3FAD] =	sst s10  }
0x35: {  	s10 =	sld [smem:$0x3FAC];
	_ =	sdelay $0x3  }
0x36: {  	p1 =	seq.s32 s10, $0x1;
	s10 =	sld [smem:$0x3FAD];
	_ =	sdelay $0x3  }
0x37: {  	[smem:$0x3FAD] =	sst s10  }
0x38: {  	s10 =	sld [smem:$0x3FAE]  }
0x39: {  	_ = 	snop;
	(pc) =	sbr.ind lr, $3  }
0x3a: {  	_ = 	snop  }
0x3b: {  	_ = 	snop  }
0x3c: {  	p2 =	seq.s32 s10, $0x1;
	s10 =	sld [smem:$0x3FAD]  }
0x3d: {  	_ =	shalt  }
0x3e: {  	_ =	shalt  }
0x3f: {  	_ =	shalt  }
0x40: {  	_ =	shalt  }
0x41: {  	_ =	shalt  }
0x42: {  	_ =	shalt  }
0x43: {  	_ =	shalt  }
0x44: {  	_ =	shalt  }
0x45: {  	_ =	shalt  }
0x46: {  	_ =	shalt  }
0x47: {  	_ =	shalt  }
0x48: {  	_ =	shalt  }
0x49: {  	_ =	shalt  }
0x4a: {  	_ =	shalt  }
0x4b: {  	_ =	shalt  }
0x4c: {  	_ =	shalt  }
0x4d: {  	_ =	shalt  }
0x4e: {  	_ =	shalt  }
0x4f: {  	_ =	shalt  }
0x50: {  	_ =	shalt  }
0x51: {  	_ =	shalt  }
0x52: {  	_ =	shalt  }
0x53: {  	_ =	shalt  }
0x54: {  	_ =	shalt  }
0x55: {  	_ =	shalt  }
0x56: {  	_ =	shalt  }
0x57: {  	_ =	shalt  }
0x58: {  	_ =	shalt  }
0x59: {  	_ =	shalt  }
0x5a: {  	_ =	shalt  }
0x5b: {  	_ =	shalt  }
0x5c: {  	_ =	shalt  }
0x5d: {  	_ =	shalt  }
0x5e: {  	_ =	shalt  }
0x5f: {  	_ =	shalt  }
0x60: {  	_ =	shalt  }
0x61: {  	_ =	shalt  }
0x62: {  	_ =	shalt  }
0x63: {  	_ =	shalt  }
0x64: {  	_ =	shalt  }
0x65: {  	_ =	shalt  }
0x66: {  	_ =	shalt  }
0x67: {  	_ =	shalt  }
0x68: {  	_ =	shalt  }
0x69: {  	_ =	shalt  }
0x6a: {  	_ =	shalt  }
0x6b: {  	_ =	shalt  }
0x6c: {  	_ =	shalt  }
0x6d: {  	_ =	shalt  }
0x6e: {  	_ =	shalt  }
0x6f: {  	_ =	shalt  }
0x70: {  	_ =	shalt  }
0x71: {  	_ =	shalt  }
0x72: {  	_ =	shalt  }
0x73: {  	_ =	shalt  }
0x74: {  	_ =	shalt  }
0x75: {  	_ =	shalt  }
0x76: {  	_ =	shalt  }
0x77: {  	_ =	shalt  }
0x78: {  	_ =	shalt  }
0x79: {  	_ =	shalt  }
0x7a: {  	_ =	shalt  }
0x7b: {  	_ =	shalt  }
0x7c: {  	_ =	shalt  }
0x7d: {  	_ =	shalt  }
0x7e: {  	_ =	shalt  }
0x7f: {  	_ =	shalt  }
0x80: {  	_ =	shalt  }
0x81: {  	_ =	shalt  }
0x82: {  	_ =	shalt  }
0x83: {  	_ =	shalt  }
0x84: {  	_ =	shalt  }
0x85: {  	_ =	shalt  }
0x86: {  	_ =	shalt  }
0x87: {  	_ =	shalt  }
.Lfunc_end0:
.L_simem_size_0:
called_computation.6_lowered:
.L_overlay_start_0:
0x88: {  	s2 =	sld [smem:$0x3FD9]  }
0x89: {  	s3 =	sld [smem:$0x3FFE];
	_ =	sdelay $0x1  }
0x8a: {  	s1 =	srdreg.scid  }
0x8b: {  	s0 =	sand.u32 $0x1, s1  }
0x8c: {  	s17 =	sshll.u32 s0, $0xA;
	s2 =	sadd.s32 s3, s2  }
0x8d: {  	s2 =	sadd.s32 s2, s17  }
0x8e: {  	[smem:$0x3FB9] =	sst s2  }
0x8f: {  	_ = 	snop  }
0x90: {  	s18 =	sld [smem:$0x3FD0];
	(tm) =	ssettm $0x1  }
0x91: {  	s19 =	sld [smem:$0x3FFB];
	_ =	sdelay $0x3  }
0x92: {  	_ =	strace s19  }
0x93: {  	s2 =	sld [smem:$0x3FFC];
	_ =	sdelay $0x3  }
0x94: {  	_ =	strace s2  }
0x95: {  	s2 =	sld [smem:$0x3FFD];
	_ =	sdelay $0x3  }
0x96: {  	_ =	strace s2  }
0x97: {  	_ =	strace $0x8FFFFFFF  }
0x98: {  	s20 =	sld [smem:$0x3FDB];
	_ =	sdelay $0x1  }
0x99: {  	s4 =	simm.s32 $_scs_section_size  }
0x9a: {  	s5 =	simm.s32 $_size__tile_overlayer_lowered;
	s6 =	simm.s32 $_tile_overlayer_lowered  }
0x9b: {  	s7 =	simm.s32 $0x1BFF;
	s21 =	sshll.u32 s6, $0x1;
	s4 =	sadd.s32 s4, s20  }
0x9c: {  	s22 =	simm.s32 $0x0;
	s5 =	sshll.u32 s5, $0x1;
	s6 =	sadd.s32 s21, s4  }
0x9d: {  	[timem:s22], [sflag:s7] =	dma.local [hbm:s6], s5  }
0x9e: {  	_ =	swait.ge [sflag:s7], s5  }
0x9f: {  	s5 =	ssub.s32 $0x0, s5;
	[sflag:s7] =	ssyncset.done $0x0  }
0xa0: {  	[sflag:s7] =	ssyncadd.s32 s5;
	_ =	sdelay $0x1  }
0xa1: {  	s23 =	simm.s32 $0x1B8B  }
0xa2: {  	_ =	swait.ge [sflag:s23], $0x1  }
0xa3: {  	[sflag:s23] =	ssyncset.done $0x0  }
0xa4: {  	[sflag:s23] =	ssyncadd.s32 $0xFFFFFFFF  }
0xa5: {  	s5 =	sld [smem:$0x0]  }
0xa6: {  	s6 =	sand.u32 $0xFFFFFFFE, s1  }
0xa7: {  	p0 =	sne.s32 s1, s6  }
0xa8: {  	s6 =	sshll.u32 @p0 s6, $0xE  }
0xa9: {  	s6 =	sadd.s32 @p0 $0x11B8D, s6;
	s7 =	sshll.u32 @p0 s5, $0x11  }
0xaa: {  	s6 =	sor.u32 @p0 s7, s6  }
0xab: {  	[sflag:s6] =	ssyncadd.remote.s32 @p0 $0x1;
	_ =	sdelay $0x1  }
0xac: {  	s6 =	simm.s32 @p0 $0x1B8D  }
0xad: {  	_ =	swait.eq @p0 [sflag:s6], $0x1  }
0xae: {  	[sflag:s6] =	ssyncadd.s32 @p0 $0xFFFFFFFF  }
0xaf: {  	s7 =	sshll.u32 @!p0 s1, $0xE  }
0xb0: {  	s7 =	sor.u32 @!p0 $0x4000, s7;
	s6 =	simm.s32 @!p0 $0x1B8D  }
0xb1: {  	s5 =	sshll.u32 @!p0 s5, $0x11;
	s7 =	sadd.s32 @!p0 $0x11B8D, s7;
	_ =	swait.eq @!p0 [sflag:s6], $0x1  }
0xb2: {  	s5 =	sor.u32 @!p0 s5, s7;
	[sflag:s6] =	ssyncadd.s32 @!p0 $0xFFFFFFFF  }
0xb3: {  	s25 =	simm.s32 $0x1B8E;
	s24 =	sld [smem:$0x3FFE];
	[sflag:s5] =	ssyncadd.remote.s32 @!p0 $0x1  }
0xb4: {  	s26 =	simm.s32 $execute0_lowered;
	[smem:$0x3FD2] =	sst s25  }
0xb5: {  	s6 =	sshll.u32 s26, $0x1;
	_ =	strace $0x80000058;
	[dreg:$0x1] =	wrdreg $0xFFFFFFFF  }
0xb6: {  	s28 =	simm.s32 $_size_execute0_lowered;
	s4 =	sadd.s32 s4, s6;
	[dreg:$0x0] =	wrdreg $0x0  }
0xb7: {  	s6 =	sshll.u32 s28, $0x1;
	[dreg:$0x2] =	wrdreg s4  }
0xb8: {  	[dreg:$0x3] =	wrdreg s6  }
0xb9: {  	[dreg:$0x4] =	wrdreg $0xC0  }
0xba: {  	_ =	task [dreg:s22], $0x5FFFF  }
0xbb: {  	[dreg:$0x1] =	wrdreg $0xFFFFFFFF  }
0xbc: {  	[dreg:$0x0] =	wrdreg $0x60  }
0xbd: {  	[dreg:$0x2] =	wrdreg s24  }
0xbe: {  	[dreg:$0x3] =	wrdreg s18  }
0xbf: {  	[dreg:$0x4] =	wrdreg $0xBD000  }
0xc0: {  	[dreg:$0x5] =	wrdreg $0xA  }
0xc1: {  	_ =	task.clear_ibuf [dreg:s22], $0x6FFFF;
	_ =	strace $0x90000058  }
0xc2: {  	s29 =	simm.s32 $0xA;
	_ =	strace $0x8000005A  }
0xc3: {  	_ =	swait.ge [sflag:s29], $0x1  }
0xc4: {  	[sflag:s29] =	ssyncadd.s32 $0xFFFFFFFF  }
0xc5: {  	_ =	strace $0x9000005A  }
0xc6: {  	_ =	sfence  }
0xc7: {  	s30 =	sld [smem:$0x0];
	_ =	sdelay $0x2  }
0xc8: {  	s31 =	sshll.u32 s1, $0xD;
	s1 =	sshrl.u32 s1, $0x2  }
0xc9: {  	s4 =	sand.u32 $0x4000, s31;
	s1 =	sadd.s32 s1, s30  }
0xca: {  	s0 =	sor.u32 s4, s0;
	s1 =	sshll.u32 s1, $0x11  }
0xcb: {  	s0 =	sor.u32 s1, s0  }
0xcc: {  	s0 =	sadd.s32 $0x8F2B, s0  }
0xcd: {  	[sflag:s0] =	ssyncadd.remote.s32 $0x1  }
0xce: {  	_ =	sfence.sel $0xFFFF  }
0xcf: {  	[dreg:$0x0] =	wrdreg $0xFFFFFFFF;
	(pc) =	sbr.abs _section_cstart, $3  }
0xd0: {  	[dreg:$0x1] =	wrdreg $0xFFFFFFFF  }
0xd1: {  	_ =	task.clear_ibuf [dreg:s22], $0x2FFFF;
	_ =	strace $0x9FFFFFFF  }
0xd2: {  	(tm) =	ssettm $0x7FFFFFFF  }
0xd3: {  	_ =	shalt  }
tec
execute0_lowered:
.L_overlay_start_1:
0x0: {  	(tag) =	ssettag $0x1  }
0x1: {  	s5 =	rddreg [dreg:$0x0]  }
0x2: {  	s6 =	rddreg [dreg:$0x1]  }
0x3: {  	s0 =	srdreg.scid;
	s2 =	rddreg [dreg:$0x2]  }
0x4: {  	s1 =	rddreg [dreg:$0x3];
	s3 =	simm.s32 $0x0;
	s7 =	sand.u32 $0x1, s0  }
0x5: {  	s13 =	simm.s32 $0x4E80;
	s0 =	stileid.u32;
	s8 =	smul.u32 $0x4E800, s7  }
0x6: {  	s14 =	simm.s32 $0x80;
	s15 =	simm.s32 $0x9D00;
	s9 =	smul.u32 $0x4E80, s0  }
0x7: {  	s16 =	simm.s32 $0x1;
	s17 =	simm.s32 $0x0;
	s10 =	smul.u32 $0x9E00, s0  }
0x8: {  	[smem:$0x7FF] =	sst s3;
	s4 =	sadd.s32 $0xDB200, s5;
	s11 =	smul.u32 $0x9E000, s7  }
0x9: {  	_ =	strace $0x80000059;
	s7 =	ssub.s32 $0x2, s7;
	s31 =	sshll.u32 s0, $0x6  }
0xa: {  	s29 =	sshrl.u32 s7, $0x1;
	s8 =	sadd.s32 s9, s8;
	s28 =	sadd.s32 s10, s11  }
0xb: {  	s11 =	ssub.s32 s7, s29;
	s30 =	sshrl.u32 s10, $0x3;
	s12 =	sadd.s32 s10, s2  }
0xc: {  	s8 =	sshrl.u32 s8, $0x3;
	s9 =	sshrl.u32 s28, $0x3;
	s10 =	smax.u32 s11, $0x1  }
0xd: {  	s11 =	sshrl.u32 s12, $0x3;
	s12 =	simm.s32 $0x2;
	s8 =	sadd.s32 s8, s5  }
0xe: {  	s9 =	sadd.s32 s9, s5;
	s5 =	sadd.s32 s6, s30;
	s6 =	sor.u32 $0x1C02, s31  }
0xf: {  	s7 =	sadd.s32 $0x18800, s8;
	s8 =	sadd.s32 $0x4E00, s8;
	s9 =	sadd.s32 $0x102A00, s9  }
.LBB2_1:
0x10: {  	[spmem:s11], [sflag:s6] =	dma.local [hbm:s5], $0x13C0  }
0x11: {  	_ =	swait.ge [sflag:s12], $0x13C0  }
0x12: {  	[sflag:s12] =	ssyncset.done $0x0  }
0x13: {  	[sflag:s12] =	ssyncadd.s32 $0xFFFFEC40  }
0x14: {  	[tilespmem:s3], [sflag:$0x2] =	stream.linear.gather [hbm4b:s7+s3], $0x4E80, $0x38;
	[tilespmem:$0x15B00] =	vst v63  }
0x15: {  	_ =	swait.ge [sflag:s12], $0x4E80  }
0x16: {  	[sflag:s12] =	ssyncset.done $0x0  }
0x17: {  	[sflag:s12] =	ssyncadd.s32 $0xFFFFB180  }
0x18: {  	[tilespmem:s13], [sflag:$0x2] =	stream.linear.gather [hbm4b:s8+s3], $0x4E80, $0x38;
	[tilespmem:$0x15B00] =	vst v63  }
0x19: {  	_ =	swait.ge [sflag:s12], $0x4E80  }
0x1a: {  	[sflag:s12] =	ssyncset.done $0x0  }
0x1b: {  	[sflag:s12] =	ssyncadd.s32 $0xFFFFB180  }
0x1c: {  	s18 =	simm.s32 $0x0;
	[bflag:$0x0] =	sbarrier.arrive $0xFFFF  }
0x1d: {  	[tilespmem:s15], [sflag:$0x1] =	stream.indirect.gather [hbm4b:s4+s14], $0x40, s18, s14, $0xb8;
	[tilespmem:$0x15B00] =	vst v63  }
0x1e: {  	_ =	swait.ge [sflag:s16], $0x2000  }
0x1f: {  	[sflag:s16] =	ssyncset.done $0x0  }
0x20: {  	s31 =	simm.s32 $0x4E80;
	[sflag:s16] =	ssyncadd.s32 $0xFFFFE000  }
0x21: {  	[spmem:s2] =	stream.indirect.scatter.add.f32 [tilespmem:s15], [sflag:$0x2], $0x40, s31, s14, $0xb8;
	[tilespmem:$0x15B00] =	vst v63  }
0x22: {  	_ =	swait.ge [sflag:s12], $0x2000  }
0x23: {  	s19 =	simm.s32 $0x400;
	s18 =	simm.s32 $0x200;
	[sflag:s12] =	ssyncset.done $0x0  }
.LBB2_2:
0x24: {  	s20 =	sshra.s32 s18, $0x2  }
0x25: {  	[sflag:s12] =	ssyncadd.s32 $0xFFFFE000;
	s18 =	smov.u32 s19;
	s21 =	sadd.s32 $0x200, s19  }
0x26: {  	[tilespmem:s15], [sflag:$0x1] =	stream.indirect.gather [hbm4b:s4+s14], $0x40, s20, s14, $0xb8;
	[tilespmem:$0x15B00] =	vst v63  }
0x27: {  	p0 =	sne.s32 s19, $0x13800;
	_ =	swait.ge [sflag:s16], $0x2000  }
.Ltmp0:
0x28: {  	[sflag:s16] =	ssyncset.done $0x0;
	(pc) =	sbr.rel @p0 .LBB2_2-.Ltmp0, $4  }
0x29: {  	s19 =	sadd.s32 $0x4E80, s20;
	[sflag:s16] =	ssyncadd.s32 $0xFFFFE000  }
0x2a: {  	[spmem:s2] =	stream.indirect.scatter.add.f32 [tilespmem:s15], [sflag:$0x2], $0x40, s19, s14, $0xb8;
	[tilespmem:$0x15B00] =	vst v63  }
0x2b: {  	_ =	swait.ge [sflag:s12], $0x2000  }
0x2c: {  	s19 =	smov.u32 s21;
	[sflag:s12] =	ssyncset.done $0x0  }
0x2d: {  	s18 =	sshra.s32 s18, $0x2;
	[sflag:s12] =	ssyncadd.s32 $0xFFFFE000  }
0x2e: {  	[tilespmem:s15], [sflag:$0x1] =	stream.indirect.gather [hbm4b:s4+s14], $0x40, s18, s14, $0xb8;
	[tilespmem:$0x15B00] =	vst v63  }
0x2f: {  	_ =	swait.ge [sflag:s16], $0x2000  }
0x30: {  	[sflag:s16] =	ssyncset.done $0x0  }
0x31: {  	s18 =	sadd.s32 $0x4E80, s18;
	[sflag:s16] =	ssyncadd.s32 $0xFFFFE000  }
0x32: {  	[spmem:s2] =	stream.indirect.scatter.add.f32 [tilespmem:s15], [sflag:$0x2], $0x40, s18, s14, $0xb8;
	[tilespmem:$0x15B00] =	vst v63  }
0x33: {  	_ =	swait.ge [sflag:s12], $0x2000  }
0x34: {  	s17 =	sadd.s32 $0x1, s17;
	[sflag:s12] =	ssyncset.done $0x0  }
0x35: {  	p0 =	sne.s32 s17, s10;
	[sflag:s12] =	ssyncadd.s32 $0xFFFFE000  }
.Ltmp1:
0x36: {  	[bflag:$0x0] =	sbarrier.arrive $0xFFFF;
	(pc) =	sbr.rel @p0 .LBB2_1-.Ltmp1, $4  }
0x37: {  	[hbm:s9], [sflag:s6] =	dma.local [spmem:s11], $0x13C0  }
0x38: {  	_ =	swait.ge [sflag:s12], $0x13C0  }
0x39: {  	[sflag:s12] =	ssyncset.done $0x0  }
0x3a: {  	[sflag:s12] =	ssyncadd.s32 $0xFFFFEC40  }
0x3b: {  	_ =	sfence.sel $0x180000  }
0x3c: {  	[bflag:$0x0] =	sbarrier.arrive $0xFFFF  }
0x3d: {  	p0 =	sne.s32 s0, $0x0;
	_ =	strace $0x90000059  }
0x3e: {  	s0 =	sadd.s32 @!p0 $0x100000, s1;
	[bflag:$0x2] =	sbarrier.arrive $0xFFFF  }
0x3f: {  	[sflag:s0] =	ssyncadd.tile.s32 @!p0 $0x1;
	_ =	shalt  }
.Lfunc_end2:
_tile_overlayer_lowered:
.L_overlay_start_2:
0x40: {  	(tag) =	ssettag $0x2  }
0x41: {  	s0 =	rddreg [dreg:$0x0];
	s2 =	stileid.u32  }
0x42: {  	s1 =	rddreg [dreg:$0x1];
	p0 =	sne.s32 s2, $0x0  }
0x43: {  	s3 =	rddreg [dreg:$0x2];
	[bflag:$0x3] =	sbarrier.arrive $0xFFFF;
	s2 =	simm.s32 @!p0 $0x1C02  }
0x44: {  	[timem:s3], [sflag:s2] =	dma.local @!p0 [hbm:s0], s1  }
0x45: {  	s0 =	simm.s32 @!p0 $0x2  }
0x46: {  	_ =	swait.ge @!p0 [sflag:s0], s1  }
0x47: {  	s1 =	ssub.s32 @!p0 $0x0, s1;
	[sflag:s0] =	ssyncset.done @!p0 $0x0  }
0x48: {  	[sflag:s0] =	ssyncadd.s32 @!p0 s1  }
0x49: {  	[bflag:$0x3] =	sbarrier.arrive $0xFFFF  }
0x4a: {  	_ =	shalt  }

</sc_bundles>
